<compile_context>
chip_gen: v7x
topology: tpu7x:2x2x1
jax: 0.10.2.dev20260603
libtpu: 0.0.44.dev20260713+nightly
codegen_flags: <defaults>
</compile_context>

<pallas_src>
import functools

import jax
import jax.numpy as jnp
from jax import lax
from jax.experimental import pallas as pl
from jax.experimental.pallas import tpu as pltpu
from jax.experimental.pallas import tpu_sc as plsc

N = 10000
E = 320000
D = 128
H = 64
G = 64
BN_EPS = 1e-3
EPS = 1e-5

_NC = 2
_NS = 16
_LANE = 64
_NW = _NC * _NS
_RPW = 160
_ROWS = _RPW * _NW
_EPAD = _ROWS * _LANE - E
_NACC = N + 8
_TPT = 632
_TPT_LAST = _NACC - 15 * _TPT
_WB_LAST = N - 15 * _TPT

_BLK = 2000
_NBLK = N // _BLK


def _make_edge_agg(W):
  mesh = plsc.VectorSubcoreMesh(core_axis_name="c", subcore_axis_name="s",
                                num_cores=_NC, num_subcores=_NS)

  @functools.partial(
      pl.kernel,
      mesh=mesh,
      out_type=jax.ShapeDtypeStruct((_NC, N, W), jnp.float32),
      scratch_types=[
          pltpu.VMEM((_RPW, _LANE), jnp.int32),
          pltpu.VMEM((_RPW, _LANE), jnp.int32),
          pltpu.VMEM((4, _LANE, W), jnp.float32),
          pltpu.VMEM_SHARED((_NACC, W), jnp.float32),
          pltpu.VMEM_SHARED((N, W), jnp.float32),
          pltpu.SemaphoreType.DMA((4,)),
          pltpu.SemaphoreType.DMA((4,)),
      ],
      name="edge_agg_w%d" % W,
      compiler_params=pltpu.CompilerParams(use_tc_tiling_on_sc=False),
  )
  def edge_agg(hw_hbm, col_hbm, row_hbm, zero_hbm, out_hbm,
               col_v, row_v, gbuf, acc, tbl, sem, sem2):
    c = lax.axis_index("c")
    s = lax.axis_index("s")
    wid = c * _NS + s

    @pl.when(s < _NS - 1)
    def _():
      pltpu.sync_copy(zero_hbm.at[pl.ds(s * _TPT, _TPT)],
                      acc.at[pl.ds(s * _TPT, _TPT)])
      pltpu.sync_copy(hw_hbm.at[pl.ds(s * _TPT, _TPT)],
                      tbl.at[pl.ds(s * _TPT, _TPT)])

    @pl.when(s == _NS - 1)
    def _():
      pltpu.sync_copy(zero_hbm.at[pl.ds(15 * _TPT, _TPT_LAST)],
                      acc.at[pl.ds(15 * _TPT, _TPT_LAST)])
      pltpu.sync_copy(hw_hbm.at[pl.ds(15 * _TPT, _WB_LAST)],
                      tbl.at[pl.ds(15 * _TPT, _WB_LAST)])

    base = wid * _RPW
    pltpu.sync_copy(col_hbm.at[pl.ds(base, _RPW)], col_v)
    pltpu.sync_copy(row_hbm.at[pl.ds(base, _RPW)], row_v)

    plsc.subcore_barrier()

    pltpu.async_copy(tbl.at[col_v.at[0]], gbuf.at[0], sem.at[0])
    pltpu.async_copy(tbl.at[col_v.at[1]], gbuf.at[1], sem.at[1])
    pltpu.async_copy(tbl.at[col_v.at[2]], gbuf.at[2], sem.at[2])

    def body(i, carry):
      p = lax.rem(i, 4)
      pltpu.make_async_copy(tbl.at[col_v.at[i]], gbuf.at[p],
                            sem.at[p]).wait()
      pltpu.async_copy(gbuf.at[p], acc.at[row_v.at[i]], sem2.at[p], add=True)

      @pl.when(i >= 3)
      def _():
        pm = lax.rem(i + 1, 4)
        pltpu.make_async_copy(gbuf.at[pm], acc.at[row_v.at[i - 3]],
                              sem2.at[pm]).wait()

      @pl.when(i + 3 < _RPW)
      def _():
        p3 = lax.rem(i + 3, 4)
        pltpu.async_copy(tbl.at[col_v.at[i + 3]], gbuf.at[p3], sem.at[p3])

      return carry

    lax.fori_loop(0, _RPW, body, 0)
    for j in (_RPW - 3, _RPW - 2, _RPW - 1):
      pltpu.make_async_copy(gbuf.at[j % 4], acc.at[row_v.at[j]],
                            sem2.at[j % 4]).wait()

    plsc.subcore_barrier()

    @pl.when(s < _NS - 1)
    def _():
      pltpu.sync_copy(acc.at[pl.ds(s * _TPT, _TPT)],
                      out_hbm.at[c, pl.ds(s * _TPT, _TPT)])

    @pl.when(s == _NS - 1)
    def _():
      pltpu.sync_copy(acc.at[pl.ds(15 * _TPT, _WB_LAST)],
                      out_hbm.at[c, pl.ds(15 * _TPT, _WB_LAST)])

  return edge_agg


@functools.lru_cache(maxsize=None)
def _edge_agg(W):
  return _make_edge_agg(W)


def _mm_body(x_ref, w_ref, o_ref):
  o_ref[...] = jnp.dot(x_ref[...], w_ref[...], precision=lax.Precision.HIGHEST,
                       preferred_element_type=jnp.float32)


def _matmul(x, w):
  m, k = x.shape
  _, n = w.shape
  return pl.pallas_call(
      _mm_body,
      grid=(_NBLK,),
      in_specs=[pl.BlockSpec((_BLK, k), lambda i: (i, 0)),
                pl.BlockSpec((k, n), lambda i: (0, 0))],
      out_specs=pl.BlockSpec((_BLK, n), lambda i: (i, 0)),
      out_shape=jax.ShapeDtypeStruct((m, n), jnp.float32),
  )(x, w)


def _relu_sum_body(a_ref, b_ref, o_ref):
  o_ref[...] = jnp.maximum(a_ref[0] + a_ref[1] + b_ref[...], 0.0)


def _relu_sum(agg, b):
  k = agg.shape[2]
  return pl.pallas_call(
      _relu_sum_body,
      grid=(_NBLK,),
      in_specs=[pl.BlockSpec((_NC, _BLK, k), lambda i: (0, i, 0)),
                pl.BlockSpec((1, k), lambda i: (0, 0))],
      out_specs=pl.BlockSpec((_BLK, k), lambda i: (i, 0)),
      out_shape=jax.ShapeDtypeStruct((N, k), jnp.float32),
  )(agg, b)


def _poolx_body(x_ref, seg_ref, o_ref, cnt, xsum, xsq, xmax, xmin):
  i = pl.program_id(0)

  @pl.when(i == 0)
  def _():
    cnt[...] = jnp.zeros_like(cnt)
    xsum[...] = jnp.zeros_like(xsum)
    xsq[...] = jnp.zeros_like(xsq)
    xmax[...] = jnp.full_like(xmax, -jnp.inf)
    xmin[...] = jnp.full_like(xmin, jnp.inf)

  x = x_ref[...]
  seg = seg_ref[...]
  gio = lax.broadcasted_iota(jnp.int32, (_BLK, G), 1)
  onehot = (seg == gio).astype(jnp.float32)
  ones = jnp.ones((_BLK, D), jnp.float32)
  dn = (((0,), (0,)), ((), ()))
  cnt[...] += lax.dot_general(onehot, ones, dn, precision=lax.Precision.HIGHEST,
                              preferred_element_type=jnp.float32)
  xsum[...] += lax.dot_general(onehot, x, dn, precision=lax.Precision.HIGHEST,
                               preferred_element_type=jnp.float32)
  xsq[...] += lax.dot_general(onehot, x * x, dn, precision=lax.Precision.HIGHEST,
                              preferred_element_type=jnp.float32)

  g_lo = seg_ref[0, 0]
  g_hi = seg_ref[_BLK - 1, 0]
  rio = lax.broadcasted_iota(jnp.int32, (G, 1), 0)

  def gbody(g, carry):
    m = seg == g
    mx = jnp.max(jnp.where(m, x, -jnp.inf), axis=0, keepdims=True)
    mn = jnp.min(jnp.where(m, x, jnp.inf), axis=0, keepdims=True)
    rs = rio == g
    xmax[...] = jnp.where(rs, jnp.maximum(xmax[...], mx), xmax[...])
    xmin[...] = jnp.where(rs, jnp.minimum(xmin[...], mn), xmin[...])
    return carry

  lax.fori_loop(g_lo, g_hi + 1, gbody, 0)

  @pl.when(i == _NBLK - 1)
  def _():
    o_ref[:, 0:128] = xsum[...]
    o_ref[:, 128:256] = xsq[...]
    o_ref[:, 256:384] = xmax[...]
    o_ref[:, 384:512] = xmin[...]
    o_ref[:, 512:640] = cnt[...]


def _pool_x(x, seg2):
  return pl.pallas_call(
      _poolx_body,
      grid=(_NBLK,),
      in_specs=[pl.BlockSpec((_BLK, D), lambda i: (i, 0)),
                pl.BlockSpec((_BLK, 1), lambda i: (i, 0))],
      out_specs=pl.BlockSpec((G, 640), lambda i: (0, 0)),
      out_shape=jax.ShapeDtypeStruct((G, 640), jnp.float32),
      scratch_shapes=[pltpu.VMEM((G, D), jnp.float32)] * 5,
  )(x, seg2)


def _fin_body(agg_ref, w_ref, b_ref, seg_ref, xs_ref, *refs):
  (d0w, d0b, g0, be0, m0, v0,
   d1w, d1b, g1, be1, m1, v1,
   d2w, d2b, g2, be2, m2, v2,
   l0w, l0b, l1w, l1b, l2w, l2b,
   a0w, a0b, a1w, a1b, a2w, a2b, asw, asb,
   s0w, s0b, s1w, s1b, s2w, s2b, o_ref, hmax, hsum) = refs
  i = pl.program_id(0)

  @pl.when(i == 0)
  def _():
    hsum[...] = jnp.zeros_like(hsum)
    hmax[...] = jnp.full_like(hmax, -jnp.inf)

  h = jnp.maximum(
      jnp.dot(agg_ref[0] + agg_ref[1], w_ref[...], precision=lax.Precision.HIGHEST,
              preferred_element_type=jnp.float32) + b_ref[...], 0.0)
  seg = seg_ref[...]
  gio = lax.broadcasted_iota(jnp.int32, (_BLK, G), 1)
  onehot = (seg == gio).astype(jnp.float32)
  dn = (((0,), (0,)), ((), ()))
  hsum[...] += lax.dot_general(onehot, h, dn, precision=lax.Precision.HIGHEST,
                               preferred_element_type=jnp.float32)

  g_lo = seg_ref[0, 0]
  g_hi = seg_ref[_BLK - 1, 0]
  rio = lax.broadcasted_iota(jnp.int32, (G, 1), 0)

  def gbody(g, carry):
    m = seg == g
    mh = jnp.max(jnp.where(m, h, -jnp.inf), axis=0, keepdims=True)
    rs = rio == g
    hmax[...] = jnp.where(rs, jnp.maximum(hmax[...], mh), hmax[...])
    return carry

  lax.fori_loop(g_lo, g_hi + 1, gbody, 0)

  @pl.when(i == _NBLK - 1)
  def _():
    xsum = xs_ref[:, 0:128]
    xsq = xs_ref[:, 128:256]
    xmax = xs_ref[:, 256:384]
    xmin = xs_ref[:, 384:512]
    c = jnp.maximum(xs_ref[:, 512:640], 1.0)
    avg = xsum / c
    var = jnp.abs(xsq / c - avg * avg)
    z = jnp.concatenate(
        [hmax[...], hsum[...] / c, hsum[...], avg, var, xmax, xmin], axis=1)

    for (w, b, gm, bt, mu, vr) in ((d0w, d0b, g0, be0, m0, v0),
                                   (d1w, d1b, g1, be1, m1, v1),
                                   (d2w, d2b, g2, be2, m2, v2)):
      z = jnp.dot(z, w[...], precision=lax.Precision.HIGHEST,
              preferred_element_type=jnp.float32) + b[...]
      z = jnp.where(z >= 0, z, 0.15 * z)
      z = ((z - mu[...]) / jnp.sqrt(vr[...] + BN_EPS)) * gm[...] + bt[...]

    def dense(t, w, b):
      return jnp.dot(t, w[...], precision=lax.Precision.HIGHEST,
                     preferred_element_type=jnp.float32) + b[...]

    x_loge = dense(dense(dense(z, l0w, l0b), l1w, l1b), l2w, l2b)
    x_ang = dense(dense(dense(z, a0w, a0b), a1w, a1b), a2w, a2b)
    zeniazi = jax.nn.sigmoid(dense(x_ang, asw, asb))
    x_sigs = jnp.abs(
        dense(dense(dense(z, s0w, s0b), s1w, s1b), s2w, s2b)) + EPS

    o_ref[:, 0:1] = x_loge
    o_ref[:, 1:2] = zeniazi[:, 0:1] * jnp.float32(jnp.pi)
    o_ref[:, 2:3] = zeniazi[:, 1:2] * jnp.float32(2.0 * jnp.pi)
    o_ref[:, 3:5] = x_sigs


def _full_spec(shape):
  return pl.BlockSpec(shape, lambda i: tuple(0 for _ in shape))


def _finale(agg, w1, b1, seg2, xstats, p):
  args = [agg, w1, b1, seg2, xstats]
  for li in range(3):
    args += [p['dec%d_w' % li], p['dec%d_b' % li][None, :],
             p['bn%d_gamma' % li][None, :], p['bn%d_beta' % li][None, :],
             p['bn%d_mean' % li][None, :], p['bn%d_var' % li][None, :]]
  for name in ('loge0', 'loge1', 'loge_out',
               'ang0', 'ang1', 'ang_out', 'ang_scale',
               'sig0', 'sig1', 'sig_out'):
    args += [p[name + '_w'], p[name + '_b'][None, :]]
  in_specs = [pl.BlockSpec((_NC, _BLK, H), lambda i: (0, i, 0)),
              _full_spec((H, D)),
              _full_spec((1, D)),
              pl.BlockSpec((_BLK, 1), lambda i: (i, 0)),
              _full_spec((G, 640))]
  in_specs += [_full_spec(a.shape) for a in args[5:]]
  return pl.pallas_call(
      _fin_body,
      grid=(_NBLK,),
      in_specs=in_specs,
      out_specs=pl.BlockSpec((G, 5), lambda i: (0, 0)),
      out_shape=jax.ShapeDtypeStruct((G, 5), jnp.float32),
      scratch_shapes=[pltpu.VMEM((G, D), jnp.float32)] * 2,
  )(*args)


def kernel(x, edge_index, segment_ids, params):
  pad_col = (jnp.arange(_EPAD, dtype=jnp.int32) * 37) % N
  pad_row = N + (jnp.arange(_EPAD, dtype=jnp.int32) % 8)
  row2 = jnp.concatenate([edge_index[0], pad_row]).reshape(_ROWS, _LANE)
  col2 = jnp.concatenate([edge_index[1], pad_col]).reshape(_ROWS, _LANE)
  seg2 = segment_ids[:, None]
  zero_h = jnp.zeros((_NACC, H), jnp.float32)

  hw0 = _matmul(x, params['gcn0_w'])
  agg0 = _edge_agg(H)(hw0, col2, row2, zero_h)
  h1 = _relu_sum(agg0, params['gcn0_b'][None, :])
  agg1 = _edge_agg(H)(h1, col2, row2, zero_h)
  xstats = _pool_x(x, seg2)
  return _finale(agg1, params['gcn1_w'], params['gcn1_b'][None, :], seg2,
                 xstats, params)

# --- scband reference (transcript-rebuilt; emitter-appended) ---
"""Pipeline reference for scband-gcn-3015067042504 (READ-ONLY COPY).

The authoritative reference and input builder live on the scoring server;
editing this copy changes nothing except your own understanding.
"""

import jax, jax.numpy as jnp
import numpy as np

N = 10000
E = 320000
D = 128
H = 64
G = 64
BN_EPS = 1e-3
EPS = 1e-5
DEC_DIMS = [128, 256, 512]
HEAD_SPECS = [('loge0', 512, 64), ('loge1', 64, 64), ('loge_out', 64, 1), ('ang0', 512, 64), ('ang1', 64, 64), ('ang_out', 64, 2), ('ang_scale', 2, 2), ('sig0', 512, 64), ('sig1', 64, 64), ('sig_out', 64, 2)]

def _glorot(key, shape):
    limit = float(np.sqrt(6.0 / (shape[0] + shape[1])))
    return jax.random.uniform(key, shape, minval=-limit, maxval=limit, dtype=jnp.float32)

def setup_inputs(seed: int = 0):
    key = jax.random.key(seed)
    k = [jax.random.fold_in(key, i) for i in range(64)]
    x = jax.random.normal(k[0], (N, D), dtype=jnp.float32)
    edge_index = jax.random.randint(k[1], (2, E), 0, N, dtype=jnp.int32)
    segment_ids = jnp.sort(jax.random.randint(k[2], (N,), 0, G, dtype=jnp.int32))
    params = {}
    params['gcn0_w'] = _glorot(k[3], (D, H))
    params['gcn0_b'] = jnp.zeros((H,), jnp.float32)
    params['gcn1_w'] = _glorot(k[4], (H, 2 * H))
    params['gcn1_b'] = jnp.zeros((2 * H,), jnp.float32)
    in_dim = 3 * (2 * H) + 4 * D
    for li, dd in enumerate(DEC_DIMS):
        params['dec%d_w' % li] = _glorot(k[5 + li], (in_dim, dd))
        params['dec%d_b' % li] = jnp.zeros((dd,), jnp.float32)
        params['bn%d_gamma' % li] = jnp.ones((dd,), jnp.float32)
        params['bn%d_beta' % li] = jnp.zeros((dd,), jnp.float32)
        params['bn%d_mean' % li] = jnp.zeros((dd,), jnp.float32)
        params['bn%d_var' % li] = jnp.ones((dd,), jnp.float32)
        in_dim = dd
    for j, (name, fi, fo) in enumerate(HEAD_SPECS):
        params[name + '_w'] = _glorot(k[16 + j], (fi, fo))
        params[name + '_b'] = jnp.zeros((fo,), jnp.float32)
    return {'x': x, 'edge_index': edge_index, 'segment_ids': segment_ids, 'params': params}

def _forward(x, params, edge_index, segment_ids):
    row = edge_index[0]
    col = edge_index[1]
    ones = jnp.ones((x.shape[0],), jnp.float32)
    counts = jnp.maximum(jax.ops.segment_sum(ones, segment_ids, num_segments=G), 1.0)[:, None]
    glob_avg = jax.ops.segment_sum(x, segment_ids, num_segments=G) / counts
    glob_var = jnp.abs(jax.ops.segment_sum(x * x, segment_ids, num_segments=G) / counts - glob_avg * glob_avg)
    glob_max = jax.ops.segment_max(x, segment_ids, num_segments=G)
    glob_min = jax.ops.segment_min(x, segment_ids, num_segments=G)
    xglob = jnp.concatenate([glob_avg, glob_var, glob_max, glob_min], axis=1)
    h = x
    for li in range(2):
        w = params['gcn%d_w' % li]
        b = params['gcn%d_b' % li]
        hw = h @ w
        agg = jnp.zeros((h.shape[0], hw.shape[1]), hw.dtype).at[row].add(jnp.take(hw, col, axis=0))
        h = jax.nn.relu(agg + b)
    x1 = jax.ops.segment_max(h, segment_ids, num_segments=G)
    x2 = jax.ops.segment_sum(h, segment_ids, num_segments=G) / counts
    x3 = jax.ops.segment_sum(h, segment_ids, num_segments=G)
    z = jnp.concatenate([x1, x2, x3, xglob], axis=1)
    for li in range(3):
        z = z @ params['dec%d_w' % li] + params['dec%d_b' % li]
        z = jnp.where(z >= 0, z, 0.15 * z)
        z = (z - params['bn%d_mean' % li]) / jnp.sqrt(params['bn%d_var' % li] + BN_EPS) * params['bn%d_gamma' % li] + params['bn%d_beta' % li]
    def dense(t, name):
        return t @ params[name + '_w'] + params[name + '_b']
    x_loge = dense(dense(dense(z, 'loge0'), 'loge1'), 'loge_out')
    x_ang = dense(dense(dense(z, 'ang0'), 'ang1'), 'ang_out')
    zeniazi = jax.nn.sigmoid(dense(x_ang, 'ang_scale'))
    x_sigs = jnp.abs(dense(dense(dense(z, 'sig0'), 'sig1'), 'sig_out')) + EPS
    xs = jnp.stack([x_loge[:, 0], zeniazi[:, 0] * np.pi, zeniazi[:, 1] * 2.0 * np.pi], axis=1)
    return jnp.concatenate([xs, x_sigs], axis=1)

def reference(x, edge_index, segment_ids, params):
    return _forward(x, params, edge_index, segment_ids)

if __name__ == "__main__":
    import jax
    _d = setup_inputs()
    print(jax.jit(kernel)(*tuple(_d.values())))

</pallas_src>

<mosaic_0001>
#map = affine_map<(d0, d1) -> (0, 0)>
#map1 = affine_map<(d0, d1) -> (0, 0, 0)>
module attributes {stable_mosaic.version = 14 : i64} {
  func.func @edge_agg_w64(%arg0: i32, %arg1: i32, %arg2: memref<10000x64xf32, #tpu.memory_space<hbm>>, %arg3: memref<5120x64xi32, #tpu.memory_space<hbm>>, %arg4: memref<5120x64xi32, #tpu.memory_space<hbm>>, %arg5: memref<10008x64xf32, #tpu.memory_space<hbm>>, %arg6: memref<2x10000x64xf32, #tpu.memory_space<hbm>>, %arg7: memref<160x64xi32, #tpu.memory_space<vmem>>, %arg8: memref<160x64xi32, #tpu.memory_space<vmem>>, %arg9: memref<4x64x64xf32, #tpu.memory_space<vmem>>, %arg10: memref<10008x64xf32, #tpu.memory_space<vmem_shared>>, %arg11: memref<10000x64xf32, #tpu.memory_space<vmem_shared>>, %arg12: memref<4x!tpu.dma_semaphore, #tpu.memory_space<semaphore_mem>>, %arg13: memref<4x!tpu.dma_semaphore, #tpu.memory_space<semaphore_mem>>) attributes {dimension_semantics = [#tpu.dimension_semantics<core_parallel>, #tpu.dimension_semantics<subcore_parallel>], iteration_bounds = array<i64: 2, 16>, scalar_prefetch = 0 : i64, scratch_operands = 7 : i64, tpu.core_type = #tpu.core_type<sc_vector_subcore>, window_params = [{transform_indices = #map}, {transform_indices = #map}, {transform_indices = #map}, {transform_indices = #map}, {transform_indices = #map1}]} {
    %mul3A = arith.constant 16 : i32
    %mul3A_0 = arith.muli %arg0, %mul3A : i32
    %add3A = arith.addi %mul3A_0, %arg1 : i32
    %lt3A = arith.constant 15 : i32
    %lt3A_1 = arith.cmpi slt, %arg1, %lt3A : i32
    %convert_element_type3A = arith.extui %lt3A_1 : i1 to i32
    %cond3A = arith.constant 0 : i32
    %cond3A_2 = arith.cmpi ne, %convert_element_type3A, %cond3A : i32
    scf.if %cond3A_2 {
      %mul3A_113 = arith.constant 632 : i32
      %mul3A_114 = arith.muli %arg1, %mul3A_113 : i32
      %mul3A_115 = arith.constant 632 : i32
      %mul3A_116 = arith.muli %arg1, %mul3A_115 : i32
      "tpu.region"() ({
        %run_scoped3A = tpu.sem_alloc : memref<!tpu.dma_semaphore, #tpu.memory_space<semaphore_mem>>
        %dma_start3A_121 = arith.constant 0 : i32
        %dma_start3A_122 = tpu.memref_slice %arg10[%mul3A_116, %dma_start3A_121] : memref<10008x64xf32, #tpu.memory_space<vmem_shared>> -> memref<632x64xf32, #tpu.memory_space<vmem_shared>>
        %dma_start3A_123 = arith.constant 0 : i32
        %dma_start3A_124 = tpu.memref_slice %arg5[%mul3A_114, %dma_start3A_123] : memref<10008x64xf32, #tpu.memory_space<hbm>> -> memref<632x64xf32, #tpu.memory_space<hbm>>
        tpu.enqueue_dma source(%dma_start3A_124 : memref<632x64xf32, #tpu.memory_space<hbm>>) target(%dma_start3A_122 : memref<632x64xf32, #tpu.memory_space<vmem_shared>>) target_semaphore(%run_scoped3A : memref<!tpu.dma_semaphore, #tpu.memory_space<semaphore_mem>>)
        %dma_wait3A_125 = arith.constant 0 : i32
        %dma_wait3A_126 = tpu.memref_slice %arg10[%mul3A_116, %dma_wait3A_125] : memref<10008x64xf32, #tpu.memory_space<vmem_shared>> -> memref<632x64xf32, #tpu.memory_space<vmem_shared>>
        %dma_wait3A_127 = arith.constant 0 : i32
        %dma_wait3A_128 = tpu.memref_slice %arg5[%mul3A_114, %dma_wait3A_127] : memref<10008x64xf32, #tpu.memory_space<hbm>> -> memref<632x64xf32, #tpu.memory_space<hbm>>
        tpu.wait_dma2 semaphore(%run_scoped3A : memref<!tpu.dma_semaphore, #tpu.memory_space<semaphore_mem>>) src(%dma_wait3A_128 : memref<632x64xf32, #tpu.memory_space<hbm>>) dst(%dma_wait3A_126 : memref<632x64xf32, #tpu.memory_space<vmem_shared>>)
        tpu.yield
      }) : () -> ()
      %mul3A_117 = arith.constant 632 : i32
      %mul3A_118 = arith.muli %arg1, %mul3A_117 : i32
      %mul3A_119 = arith.constant 632 : i32
      %mul3A_120 = arith.muli %arg1, %mul3A_119 : i32
      "tpu.region"() ({
        %run_scoped3A = tpu.sem_alloc : memref<!tpu.dma_semaphore, #tpu.memory_space<semaphore_mem>>
        %dma_start3A_121 = arith.constant 0 : i32
        %dma_start3A_122 = tpu.memref_slice %arg11[%mul3A_120, %dma_start3A_121] : memref<10000x64xf32, #tpu.memory_space<vmem_shared>> -> memref<632x64xf32, #tpu.memory_space<vmem_shared>>
        %dma_start3A_123 = arith.constant 0 : i32
        %dma_start3A_124 = tpu.memref_slice %arg2[%mul3A_118, %dma_start3A_123] : memref<10000x64xf32, #tpu.memory_space<hbm>> -> memref<632x64xf32, #tpu.memory_space<hbm>>
        tpu.enqueue_dma source(%dma_start3A_124 : memref<632x64xf32, #tpu.memory_space<hbm>>) target(%dma_start3A_122 : memref<632x64xf32, #tpu.memory_space<vmem_shared>>) target_semaphore(%run_scoped3A : memref<!tpu.dma_semaphore, #tpu.memory_space<semaphore_mem>>)
        %dma_wait3A_125 = arith.constant 0 : i32
        %dma_wait3A_126 = tpu.memref_slice %arg11[%mul3A_120, %dma_wait3A_125] : memref<10000x64xf32, #tpu.memory_space<vmem_shared>> -> memref<632x64xf32, #tpu.memory_space<vmem_shared>>
        %dma_wait3A_127 = arith.constant 0 : i32
        %dma_wait3A_128 = tpu.memref_slice %arg2[%mul3A_118, %dma_wait3A_127] : memref<10000x64xf32, #tpu.memory_space<hbm>> -> memref<632x64xf32, #tpu.memory_space<hbm>>
        tpu.wait_dma2 semaphore(%run_scoped3A : memref<!tpu.dma_semaphore, #tpu.memory_space<semaphore_mem>>) src(%dma_wait3A_128 : memref<632x64xf32, #tpu.memory_space<hbm>>) dst(%dma_wait3A_126 : memref<632x64xf32, #tpu.memory_space<vmem_shared>>)
        tpu.yield
      }) : () -> ()
    } else {
    }
    %eq3A = arith.constant 15 : i32
    %eq3A_3 = arith.cmpi eq, %arg1, %eq3A : i32
    %convert_element_type3A_4 = arith.extui %eq3A_3 : i1 to i32
    %cond3A_5 = arith.constant 0 : i32
    %cond3A_6 = arith.cmpi ne, %convert_element_type3A_4, %cond3A_5 : i32
    scf.if %cond3A_6 {
      "tpu.region"() ({
        %run_scoped3A = tpu.sem_alloc : memref<!tpu.dma_semaphore, #tpu.memory_space<semaphore_mem>>
        %dma_start3A_113 = arith.constant 9480 : i32
        %dma_start3A_114 = arith.constant 0 : i32
        %dma_start3A_115 = tpu.memref_slice %arg10[%dma_start3A_113, %dma_start3A_114] : memref<10008x64xf32, #tpu.memory_space<vmem_shared>> -> memref<528x64xf32, #tpu.memory_space<vmem_shared>>
        %dma_start3A_116 = arith.constant 9480 : i32
        %dma_start3A_117 = arith.constant 0 : i32
        %dma_start3A_118 = tpu.memref_slice %arg5[%dma_start3A_116, %dma_start3A_117] : memref<10008x64xf32, #tpu.memory_space<hbm>> -> memref<528x64xf32, #tpu.memory_space<hbm>>
        tpu.enqueue_dma source(%dma_start3A_118 : memref<528x64xf32, #tpu.memory_space<hbm>>) target(%dma_start3A_115 : memref<528x64xf32, #tpu.memory_space<vmem_shared>>) target_semaphore(%run_scoped3A : memref<!tpu.dma_semaphore, #tpu.memory_space<semaphore_mem>>)
        %dma_wait3A_119 = arith.constant 9480 : i32
        %dma_wait3A_120 = arith.constant 0 : i32
        %dma_wait3A_121 = tpu.memref_slice %arg10[%dma_wait3A_119, %dma_wait3A_120] : memref<10008x64xf32, #tpu.memory_space<vmem_shared>> -> memref<528x64xf32, #tpu.memory_space<vmem_shared>>
        %dma_wait3A_122 = arith.constant 9480 : i32
        %dma_wait3A_123 = arith.constant 0 : i32
        %dma_wait3A_124 = tpu.memref_slice %arg5[%dma_wait3A_122, %dma_wait3A_123] : memref<10008x64xf32, #tpu.memory_space<hbm>> -> memref<528x64xf32, #tpu.memory_space<hbm>>
        tpu.wait_dma2 semaphore(%run_scoped3A : memref<!tpu.dma_semaphore, #tpu.memory_space<semaphore_mem>>) src(%dma_wait3A_124 : memref<528x64xf32, #tpu.memory_space<hbm>>) dst(%dma_wait3A_121 : memref<528x64xf32, #tpu.memory_space<vmem_shared>>)
        tpu.yield
      }) : () -> ()
      "tpu.region"() ({
        %run_scoped3A = tpu.sem_alloc : memref<!tpu.dma_semaphore, #tpu.memory_space<semaphore_mem>>
        %dma_start3A_113 = arith.constant 9480 : i32
        %dma_start3A_114 = arith.constant 0 : i32
        %dma_start3A_115 = tpu.memref_slice %arg11[%dma_start3A_113, %dma_start3A_114] : memref<10000x64xf32, #tpu.memory_space<vmem_shared>> -> memref<520x64xf32, #tpu.memory_space<vmem_shared>>
        %dma_start3A_116 = arith.constant 9480 : i32
        %dma_start3A_117 = arith.constant 0 : i32
        %dma_start3A_118 = tpu.memref_slice %arg2[%dma_start3A_116, %dma_start3A_117] : memref<10000x64xf32, #tpu.memory_space<hbm>> -> memref<520x64xf32, #tpu.memory_space<hbm>>
        tpu.enqueue_dma source(%dma_start3A_118 : memref<520x64xf32, #tpu.memory_space<hbm>>) target(%dma_start3A_115 : memref<520x64xf32, #tpu.memory_space<vmem_shared>>) target_semaphore(%run_scoped3A : memref<!tpu.dma_semaphore, #tpu.memory_space<semaphore_mem>>)
        %dma_wait3A_119 = arith.constant 9480 : i32
        %dma_wait3A_120 = arith.constant 0 : i32
        %dma_wait3A_121 = tpu.memref_slice %arg11[%dma_wait3A_119, %dma_wait3A_120] : memref<10000x64xf32, #tpu.memory_space<vmem_shared>> -> memref<520x64xf32, #tpu.memory_space<vmem_shared>>
        %dma_wait3A_122 = arith.constant 9480 : i32
        %dma_wait3A_123 = arith.constant 0 : i32
        %dma_wait3A_124 = tpu.memref_slice %arg2[%dma_wait3A_122, %dma_wait3A_123] : memref<10000x64xf32, #tpu.memory_space<hbm>> -> memref<520x64xf32, #tpu.memory_space<hbm>>
        tpu.wait_dma2 semaphore(%run_scoped3A : memref<!tpu.dma_semaphore, #tpu.memory_space<semaphore_mem>>) src(%dma_wait3A_124 : memref<520x64xf32, #tpu.memory_space<hbm>>) dst(%dma_wait3A_121 : memref<520x64xf32, #tpu.memory_space<vmem_shared>>)
        tpu.yield
      }) : () -> ()
    } else {
    }
    %mul3A_7 = arith.constant 160 : i32
    %mul3A_8 = arith.muli %add3A, %mul3A_7 : i32
    "tpu.region"() ({
      %run_scoped3A = tpu.sem_alloc : memref<!tpu.dma_semaphore, #tpu.memory_space<semaphore_mem>>
      %dma_start3A_113 = arith.constant 0 : i32
      %dma_start3A_114 = tpu.memref_slice %arg3[%mul3A_8, %dma_start3A_113] : memref<5120x64xi32, #tpu.memory_space<hbm>> -> memref<160x64xi32, #tpu.memory_space<hbm>>
      %dma_start3A_115 = arith.constant 0 : i32
      %dma_start3A_116 = tpu.memref_slice %arg3[%mul3A_8, %dma_start3A_115] : memref<5120x64xi32, #tpu.memory_space<hbm>> -> memref<160x64xi32, #tpu.memory_space<hbm>>
      tpu.enqueue_dma source(%dma_start3A_116 : memref<160x64xi32, #tpu.memory_space<hbm>>) target(%arg7 : memref<160x64xi32, #tpu.memory_space<vmem>>) target_semaphore(%run_scoped3A : memref<!tpu.dma_semaphore, #tpu.memory_space<semaphore_mem>>)
      %dma_wait3A_117 = arith.constant 0 : i32
      %dma_wait3A_118 = tpu.memref_slice %arg3[%mul3A_8, %dma_wait3A_117] : memref<5120x64xi32, #tpu.memory_space<hbm>> -> memref<160x64xi32, #tpu.memory_space<hbm>>
      %dma_wait3A_119 = arith.constant 0 : i32
      %dma_wait3A_120 = tpu.memref_slice %arg3[%mul3A_8, %dma_wait3A_119] : memref<5120x64xi32, #tpu.memory_space<hbm>> -> memref<160x64xi32, #tpu.memory_space<hbm>>
      tpu.wait_dma2 semaphore(%run_scoped3A : memref<!tpu.dma_semaphore, #tpu.memory_space<semaphore_mem>>) src(%dma_wait3A_120 : memref<160x64xi32, #tpu.memory_space<hbm>>) dst(%arg7 : memref<160x64xi32, #tpu.memory_space<vmem>>)
      tpu.yield
    }) : () -> ()
    "tpu.region"() ({
      %run_scoped3A = tpu.sem_alloc : memref<!tpu.dma_semaphore, #tpu.memory_space<semaphore_mem>>
      %dma_start3A_113 = arith.constant 0 : i32
      %dma_start3A_114 = tpu.memref_slice %arg4[%mul3A_8, %dma_start3A_113] : memref<5120x64xi32, #tpu.memory_space<hbm>> -> memref<160x64xi32, #tpu.memory_space<hbm>>
      %dma_start3A_115 = arith.constant 0 : i32
      %dma_start3A_116 = tpu.memref_slice %arg4[%mul3A_8, %dma_start3A_115] : memref<5120x64xi32, #tpu.memory_space<hbm>> -> memref<160x64xi32, #tpu.memory_space<hbm>>
      tpu.enqueue_dma source(%dma_start3A_116 : memref<160x64xi32, #tpu.memory_space<hbm>>) target(%arg8 : memref<160x64xi32, #tpu.memory_space<vmem>>) target_semaphore(%run_scoped3A : memref<!tpu.dma_semaphore, #tpu.memory_space<semaphore_mem>>)
      %dma_wait3A_117 = arith.constant 0 : i32
      %dma_wait3A_118 = tpu.memref_slice %arg4[%mul3A_8, %dma_wait3A_117] : memref<5120x64xi32, #tpu.memory_space<hbm>> -> memref<160x64xi32, #tpu.memory_space<hbm>>
      %dma_wait3A_119 = arith.constant 0 : i32
      %dma_wait3A_120 = tpu.memref_slice %arg4[%mul3A_8, %dma_wait3A_119] : memref<5120x64xi32, #tpu.memory_space<hbm>> -> memref<160x64xi32, #tpu.memory_space<hbm>>
      tpu.wait_dma2 semaphore(%run_scoped3A : memref<!tpu.dma_semaphore, #tpu.memory_space<semaphore_mem>>) src(%dma_wait3A_120 : memref<160x64xi32, #tpu.memory_space<hbm>>) dst(%arg8 : memref<160x64xi32, #tpu.memory_space<vmem>>)
      tpu.yield
    }) : () -> ()
    %barrier3A = arith.constant 0 : index
    tpu.barrier barrier_id(%barrier3A)
    %dma_start3A = arith.constant 0 : i32
    %dma_start3A_9 = arith.constant 0 : i32
    %dma_start3A_10 = arith.constant 0 : i32
    %dma_start3A_11 = arith.constant 0 : i32
    %dma_start3A_12 = arith.constant 0 : i32
    %dma_start3A_13 = tpu.memref_slice %arg9[%dma_start3A_9, %dma_start3A_11, %dma_start3A_12] : memref<4x64x64xf32, #tpu.memory_space<vmem>> -> memref<1x64x64xf32, #tpu.memory_space<vmem>>
    %dma_start3A_14 = tpu.memref_squeeze %dma_start3A_13 : memref<1x64x64xf32, #tpu.memory_space<vmem>> -> memref<64x64xf32, #tpu.memory_space<vmem>>
    %dma_start3A_15 = arith.constant 0 : i32
    %dma_start3A_16 = tpu.memref_slice %arg7[%dma_start3A, %dma_start3A_15] : memref<160x64xi32, #tpu.memory_space<vmem>> -> memref<1x64xi32, #tpu.memory_space<vmem>>
    %dma_start3A_17 = tpu.memref_squeeze %dma_start3A_16 : memref<1x64xi32, #tpu.memory_space<vmem>> -> memref<64xi32, #tpu.memory_space<vmem>>
    %dma_start3A_18 = arith.constant 0 : i32
    %dma_start3A_19 = arith.constant 0 : i32
    %dma_start3A_20 = tpu.memref_slice %arg11[%dma_start3A_18, %dma_start3A_19] : memref<10000x64xf32, #tpu.memory_space<vmem_shared>> -> memref<10000x64xf32, #tpu.memory_space<vmem_shared>>
    %dma_start3A_21 = tpu.memref_slice %arg12[%dma_start3A_10] : memref<4x!tpu.dma_semaphore, #tpu.memory_space<semaphore_mem>> -> memref<1x!tpu.dma_semaphore, #tpu.memory_space<semaphore_mem>>
    %dma_start3A_22 = tpu.memref_squeeze %dma_start3A_21 : memref<1x!tpu.dma_semaphore, #tpu.memory_space<semaphore_mem>> -> memref<!tpu.dma_semaphore, #tpu.memory_space<semaphore_mem>>
    tpu.enqueue_indirect_dma source(%dma_start3A_20 : memref<10000x64xf32, #tpu.memory_space<vmem_shared>>) target(%dma_start3A_14 : memref<64x64xf32, #tpu.memory_space<vmem>>) offsets(%dma_start3A_17 : memref<64xi32, #tpu.memory_space<vmem>>) semaphore(%dma_start3A_22 : memref<!tpu.dma_semaphore, #tpu.memory_space<semaphore_mem>>)
    %dma_start3A_23 = arith.constant 1 : i32
    %dma_start3A_24 = arith.constant 1 : i32
    %dma_start3A_25 = arith.constant 1 : i32
    %dma_start3A_26 = arith.constant 0 : i32
    %dma_start3A_27 = arith.constant 0 : i32
    %dma_start3A_28 = tpu.memref_slice %arg9[%dma_start3A_24, %dma_start3A_26, %dma_start3A_27] : memref<4x64x64xf32, #tpu.memory_space<vmem>> -> memref<1x64x64xf32, #tpu.memory_space<vmem>>
    %dma_start3A_29 = tpu.memref_squeeze %dma_start3A_28 : memref<1x64x64xf32, #tpu.memory_space<vmem>> -> memref<64x64xf32, #tpu.memory_space<vmem>>
    %dma_start3A_30 = arith.constant 0 : i32
    %dma_start3A_31 = tpu.memref_slice %arg7[%dma_start3A_23, %dma_start3A_30] : memref<160x64xi32, #tpu.memory_space<vmem>> -> memref<1x64xi32, #tpu.memory_space<vmem>>
    %dma_start3A_32 = tpu.memref_squeeze %dma_start3A_31 : memref<1x64xi32, #tpu.memory_space<vmem>> -> memref<64xi32, #tpu.memory_space<vmem>>
    %dma_start3A_33 = arith.constant 0 : i32
    %dma_start3A_34 = arith.constant 0 : i32
    %dma_start3A_35 = tpu.memref_slice %arg11[%dma_start3A_33, %dma_start3A_34] : memref<10000x64xf32, #tpu.memory_space<vmem_shared>> -> memref<10000x64xf32, #tpu.memory_space<vmem_shared>>
    %dma_start3A_36 = tpu.memref_slice %arg12[%dma_start3A_25] : memref<4x!tpu.dma_semaphore, #tpu.memory_space<semaphore_mem>> -> memref<1x!tpu.dma_semaphore, #tpu.memory_space<semaphore_mem>>
    %dma_start3A_37 = tpu.memref_squeeze %dma_start3A_36 : memref<1x!tpu.dma_semaphore, #tpu.memory_space<semaphore_mem>> -> memref<!tpu.dma_semaphore, #tpu.memory_space<semaphore_mem>>
    tpu.enqueue_indirect_dma source(%dma_start3A_35 : memref<10000x64xf32, #tpu.memory_space<vmem_shared>>) target(%dma_start3A_29 : memref<64x64xf32, #tpu.memory_space<vmem>>) offsets(%dma_start3A_32 : memref<64xi32, #tpu.memory_space<vmem>>) semaphore(%dma_start3A_37 : memref<!tpu.dma_semaphore, #tpu.memory_space<semaphore_mem>>)
    %dma_start3A_38 = arith.constant 2 : i32
    %dma_start3A_39 = arith.constant 2 : i32
    %dma_start3A_40 = arith.constant 2 : i32
    %dma_start3A_41 = arith.constant 0 : i32
    %dma_start3A_42 = arith.constant 0 : i32
    %dma_start3A_43 = tpu.memref_slice %arg9[%dma_start3A_39, %dma_start3A_41, %dma_start3A_42] : memref<4x64x64xf32, #tpu.memory_space<vmem>> -> memref<1x64x64xf32, #tpu.memory_space<vmem>>
    %dma_start3A_44 = tpu.memref_squeeze %dma_start3A_43 : memref<1x64x64xf32, #tpu.memory_space<vmem>> -> memref<64x64xf32, #tpu.memory_space<vmem>>
    %dma_start3A_45 = arith.constant 0 : i32
    %dma_start3A_46 = tpu.memref_slice %arg7[%dma_start3A_38, %dma_start3A_45] : memref<160x64xi32, #tpu.memory_space<vmem>> -> memref<1x64xi32, #tpu.memory_space<vmem>>
    %dma_start3A_47 = tpu.memref_squeeze %dma_start3A_46 : memref<1x64xi32, #tpu.memory_space<vmem>> -> memref<64xi32, #tpu.memory_space<vmem>>
    %dma_start3A_48 = arith.constant 0 : i32
    %dma_start3A_49 = arith.constant 0 : i32
    %dma_start3A_50 = tpu.memref_slice %arg11[%dma_start3A_48, %dma_start3A_49] : memref<10000x64xf32, #tpu.memory_space<vmem_shared>> -> memref<10000x64xf32, #tpu.memory_space<vmem_shared>>
    %dma_start3A_51 = tpu.memref_slice %arg12[%dma_start3A_40] : memref<4x!tpu.dma_semaphore, #tpu.memory_space<semaphore_mem>> -> memref<1x!tpu.dma_semaphore, #tpu.memory_space<semaphore_mem>>
    %dma_start3A_52 = tpu.memref_squeeze %dma_start3A_51 : memref<1x!tpu.dma_semaphore, #tpu.memory_space<semaphore_mem>> -> memref<!tpu.dma_semaphore, #tpu.memory_space<semaphore_mem>>
    tpu.enqueue_indirect_dma source(%dma_start3A_50 : memref<10000x64xf32, #tpu.memory_space<vmem_shared>>) target(%dma_start3A_44 : memref<64x64xf32, #tpu.memory_space<vmem>>) offsets(%dma_start3A_47 : memref<64xi32, #tpu.memory_space<vmem>>) semaphore(%dma_start3A_52 : memref<!tpu.dma_semaphore, #tpu.memory_space<semaphore_mem>>)
    %scan3A = arith.constant 0 : i32
    %scan3A_53 = arith.constant 0 : i32
    %scan3A_54 = arith.constant 160 : i32
    %scan3A_55 = arith.addi %scan3A_53, %scan3A_54 : i32
    %scan3A_56 = arith.constant 1 : i32
    scf.for %scan3A_113 = %scan3A_53 to %scan3A_55 step %scan3A_56  : i32 {
      %rem3A = arith.constant 4 : i32
      %rem3A_114 = arith.remsi %scan3A_113, %rem3A : i32
      %dma_wait3A_115 = arith.constant 0 : i32
      %dma_wait3A_116 = arith.constant 0 : i32
      %dma_wait3A_117 = tpu.memref_slice %arg9[%rem3A_114, %dma_wait3A_115, %dma_wait3A_116] : memref<4x64x64xf32, #tpu.memory_space<vmem>> -> memref<1x64x64xf32, #tpu.memory_space<vmem>>
      %dma_wait3A_118 = tpu.memref_squeeze %dma_wait3A_117 : memref<1x64x64xf32, #tpu.memory_space<vmem>> -> memref<64x64xf32, #tpu.memory_space<vmem>>
      %dma_wait3A_119 = arith.constant 0 : i32
      %dma_wait3A_120 = tpu.memref_slice %arg7[%scan3A_113, %dma_wait3A_119] : memref<160x64xi32, #tpu.memory_space<vmem>> -> memref<1x64xi32, #tpu.memory_space<vmem>>
      %dma_wait3A_121 = tpu.memref_squeeze %dma_wait3A_120 : memref<1x64xi32, #tpu.memory_space<vmem>> -> memref<64xi32, #tpu.memory_space<vmem>>
      %dma_wait3A_122 = arith.constant 0 : i32
      %dma_wait3A_123 = arith.constant 0 : i32
      %dma_wait3A_124 = tpu.memref_slice %arg11[%dma_wait3A_122, %dma_wait3A_123] : memref<10000x64xf32, #tpu.memory_space<vmem_shared>> -> memref<10000x64xf32, #tpu.memory_space<vmem_shared>>
      %dma_wait3A_125 = tpu.memref_slice %arg12[%rem3A_114] : memref<4x!tpu.dma_semaphore, #tpu.memory_space<semaphore_mem>> -> memref<1x!tpu.dma_semaphore, #tpu.memory_space<semaphore_mem>>
      %dma_wait3A_126 = tpu.memref_squeeze %dma_wait3A_125 : memref<1x!tpu.dma_semaphore, #tpu.memory_space<semaphore_mem>> -> memref<!tpu.dma_semaphore, #tpu.memory_space<semaphore_mem>>
      tpu.wait_indirect_dma semaphore(%dma_wait3A_126 : memref<!tpu.dma_semaphore, #tpu.memory_space<semaphore_mem>>) src(%dma_wait3A_124 : memref<10000x64xf32, #tpu.memory_space<vmem_shared>>) dst(%dma_wait3A_118 : memref<64x64xf32, #tpu.memory_space<vmem>>)
      %dma_start3A_127 = arith.constant 0 : i32
      %dma_start3A_128 = arith.constant 0 : i32
      %dma_start3A_129 = tpu.memref_slice %arg9[%rem3A_114, %dma_start3A_127, %dma_start3A_128] : memref<4x64x64xf32, #tpu.memory_space<vmem>> -> memref<1x64x64xf32, #tpu.memory_space<vmem>>
      %dma_start3A_130 = tpu.memref_squeeze %dma_start3A_129 : memref<1x64x64xf32, #tpu.memory_space<vmem>> -> memref<64x64xf32, #tpu.memory_space<vmem>>
      %dma_start3A_131 = arith.constant 0 : i32
      %dma_start3A_132 = tpu.memref_slice %arg8[%scan3A_113, %dma_start3A_131] : memref<160x64xi32, #tpu.memory_space<vmem>> -> memref<1x64xi32, #tpu.memory_space<vmem>>
      %dma_start3A_133 = tpu.memref_squeeze %dma_start3A_132 : memref<1x64xi32, #tpu.memory_space<vmem>> -> memref<64xi32, #tpu.memory_space<vmem>>
      %dma_start3A_134 = arith.constant 0 : i32
      %dma_start3A_135 = arith.constant 0 : i32
      %dma_start3A_136 = tpu.memref_slice %arg10[%dma_start3A_134, %dma_start3A_135] : memref<10008x64xf32, #tpu.memory_space<vmem_shared>> -> memref<10008x64xf32, #tpu.memory_space<vmem_shared>>
      %dma_start3A_137 = tpu.memref_slice %arg13[%rem3A_114] : memref<4x!tpu.dma_semaphore, #tpu.memory_space<semaphore_mem>> -> memref<1x!tpu.dma_semaphore, #tpu.memory_space<semaphore_mem>>
      %dma_start3A_138 = tpu.memref_squeeze %dma_start3A_137 : memref<1x!tpu.dma_semaphore, #tpu.memory_space<semaphore_mem>> -> memref<!tpu.dma_semaphore, #tpu.memory_space<semaphore_mem>>
      tpu.enqueue_indirect_dma source(%dma_start3A_130 : memref<64x64xf32, #tpu.memory_space<vmem>>) target(%dma_start3A_136 : memref<10008x64xf32, #tpu.memory_space<vmem_shared>>) offsets(%dma_start3A_133 : memref<64xi32, #tpu.memory_space<vmem>>) semaphore(%dma_start3A_138 : memref<!tpu.dma_semaphore, #tpu.memory_space<semaphore_mem>>) {add = true}
      %ge3A = arith.constant 3 : i32
      %ge3A_139 = arith.cmpi sge, %scan3A_113, %ge3A : i32
      %convert_element_type3A_140 = arith.extui %ge3A_139 : i1 to i32
      %cond3A_141 = arith.constant 0 : i32
      %cond3A_142 = arith.cmpi ne, %convert_element_type3A_140, %cond3A_141 : i32
      scf.if %cond3A_142 {
        %add3A_150 = arith.constant 1 : i32
        %add3A_151 = arith.addi %scan3A_113, %add3A_150 : i32
        %rem3A_152 = arith.constant 4 : i32
        %rem3A_153 = arith.remsi %add3A_151, %rem3A_152 : i32
        %sub3A = arith.constant 3 : i32
        %sub3A_154 = arith.subi %scan3A_113, %sub3A : i32
        %dma_wait3A_155 = arith.constant 0 : i32
        %dma_wait3A_156 = arith.constant 0 : i32
        %dma_wait3A_157 = tpu.memref_slice %arg9[%rem3A_153, %dma_wait3A_155, %dma_wait3A_156] : memref<4x64x64xf32, #tpu.memory_space<vmem>> -> memref<1x64x64xf32, #tpu.memory_space<vmem>>
        %dma_wait3A_158 = tpu.memref_squeeze %dma_wait3A_157 : memref<1x64x64xf32, #tpu.memory_space<vmem>> -> memref<64x64xf32, #tpu.memory_space<vmem>>
        %dma_wait3A_159 = arith.constant 0 : i32
        %dma_wait3A_160 = tpu.memref_slice %arg8[%sub3A_154, %dma_wait3A_159] : memref<160x64xi32, #tpu.memory_space<vmem>> -> memref<1x64xi32, #tpu.memory_space<vmem>>
        %dma_wait3A_161 = tpu.memref_squeeze %dma_wait3A_160 : memref<1x64xi32, #tpu.memory_space<vmem>> -> memref<64xi32, #tpu.memory_space<vmem>>
        %dma_wait3A_162 = arith.constant 0 : i32
        %dma_wait3A_163 = arith.constant 0 : i32
        %dma_wait3A_164 = tpu.memref_slice %arg10[%dma_wait3A_162, %dma_wait3A_163] : memref<10008x64xf32, #tpu.memory_space<vmem_shared>> -> memref<10008x64xf32, #tpu.memory_space<vmem_shared>>
        %dma_wait3A_165 = tpu.memref_slice %arg13[%rem3A_153] : memref<4x!tpu.dma_semaphore, #tpu.memory_space<semaphore_mem>> -> memref<1x!tpu.dma_semaphore, #tpu.memory_space<semaphore_mem>>
        %dma_wait3A_166 = tpu.memref_squeeze %dma_wait3A_165 : memref<1x!tpu.dma_semaphore, #tpu.memory_space<semaphore_mem>> -> memref<!tpu.dma_semaphore, #tpu.memory_space<semaphore_mem>>
        tpu.wait_indirect_dma semaphore(%dma_wait3A_166 : memref<!tpu.dma_semaphore, #tpu.memory_space<semaphore_mem>>) src(%dma_wait3A_158 : memref<64x64xf32, #tpu.memory_space<vmem>>) dst(%dma_wait3A_164 : memref<10008x64xf32, #tpu.memory_space<vmem_shared>>)
      } else {
      }
      %add3A_143 = arith.constant 3 : i32
      %add3A_144 = arith.addi %scan3A_113, %add3A_143 : i32
      %lt3A_145 = arith.constant 160 : i32
      %lt3A_146 = arith.cmpi slt, %add3A_144, %lt3A_145 : i32
      %convert_element_type3A_147 = arith.extui %lt3A_146 : i1 to i32
      %cond3A_148 = arith.constant 0 : i32
      %cond3A_149 = arith.cmpi ne, %convert_element_type3A_147, %cond3A_148 : i32
      scf.if %cond3A_149 {
        %add3A_150 = arith.constant 3 : i32
        %add3A_151 = arith.addi %scan3A_113, %add3A_150 : i32
        %rem3A_152 = arith.constant 4 : i32
        %rem3A_153 = arith.remsi %add3A_151, %rem3A_152 : i32
        %add3A_154 = arith.constant 3 : i32
        %add3A_155 = arith.addi %scan3A_113, %add3A_154 : i32
        %dma_start3A_156 = arith.constant 0 : i32
        %dma_start3A_157 = arith.constant 0 : i32
        %dma_start3A_158 = tpu.memref_slice %arg9[%rem3A_153, %dma_start3A_156, %dma_start3A_157] : memref<4x64x64xf32, #tpu.memory_space<vmem>> -> memref<1x64x64xf32, #tpu.memory_space<vmem>>
        %dma_start3A_159 = tpu.memref_squeeze %dma_start3A_158 : memref<1x64x64xf32, #tpu.memory_space<vmem>> -> memref<64x64xf32, #tpu.memory_space<vmem>>
        %dma_start3A_160 = arith.constant 0 : i32
        %dma_start3A_161 = tpu.memref_slice %arg7[%add3A_155, %dma_start3A_160] : memref<160x64xi32, #tpu.memory_space<vmem>> -> memref<1x64xi32, #tpu.memory_space<vmem>>
        %dma_start3A_162 = tpu.memref_squeeze %dma_start3A_161 : memref<1x64xi32, #tpu.memory_space<vmem>> -> memref<64xi32, #tpu.memory_space<vmem>>
        %dma_start3A_163 = arith.constant 0 : i32
        %dma_start3A_164 = arith.constant 0 : i32
        %dma_start3A_165 = tpu.memref_slice %arg11[%dma_start3A_163, %dma_start3A_164] : memref<10000x64xf32, #tpu.memory_space<vmem_shared>> -> memref<10000x64xf32, #tpu.memory_space<vmem_shared>>
        %dma_start3A_166 = tpu.memref_slice %arg12[%rem3A_153] : memref<4x!tpu.dma_semaphore, #tpu.memory_space<semaphore_mem>> -> memref<1x!tpu.dma_semaphore, #tpu.memory_space<semaphore_mem>>
        %dma_start3A_167 = tpu.memref_squeeze %dma_start3A_166 : memref<1x!tpu.dma_semaphore, #tpu.memory_space<semaphore_mem>> -> memref<!tpu.dma_semaphore, #tpu.memory_space<semaphore_mem>>
        tpu.enqueue_indirect_dma source(%dma_start3A_165 : memref<10000x64xf32, #tpu.memory_space<vmem_shared>>) target(%dma_start3A_159 : memref<64x64xf32, #tpu.memory_space<vmem>>) offsets(%dma_start3A_162 : memref<64xi32, #tpu.memory_space<vmem>>) semaphore(%dma_start3A_167 : memref<!tpu.dma_semaphore, #tpu.memory_space<semaphore_mem>>)
      } else {
      }
    }
    %scan3A_57 = arith.constant 160 : i32
    %dma_wait3A = arith.constant 1 : i32
    %dma_wait3A_58 = arith.constant 157 : i32
    %dma_wait3A_59 = arith.constant 1 : i32
    %dma_wait3A_60 = arith.constant 0 : i32
    %dma_wait3A_61 = arith.constant 0 : i32
    %dma_wait3A_62 = tpu.memref_slice %arg9[%dma_wait3A, %dma_wait3A_60, %dma_wait3A_61] : memref<4x64x64xf32, #tpu.memory_space<vmem>> -> memref<1x64x64xf32, #tpu.memory_space<vmem>>
    %dma_wait3A_63 = tpu.memref_squeeze %dma_wait3A_62 : memref<1x64x64xf32, #tpu.memory_space<vmem>> -> memref<64x64xf32, #tpu.memory_space<vmem>>
    %dma_wait3A_64 = arith.constant 0 : i32
    %dma_wait3A_65 = tpu.memref_slice %arg8[%dma_wait3A_58, %dma_wait3A_64] : memref<160x64xi32, #tpu.memory_space<vmem>> -> memref<1x64xi32, #tpu.memory_space<vmem>>
    %dma_wait3A_66 = tpu.memref_squeeze %dma_wait3A_65 : memref<1x64xi32, #tpu.memory_space<vmem>> -> memref<64xi32, #tpu.memory_space<vmem>>
    %dma_wait3A_67 = arith.constant 0 : i32
    %dma_wait3A_68 = arith.constant 0 : i32
    %dma_wait3A_69 = tpu.memref_slice %arg10[%dma_wait3A_67, %dma_wait3A_68] : memref<10008x64xf32, #tpu.memory_space<vmem_shared>> -> memref<10008x64xf32, #tpu.memory_space<vmem_shared>>
    %dma_wait3A_70 = tpu.memref_slice %arg13[%dma_wait3A_59] : memref<4x!tpu.dma_semaphore, #tpu.memory_space<semaphore_mem>> -> memref<1x!tpu.dma_semaphore, #tpu.memory_space<semaphore_mem>>
    %dma_wait3A_71 = tpu.memref_squeeze %dma_wait3A_70 : memref<1x!tpu.dma_semaphore, #tpu.memory_space<semaphore_mem>> -> memref<!tpu.dma_semaphore, #tpu.memory_space<semaphore_mem>>
    tpu.wait_indirect_dma semaphore(%dma_wait3A_71 : memref<!tpu.dma_semaphore, #tpu.memory_space<semaphore_mem>>) src(%dma_wait3A_63 : memref<64x64xf32, #tpu.memory_space<vmem>>) dst(%dma_wait3A_69 : memref<10008x64xf32, #tpu.memory_space<vmem_shared>>)
    %dma_wait3A_72 = arith.constant 2 : i32
    %dma_wait3A_73 = arith.constant 158 : i32
    %dma_wait3A_74 = arith.constant 2 : i32
    %dma_wait3A_75 = arith.constant 0 : i32
    %dma_wait3A_76 = arith.constant 0 : i32
    %dma_wait3A_77 = tpu.memref_slice %arg9[%dma_wait3A_72, %dma_wait3A_75, %dma_wait3A_76] : memref<4x64x64xf32, #tpu.memory_space<vmem>> -> memref<1x64x64xf32, #tpu.memory_space<vmem>>
    %dma_wait3A_78 = tpu.memref_squeeze %dma_wait3A_77 : memref<1x64x64xf32, #tpu.memory_space<vmem>> -> memref<64x64xf32, #tpu.memory_space<vmem>>
    %dma_wait3A_79 = arith.constant 0 : i32
    %dma_wait3A_80 = tpu.memref_slice %arg8[%dma_wait3A_73, %dma_wait3A_79] : memref<160x64xi32, #tpu.memory_space<vmem>> -> memref<1x64xi32, #tpu.memory_space<vmem>>
    %dma_wait3A_81 = tpu.memref_squeeze %dma_wait3A_80 : memref<1x64xi32, #tpu.memory_space<vmem>> -> memref<64xi32, #tpu.memory_space<vmem>>
    %dma_wait3A_82 = arith.constant 0 : i32
    %dma_wait3A_83 = arith.constant 0 : i32
    %dma_wait3A_84 = tpu.memref_slice %arg10[%dma_wait3A_82, %dma_wait3A_83] : memref<10008x64xf32, #tpu.memory_space<vmem_shared>> -> memref<10008x64xf32, #tpu.memory_space<vmem_shared>>
    %dma_wait3A_85 = tpu.memref_slice %arg13[%dma_wait3A_74] : memref<4x!tpu.dma_semaphore, #tpu.memory_space<semaphore_mem>> -> memref<1x!tpu.dma_semaphore, #tpu.memory_space<semaphore_mem>>
    %dma_wait3A_86 = tpu.memref_squeeze %dma_wait3A_85 : memref<1x!tpu.dma_semaphore, #tpu.memory_space<semaphore_mem>> -> memref<!tpu.dma_semaphore, #tpu.memory_space<semaphore_mem>>
    tpu.wait_indirect_dma semaphore(%dma_wait3A_86 : memref<!tpu.dma_semaphore, #tpu.memory_space<semaphore_mem>>) src(%dma_wait3A_78 : memref<64x64xf32, #tpu.memory_space<vmem>>) dst(%dma_wait3A_84 : memref<10008x64xf32, #tpu.memory_space<vmem_shared>>)
    %dma_wait3A_87 = arith.constant 3 : i32
    %dma_wait3A_88 = arith.constant 159 : i32
    %dma_wait3A_89 = arith.constant 3 : i32
    %dma_wait3A_90 = arith.constant 0 : i32
    %dma_wait3A_91 = arith.constant 0 : i32
    %dma_wait3A_92 = tpu.memref_slice %arg9[%dma_wait3A_87, %dma_wait3A_90, %dma_wait3A_91] : memref<4x64x64xf32, #tpu.memory_space<vmem>> -> memref<1x64x64xf32, #tpu.memory_space<vmem>>
    %dma_wait3A_93 = tpu.memref_squeeze %dma_wait3A_92 : memref<1x64x64xf32, #tpu.memory_space<vmem>> -> memref<64x64xf32, #tpu.memory_space<vmem>>
    %dma_wait3A_94 = arith.constant 0 : i32
    %dma_wait3A_95 = tpu.memref_slice %arg8[%dma_wait3A_88, %dma_wait3A_94] : memref<160x64xi32, #tpu.memory_space<vmem>> -> memref<1x64xi32, #tpu.memory_space<vmem>>
    %dma_wait3A_96 = tpu.memref_squeeze %dma_wait3A_95 : memref<1x64xi32, #tpu.memory_space<vmem>> -> memref<64xi32, #tpu.memory_space<vmem>>
    %dma_wait3A_97 = arith.constant 0 : i32
    %dma_wait3A_98 = arith.constant 0 : i32
    %dma_wait3A_99 = tpu.memref_slice %arg10[%dma_wait3A_97, %dma_wait3A_98] : memref<10008x64xf32, #tpu.memory_space<vmem_shared>> -> memref<10008x64xf32, #tpu.memory_space<vmem_shared>>
    %dma_wait3A_100 = tpu.memref_slice %arg13[%dma_wait3A_89] : memref<4x!tpu.dma_semaphore, #tpu.memory_space<semaphore_mem>> -> memref<1x!tpu.dma_semaphore, #tpu.memory_space<semaphore_mem>>
    %dma_wait3A_101 = tpu.memref_squeeze %dma_wait3A_100 : memref<1x!tpu.dma_semaphore, #tpu.memory_space<semaphore_mem>> -> memref<!tpu.dma_semaphore, #tpu.memory_space<semaphore_mem>>
    tpu.wait_indirect_dma semaphore(%dma_wait3A_101 : memref<!tpu.dma_semaphore, #tpu.memory_space<semaphore_mem>>) src(%dma_wait3A_93 : memref<64x64xf32, #tpu.memory_space<vmem>>) dst(%dma_wait3A_99 : memref<10008x64xf32, #tpu.memory_space<vmem_shared>>)
    %barrier3A_102 = arith.constant 0 : index
    tpu.barrier barrier_id(%barrier3A_102)
    %lt3A_103 = arith.constant 15 : i32
    %lt3A_104 = arith.cmpi slt, %arg1, %lt3A_103 : i32
    %convert_element_type3A_105 = arith.extui %lt3A_104 : i1 to i32
    %cond3A_106 = arith.constant 0 : i32
    %cond3A_107 = arith.cmpi ne, %convert_element_type3A_105, %cond3A_106 : i32
    scf.if %cond3A_107 {
      %mul3A_113 = arith.constant 632 : i32
      %mul3A_114 = arith.muli %arg1, %mul3A_113 : i32
      %mul3A_115 = arith.constant 632 : i32
      %mul3A_116 = arith.muli %arg1, %mul3A_115 : i32
      "tpu.region"() ({
        %run_scoped3A = tpu.sem_alloc : memref<!tpu.dma_semaphore, #tpu.memory_space<semaphore_mem>>
        %dma_start3A_117 = arith.constant 0 : i32
        %dma_start3A_118 = tpu.memref_slice %arg6[%arg0, %mul3A_116, %dma_start3A_117] : memref<2x10000x64xf32, #tpu.memory_space<hbm>> -> memref<1x632x64xf32, #tpu.memory_space<hbm>>
        %dma_start3A_119 = tpu.memref_squeeze %dma_start3A_118 : memref<1x632x64xf32, #tpu.memory_space<hbm>> -> memref<632x64xf32, #tpu.memory_space<hbm>>
        %dma_start3A_120 = arith.constant 0 : i32
        %dma_start3A_121 = tpu.memref_slice %arg10[%mul3A_114, %dma_start3A_120] : memref<10008x64xf32, #tpu.memory_space<vmem_shared>> -> memref<632x64xf32, #tpu.memory_space<vmem_shared>>
        tpu.enqueue_dma source(%dma_start3A_121 : memref<632x64xf32, #tpu.memory_space<vmem_shared>>) target(%dma_start3A_119 : memref<632x64xf32, #tpu.memory_space<hbm>>) target_semaphore(%run_scoped3A : memref<!tpu.dma_semaphore, #tpu.memory_space<semaphore_mem>>)
        %dma_wait3A_122 = arith.constant 0 : i32
        %dma_wait3A_123 = tpu.memref_slice %arg6[%arg0, %mul3A_116, %dma_wait3A_122] : memref<2x10000x64xf32, #tpu.memory_space<hbm>> -> memref<1x632x64xf32, #tpu.memory_space<hbm>>
        %dma_wait3A_124 = tpu.memref_squeeze %dma_wait3A_123 : memref<1x632x64xf32, #tpu.memory_space<hbm>> -> memref<632x64xf32, #tpu.memory_space<hbm>>
        %dma_wait3A_125 = arith.constant 0 : i32
        %dma_wait3A_126 = tpu.memref_slice %arg10[%mul3A_114, %dma_wait3A_125] : memref<10008x64xf32, #tpu.memory_space<vmem_shared>> -> memref<632x64xf32, #tpu.memory_space<vmem_shared>>
        tpu.wait_dma2 semaphore(%run_scoped3A : memref<!tpu.dma_semaphore, #tpu.memory_space<semaphore_mem>>) src(%dma_wait3A_126 : memref<632x64xf32, #tpu.memory_space<vmem_shared>>) dst(%dma_wait3A_124 : memref<632x64xf32, #tpu.memory_space<hbm>>)
        tpu.yield
      }) : () -> ()
    } else {
    }
    %eq3A_108 = arith.constant 15 : i32
    %eq3A_109 = arith.cmpi eq, %arg1, %eq3A_108 : i32
    %convert_element_type3A_110 = arith.extui %eq3A_109 : i1 to i32
    %cond3A_111 = arith.constant 0 : i32
    %cond3A_112 = arith.cmpi ne, %convert_element_type3A_110, %cond3A_111 : i32
    scf.if %cond3A_112 {
      "tpu.region"() ({
        %run_scoped3A = tpu.sem_alloc : memref<!tpu.dma_semaphore, #tpu.memory_space<semaphore_mem>>
        %dma_start3A_113 = arith.constant 9480 : i32
        %dma_start3A_114 = arith.constant 0 : i32
        %dma_start3A_115 = tpu.memref_slice %arg6[%arg0, %dma_start3A_113, %dma_start3A_114] : memref<2x10000x64xf32, #tpu.memory_space<hbm>> -> memref<1x520x64xf32, #tpu.memory_space<hbm>>
        %dma_start3A_116 = tpu.memref_squeeze %dma_start3A_115 : memref<1x520x64xf32, #tpu.memory_space<hbm>> -> memref<520x64xf32, #tpu.memory_space<hbm>>
        %dma_start3A_117 = arith.constant 9480 : i32
        %dma_start3A_118 = arith.constant 0 : i32
        %dma_start3A_119 = tpu.memref_slice %arg10[%dma_start3A_117, %dma_start3A_118] : memref<10008x64xf32, #tpu.memory_space<vmem_shared>> -> memref<520x64xf32, #tpu.memory_space<vmem_shared>>
        tpu.enqueue_dma source(%dma_start3A_119 : memref<520x64xf32, #tpu.memory_space<vmem_shared>>) target(%dma_start3A_116 : memref<520x64xf32, #tpu.memory_space<hbm>>) target_semaphore(%run_scoped3A : memref<!tpu.dma_semaphore, #tpu.memory_space<semaphore_mem>>)
        %dma_wait3A_120 = arith.constant 9480 : i32
        %dma_wait3A_121 = arith.constant 0 : i32
        %dma_wait3A_122 = tpu.memref_slice %arg6[%arg0, %dma_wait3A_120, %dma_wait3A_121] : memref<2x10000x64xf32, #tpu.memory_space<hbm>> -> memref<1x520x64xf32, #tpu.memory_space<hbm>>
        %dma_wait3A_123 = tpu.memref_squeeze %dma_wait3A_122 : memref<1x520x64xf32, #tpu.memory_space<hbm>> -> memref<520x64xf32, #tpu.memory_space<hbm>>
        %dma_wait3A_124 = arith.constant 9480 : i32
        %dma_wait3A_125 = arith.constant 0 : i32
        %dma_wait3A_126 = tpu.memref_slice %arg10[%dma_wait3A_124, %dma_wait3A_125] : memref<10008x64xf32, #tpu.memory_space<vmem_shared>> -> memref<520x64xf32, #tpu.memory_space<vmem_shared>>
        tpu.wait_dma2 semaphore(%run_scoped3A : memref<!tpu.dma_semaphore, #tpu.memory_space<semaphore_mem>>) src(%dma_wait3A_126 : memref<520x64xf32, #tpu.memory_space<vmem_shared>>) dst(%dma_wait3A_123 : memref<520x64xf32, #tpu.memory_space<hbm>>)
        tpu.yield
      }) : () -> ()
    } else {
    }
    return
  }
}

#map = affine_map<(d0, d1) -> (0, 0)>
#map1 = affine_map<(d0, d1) -> (0, 0, 0)>
module attributes {stable_mosaic.version = 14 : i64} {
  func.func @edge_agg_w64(%arg0: i32, %arg1: i32, %arg2: memref<10000x64xf32, #tpu.memory_space<hbm>>, %arg3: memref<5120x64xi32, #tpu.memory_space<hbm>>, %arg4: memref<5120x64xi32, #tpu.memory_space<hbm>>, %arg5: memref<10008x64xf32, #tpu.memory_space<hbm>>, %arg6: memref<2x10000x64xf32, #tpu.memory_space<hbm>>, %arg7: memref<160x64xi32, #tpu.memory_space<vmem>>, %arg8: memref<160x64xi32, #tpu.memory_space<vmem>>, %arg9: memref<4x64x64xf32, #tpu.memory_space<vmem>>, %arg10: memref<10008x64xf32, #tpu.memory_space<vmem_shared>>, %arg11: memref<10000x64xf32, #tpu.memory_space<vmem_shared>>, %arg12: memref<4x!tpu.dma_semaphore, #tpu.memory_space<semaphore_mem>>, %arg13: memref<4x!tpu.dma_semaphore, #tpu.memory_space<semaphore_mem>>) attributes {dimension_semantics = [#tpu.dimension_semantics<core_parallel>, #tpu.dimension_semantics<subcore_parallel>], iteration_bounds = array<i64: 2, 16>, scalar_prefetch = 0 : i64, scratch_operands = 7 : i64, tpu.core_type = #tpu.core_type<sc_vector_subcore>, window_params = [{transform_indices = #map}, {transform_indices = #map}, {transform_indices = #map}, {transform_indices = #map}, {transform_indices = #map1}]} {
    %mul3A = arith.constant 16 : i32
    %mul3A_0 = arith.muli %arg0, %mul3A : i32
    %add3A = arith.addi %mul3A_0, %arg1 : i32
    %lt3A = arith.constant 15 : i32
    %lt3A_1 = arith.cmpi slt, %arg1, %lt3A : i32
    %convert_element_type3A = arith.extui %lt3A_1 : i1 to i32
    %cond3A = arith.constant 0 : i32
    %cond3A_2 = arith.cmpi ne, %convert_element_type3A, %cond3A : i32
    scf.if %cond3A_2 {
      %mul3A_113 = arith.constant 632 : i32
      %mul3A_114 = arith.muli %arg1, %mul3A_113 : i32
      %mul3A_115 = arith.constant 632 : i32
      %mul3A_116 = arith.muli %arg1, %mul3A_115 : i32
      "tpu.region"() ({
        %run_scoped3A = tpu.sem_alloc : memref<!tpu.dma_semaphore, #tpu.memory_space<semaphore_mem>>
        %dma_start3A_121 = arith.constant 0 : i32
        %dma_start3A_122 = tpu.memref_slice %arg10[%mul3A_116, %dma_start3A_121] : memref<10008x64xf32, #tpu.memory_space<vmem_shared>> -> memref<632x64xf32, #tpu.memory_space<vmem_shared>>
        %dma_start3A_123 = arith.constant 0 : i32
        %dma_start3A_124 = tpu.memref_slice %arg5[%mul3A_114, %dma_start3A_123] : memref<10008x64xf32, #tpu.memory_space<hbm>> -> memref<632x64xf32, #tpu.memory_space<hbm>>
        tpu.enqueue_dma source(%dma_start3A_124 : memref<632x64xf32, #tpu.memory_space<hbm>>) target(%dma_start3A_122 : memref<632x64xf32, #tpu.memory_space<vmem_shared>>) target_semaphore(%run_scoped3A : memref<!tpu.dma_semaphore, #tpu.memory_space<semaphore_mem>>)
        %dma_wait3A_125 = arith.constant 0 : i32
        %dma_wait3A_126 = tpu.memref_slice %arg10[%mul3A_116, %dma_wait3A_125] : memref<10008x64xf32, #tpu.memory_space<vmem_shared>> -> memref<632x64xf32, #tpu.memory_space<vmem_shared>>
        %dma_wait3A_127 = arith.constant 0 : i32
        %dma_wait3A_128 = tpu.memref_slice %arg5[%mul3A_114, %dma_wait3A_127] : memref<10008x64xf32, #tpu.memory_space<hbm>> -> memref<632x64xf32, #tpu.memory_space<hbm>>
        tpu.wait_dma2 semaphore(%run_scoped3A : memref<!tpu.dma_semaphore, #tpu.memory_space<semaphore_mem>>) src(%dma_wait3A_128 : memref<632x64xf32, #tpu.memory_space<hbm>>) dst(%dma_wait3A_126 : memref<632x64xf32, #tpu.memory_space<vmem_shared>>)
        tpu.yield
      }) : () -> ()
      %mul3A_117 = arith.constant 632 : i32
      %mul3A_118 = arith.muli %arg1, %mul3A_117 : i32
      %mul3A_119 = arith.constant 632 : i32
      %mul3A_120 = arith.muli %arg1, %mul3A_119 : i32
      "tpu.region"() ({
        %run_scoped3A = tpu.sem_alloc : memref<!tpu.dma_semaphore, #tpu.memory_space<semaphore_mem>>
        %dma_start3A_121 = arith.constant 0 : i32
        %dma_start3A_122 = tpu.memref_slice %arg11[%mul3A_120, %dma_start3A_121] : memref<10000x64xf32, #tpu.memory_space<vmem_shared>> -> memref<632x64xf32, #tpu.memory_space<vmem_shared>>
        %dma_start3A_123 = arith.constant 0 : i32
        %dma_start3A_124 = tpu.memref_slice %arg2[%mul3A_118, %dma_start3A_123] : memref<10000x64xf32, #tpu.memory_space<hbm>> -> memref<632x64xf32, #tpu.memory_space<hbm>>
        tpu.enqueue_dma source(%dma_start3A_124 : memref<632x64xf32, #tpu.memory_space<hbm>>) target(%dma_start3A_122 : memref<632x64xf32, #tpu.memory_space<vmem_shared>>) target_semaphore(%run_scoped3A : memref<!tpu.dma_semaphore, #tpu.memory_space<semaphore_mem>>)
        %dma_wait3A_125 = arith.constant 0 : i32
        %dma_wait3A_126 = tpu.memref_slice %arg11[%mul3A_120, %dma_wait3A_125] : memref<10000x64xf32, #tpu.memory_space<vmem_shared>> -> memref<632x64xf32, #tpu.memory_space<vmem_shared>>
        %dma_wait3A_127 = arith.constant 0 : i32
        %dma_wait3A_128 = tpu.memref_slice %arg2[%mul3A_118, %dma_wait3A_127] : memref<10000x64xf32, #tpu.memory_space<hbm>> -> memref<632x64xf32, #tpu.memory_space<hbm>>
        tpu.wait_dma2 semaphore(%run_scoped3A : memref<!tpu.dma_semaphore, #tpu.memory_space<semaphore_mem>>) src(%dma_wait3A_128 : memref<632x64xf32, #tpu.memory_space<hbm>>) dst(%dma_wait3A_126 : memref<632x64xf32, #tpu.memory_space<vmem_shared>>)
        tpu.yield
      }) : () -> ()
    } else {
    }
    %eq3A = arith.constant 15 : i32
    %eq3A_3 = arith.cmpi eq, %arg1, %eq3A : i32
    %convert_element_type3A_4 = arith.extui %eq3A_3 : i1 to i32
    %cond3A_5 = arith.constant 0 : i32
    %cond3A_6 = arith.cmpi ne, %convert_element_type3A_4, %cond3A_5 : i32
    scf.if %cond3A_6 {
      "tpu.region"() ({
        %run_scoped3A = tpu.sem_alloc : memref<!tpu.dma_semaphore, #tpu.memory_space<semaphore_mem>>
        %dma_start3A_113 = arith.constant 9480 : i32
        %dma_start3A_114 = arith.constant 0 : i32
        %dma_start3A_115 = tpu.memref_slice %arg10[%dma_start3A_113, %dma_start3A_114] : memref<10008x64xf32, #tpu.memory_space<vmem_shared>> -> memref<528x64xf32, #tpu.memory_space<vmem_shared>>
        %dma_start3A_116 = arith.constant 9480 : i32
        %dma_start3A_117 = arith.constant 0 : i32
        %dma_start3A_118 = tpu.memref_slice %arg5[%dma_start3A_116, %dma_start3A_117] : memref<10008x64xf32, #tpu.memory_space<hbm>> -> memref<528x64xf32, #tpu.memory_space<hbm>>
        tpu.enqueue_dma source(%dma_start3A_118 : memref<528x64xf32, #tpu.memory_space<hbm>>) target(%dma_start3A_115 : memref<528x64xf32, #tpu.memory_space<vmem_shared>>) target_semaphore(%run_scoped3A : memref<!tpu.dma_semaphore, #tpu.memory_space<semaphore_mem>>)
        %dma_wait3A_119 = arith.constant 9480 : i32
        %dma_wait3A_120 = arith.constant 0 : i32
        %dma_wait3A_121 = tpu.memref_slice %arg10[%dma_wait3A_119, %dma_wait3A_120] : memref<10008x64xf32, #tpu.memory_space<vmem_shared>> -> memref<528x64xf32, #tpu.memory_space<vmem_shared>>
        %dma_wait3A_122 = arith.constant 9480 : i32
        %dma_wait3A_123 = arith.constant 0 : i32
        %dma_wait3A_124 = tpu.memref_slice %arg5[%dma_wait3A_122, %dma_wait3A_123] : memref<10008x64xf32, #tpu.memory_space<hbm>> -> memref<528x64xf32, #tpu.memory_space<hbm>>
        tpu.wait_dma2 semaphore(%run_scoped3A : memref<!tpu.dma_semaphore, #tpu.memory_space<semaphore_mem>>) src(%dma_wait3A_124 : memref<528x64xf32, #tpu.memory_space<hbm>>) dst(%dma_wait3A_121 : memref<528x64xf32, #tpu.memory_space<vmem_shared>>)
        tpu.yield
      }) : () -> ()
      "tpu.region"() ({
        %run_scoped3A = tpu.sem_alloc : memref<!tpu.dma_semaphore, #tpu.memory_space<semaphore_mem>>
        %dma_start3A_113 = arith.constant 9480 : i32
        %dma_start3A_114 = arith.constant 0 : i32
        %dma_start3A_115 = tpu.memref_slice %arg11[%dma_start3A_113, %dma_start3A_114] : memref<10000x64xf32, #tpu.memory_space<vmem_shared>> -> memref<520x64xf32, #tpu.memory_space<vmem_shared>>
        %dma_start3A_116 = arith.constant 9480 : i32
        %dma_start3A_117 = arith.constant 0 : i32
        %dma_start3A_118 = tpu.memref_slice %arg2[%dma_start3A_116, %dma_start3A_117] : memref<10000x64xf32, #tpu.memory_space<hbm>> -> memref<520x64xf32, #tpu.memory_space<hbm>>
        tpu.enqueue_dma source(%dma_start3A_118 : memref<520x64xf32, #tpu.memory_space<hbm>>) target(%dma_start3A_115 : memref<520x64xf32, #tpu.memory_space<vmem_shared>>) target_semaphore(%run_scoped3A : memref<!tpu.dma_semaphore, #tpu.memory_space<semaphore_mem>>)
        %dma_wait3A_119 = arith.constant 9480 : i32
        %dma_wait3A_120 = arith.constant 0 : i32
        %dma_wait3A_121 = tpu.memref_slice %arg11[%dma_wait3A_119, %dma_wait3A_120] : memref<10000x64xf32, #tpu.memory_space<vmem_shared>> -> memref<520x64xf32, #tpu.memory_space<vmem_shared>>
        %dma_wait3A_122 = arith.constant 9480 : i32
        %dma_wait3A_123 = arith.constant 0 : i32
        %dma_wait3A_124 = tpu.memref_slice %arg2[%dma_wait3A_122, %dma_wait3A_123] : memref<10000x64xf32, #tpu.memory_space<hbm>> -> memref<520x64xf32, #tpu.memory_space<hbm>>
        tpu.wait_dma2 semaphore(%run_scoped3A : memref<!tpu.dma_semaphore, #tpu.memory_space<semaphore_mem>>) src(%dma_wait3A_124 : memref<520x64xf32, #tpu.memory_space<hbm>>) dst(%dma_wait3A_121 : memref<520x64xf32, #tpu.memory_space<vmem_shared>>)
        tpu.yield
      }) : () -> ()
    } else {
    }
    %mul3A_7 = arith.constant 160 : i32
    %mul3A_8 = arith.muli %add3A, %mul3A_7 : i32
    "tpu.region"() ({
      %run_scoped3A = tpu.sem_alloc : memref<!tpu.dma_semaphore, #tpu.memory_space<semaphore_mem>>
      %dma_start3A_113 = arith.constant 0 : i32
      %dma_start3A_114 = tpu.memref_slice %arg3[%mul3A_8, %dma_start3A_113] : memref<5120x64xi32, #tpu.memory_space<hbm>> -> memref<160x64xi32, #tpu.memory_space<hbm>>
      %dma_start3A_115 = arith.constant 0 : i32
      %dma_start3A_116 = tpu.memref_slice %arg3[%mul3A_8, %dma_start3A_115] : memref<5120x64xi32, #tpu.memory_space<hbm>> -> memref<160x64xi32, #tpu.memory_space<hbm>>
      tpu.enqueue_dma source(%dma_start3A_116 : memref<160x64xi32, #tpu.memory_space<hbm>>) target(%arg7 : memref<160x64xi32, #tpu.memory_space<vmem>>) target_semaphore(%run_scoped3A : memref<!tpu.dma_semaphore, #tpu.memory_space<semaphore_mem>>)
      %dma_wait3A_117 = arith.constant 0 : i32
      %dma_wait3A_118 = tpu.memref_slice %arg3[%mul3A_8, %dma_wait3A_117] : memref<5120x64xi32, #tpu.memory_space<hbm>> -> memref<160x64xi32, #tpu.memory_space<hbm>>
      %dma_wait3A_119 = arith.constant 0 : i32
      %dma_wait3A_120 = tpu.memref_slice %arg3[%mul3A_8, %dma_wait3A_119] : memref<5120x64xi32, #tpu.memory_space<hbm>> -> memref<160x64xi32, #tpu.memory_space<hbm>>
      tpu.wait_dma2 semaphore(%run_scoped3A : memref<!tpu.dma_semaphore, #tpu.memory_space<semaphore_mem>>) src(%dma_wait3A_120 : memref<160x64xi32, #tpu.memory_space<hbm>>) dst(%arg7 : memref<160x64xi32, #tpu.memory_space<vmem>>)
      tpu.yield
    }) : () -> ()
    "tpu.region"() ({
      %run_scoped3A = tpu.sem_alloc : memref<!tpu.dma_semaphore, #tpu.memory_space<semaphore_mem>>
      %dma_start3A_113 = arith.constant 0 : i32
      %dma_start3A_114 = tpu.memref_slice %arg4[%mul3A_8, %dma_start3A_113] : memref<5120x64xi32, #tpu.memory_space<hbm>> -> memref<160x64xi32, #tpu.memory_space<hbm>>
      %dma_start3A_115 = arith.constant 0 : i32
      %dma_start3A_116 = tpu.memref_slice %arg4[%mul3A_8, %dma_start3A_115] : memref<5120x64xi32, #tpu.memory_space<hbm>> -> memref<160x64xi32, #tpu.memory_space<hbm>>
      tpu.enqueue_dma source(%dma_start3A_116 : memref<160x64xi32, #tpu.memory_space<hbm>>) target(%arg8 : memref<160x64xi32, #tpu.memory_space<vmem>>) target_semaphore(%run_scoped3A : memref<!tpu.dma_semaphore, #tpu.memory_space<semaphore_mem>>)
      %dma_wait3A_117 = arith.constant 0 : i32
      %dma_wait3A_118 = tpu.memref_slice %arg4[%mul3A_8, %dma_wait3A_117] : memref<5120x64xi32, #tpu.memory_space<hbm>> -> memref<160x64xi32, #tpu.memory_space<hbm>>
      %dma_wait3A_119 = arith.constant 0 : i32
      %dma_wait3A_120 = tpu.memref_slice %arg4[%mul3A_8, %dma_wait3A_119] : memref<5120x64xi32, #tpu.memory_space<hbm>> -> memref<160x64xi32, #tpu.memory_space<hbm>>
      tpu.wait_dma2 semaphore(%run_scoped3A : memref<!tpu.dma_semaphore, #tpu.memory_space<semaphore_mem>>) src(%dma_wait3A_120 : memref<160x64xi32, #tpu.memory_space<hbm>>) dst(%arg8 : memref<160x64xi32, #tpu.memory_space<vmem>>)
      tpu.yield
    }) : () -> ()
    %barrier3A = arith.constant 0 : index
    tpu.barrier barrier_id(%barrier3A)
    %dma_start3A = arith.constant 0 : i32
    %dma_start3A_9 = arith.constant 0 : i32
    %dma_start3A_10 = arith.constant 0 : i32
    %dma_start3A_11 = arith.constant 0 : i32
    %dma_start3A_12 = arith.constant 0 : i32
    %dma_start3A_13 = tpu.memref_slice %arg9[%dma_start3A_9, %dma_start3A_11, %dma_start3A_12] : memref<4x64x64xf32, #tpu.memory_space<vmem>> -> memref<1x64x64xf32, #tpu.memory_space<vmem>>
    %dma_start3A_14 = tpu.memref_squeeze %dma_start3A_13 : memref<1x64x64xf32, #tpu.memory_space<vmem>> -> memref<64x64xf32, #tpu.memory_space<vmem>>
    %dma_start3A_15 = arith.constant 0 : i32
    %dma_start3A_16 = tpu.memref_slice %arg7[%dma_start3A, %dma_start3A_15] : memref<160x64xi32, #tpu.memory_space<vmem>> -> memref<1x64xi32, #tpu.memory_space<vmem>>
    %dma_start3A_17 = tpu.memref_squeeze %dma_start3A_16 : memref<1x64xi32, #tpu.memory_space<vmem>> -> memref<64xi32, #tpu.memory_space<vmem>>
    %dma_start3A_18 = arith.constant 0 : i32
    %dma_start3A_19 = arith.constant 0 : i32
    %dma_start3A_20 = tpu.memref_slice %arg11[%dma_start3A_18, %dma_start3A_19] : memref<10000x64xf32, #tpu.memory_space<vmem_shared>> -> memref<10000x64xf32, #tpu.memory_space<vmem_shared>>
    %dma_start3A_21 = tpu.memref_slice %arg12[%dma_start3A_10] : memref<4x!tpu.dma_semaphore, #tpu.memory_space<semaphore_mem>> -> memref<1x!tpu.dma_semaphore, #tpu.memory_space<semaphore_mem>>
    %dma_start3A_22 = tpu.memref_squeeze %dma_start3A_21 : memref<1x!tpu.dma_semaphore, #tpu.memory_space<semaphore_mem>> -> memref<!tpu.dma_semaphore, #tpu.memory_space<semaphore_mem>>
    tpu.enqueue_indirect_dma source(%dma_start3A_20 : memref<10000x64xf32, #tpu.memory_space<vmem_shared>>) target(%dma_start3A_14 : memref<64x64xf32, #tpu.memory_space<vmem>>) offsets(%dma_start3A_17 : memref<64xi32, #tpu.memory_space<vmem>>) semaphore(%dma_start3A_22 : memref<!tpu.dma_semaphore, #tpu.memory_space<semaphore_mem>>)
    %dma_start3A_23 = arith.constant 1 : i32
    %dma_start3A_24 = arith.constant 1 : i32
    %dma_start3A_25 = arith.constant 1 : i32
    %dma_start3A_26 = arith.constant 0 : i32
    %dma_start3A_27 = arith.constant 0 : i32
    %dma_start3A_28 = tpu.memref_slice %arg9[%dma_start3A_24, %dma_start3A_26, %dma_start3A_27] : memref<4x64x64xf32, #tpu.memory_space<vmem>> -> memref<1x64x64xf32, #tpu.memory_space<vmem>>
    %dma_start3A_29 = tpu.memref_squeeze %dma_start3A_28 : memref<1x64x64xf32, #tpu.memory_space<vmem>> -> memref<64x64xf32, #tpu.memory_space<vmem>>
    %dma_start3A_30 = arith.constant 0 : i32
    %dma_start3A_31 = tpu.memref_slice %arg7[%dma_start3A_23, %dma_start3A_30] : memref<160x64xi32, #tpu.memory_space<vmem>> -> memref<1x64xi32, #tpu.memory_space<vmem>>
    %dma_start3A_32 = tpu.memref_squeeze %dma_start3A_31 : memref<1x64xi32, #tpu.memory_space<vmem>> -> memref<64xi32, #tpu.memory_space<vmem>>
    %dma_start3A_33 = arith.constant 0 : i32
    %dma_start3A_34 = arith.constant 0 : i32
    %dma_start3A_35 = tpu.memref_slice %arg11[%dma_start3A_33, %dma_start3A_34] : memref<10000x64xf32, #tpu.memory_space<vmem_shared>> -> memref<10000x64xf32, #tpu.memory_space<vmem_shared>>
    %dma_start3A_36 = tpu.memref_slice %arg12[%dma_start3A_25] : memref<4x!tpu.dma_semaphore, #tpu.memory_space<semaphore_mem>> -> memref<1x!tpu.dma_semaphore, #tpu.memory_space<semaphore_mem>>
    %dma_start3A_37 = tpu.memref_squeeze %dma_start3A_36 : memref<1x!tpu.dma_semaphore, #tpu.memory_space<semaphore_mem>> -> memref<!tpu.dma_semaphore, #tpu.memory_space<semaphore_mem>>
    tpu.enqueue_indirect_dma source(%dma_start3A_35 : memref<10000x64xf32, #tpu.memory_space<vmem_shared>>) target(%dma_start3A_29 : memref<64x64xf32, #tpu.memory_space<vmem>>) offsets(%dma_start3A_32 : memref<64xi32, #tpu.memory_space<vmem>>) semaphore(%dma_start3A_37 : memref<!tpu.dma_semaphore, #tpu.memory_space<semaphore_mem>>)
    %dma_start3A_38 = arith.constant 2 : i32
    %dma_start3A_39 = arith.constant 2 : i32
    %dma_start3A_40 = arith.constant 2 : i32
    %dma_start3A_41 = arith.constant 0 : i32
    %dma_start3A_42 = arith.constant 0 : i32
    %dma_start3A_43 = tpu.memref_slice %arg9[%dma_start3A_39, %dma_start3A_41, %dma_start3A_42] : memref<4x64x64xf32, #tpu.memory_space<vmem>> -> memref<1x64x64xf32, #tpu.memory_space<vmem>>
    %dma_start3A_44 = tpu.memref_squeeze %dma_start3A_43 : memref<1x64x64xf32, #tpu.memory_space<vmem>> -> memref<64x64xf32, #tpu.memory_space<vmem>>
    %dma_start3A_45 = arith.constant 0 : i32
    %dma_start3A_46 = tpu.memref_slice %arg7[%dma_start3A_38, %dma_start3A_45] : memref<160x64xi32, #tpu.memory_space<vmem>> -> memref<1x64xi32, #tpu.memory_space<vmem>>
    %dma_start3A_47 = tpu.memref_squeeze %dma_start3A_46 : memref<1x64xi32, #tpu.memory_space<vmem>> -> memref<64xi32, #tpu.memory_space<vmem>>
    %dma_start3A_48 = arith.constant 0 : i32
    %dma_start3A_49 = arith.constant 0 : i32
    %dma_start3A_50 = tpu.memref_slice %arg11[%dma_start3A_48, %dma_start3A_49] : memref<10000x64xf32, #tpu.memory_space<vmem_shared>> -> memref<10000x64xf32, #tpu.memory_space<vmem_shared>>
    %dma_start3A_51 = tpu.memref_slice %arg12[%dma_start3A_40] : memref<4x!tpu.dma_semaphore, #tpu.memory_space<semaphore_mem>> -> memref<1x!tpu.dma_semaphore, #tpu.memory_space<semaphore_mem>>
    %dma_start3A_52 = tpu.memref_squeeze %dma_start3A_51 : memref<1x!tpu.dma_semaphore, #tpu.memory_space<semaphore_mem>> -> memref<!tpu.dma_semaphore, #tpu.memory_space<semaphore_mem>>
    tpu.enqueue_indirect_dma source(%dma_start3A_50 : memref<10000x64xf32, #tpu.memory_space<vmem_shared>>) target(%dma_start3A_44 : memref<64x64xf32, #tpu.memory_space<vmem>>) offsets(%dma_start3A_47 : memref<64xi32, #tpu.memory_space<vmem>>) semaphore(%dma_start3A_52 : memref<!tpu.dma_semaphore, #tpu.memory_space<semaphore_mem>>)
    %scan3A = arith.constant 0 : i32
    %scan3A_53 = arith.constant 0 : i32
    %scan3A_54 = arith.constant 160 : i32
    %scan3A_55 = arith.addi %scan3A_53, %scan3A_54 : i32
    %scan3A_56 = arith.constant 1 : i32
    scf.for %scan3A_113 = %scan3A_53 to %scan3A_55 step %scan3A_56  : i32 {
      %rem3A = arith.constant 4 : i32
      %rem3A_114 = arith.remsi %scan3A_113, %rem3A : i32
      %dma_wait3A_115 = arith.constant 0 : i32
      %dma_wait3A_116 = arith.constant 0 : i32
      %dma_wait3A_117 = tpu.memref_slice %arg9[%rem3A_114, %dma_wait3A_115, %dma_wait3A_116] : memref<4x64x64xf32, #tpu.memory_space<vmem>> -> memref<1x64x64xf32, #tpu.memory_space<vmem>>
      %dma_wait3A_118 = tpu.memref_squeeze %dma_wait3A_117 : memref<1x64x64xf32, #tpu.memory_space<vmem>> -> memref<64x64xf32, #tpu.memory_space<vmem>>
      %dma_wait3A_119 = arith.constant 0 : i32
      %dma_wait3A_120 = tpu.memref_slice %arg7[%scan3A_113, %dma_wait3A_119] : memref<160x64xi32, #tpu.memory_space<vmem>> -> memref<1x64xi32, #tpu.memory_space<vmem>>
      %dma_wait3A_121 = tpu.memref_squeeze %dma_wait3A_120 : memref<1x64xi32, #tpu.memory_space<vmem>> -> memref<64xi32, #tpu.memory_space<vmem>>
      %dma_wait3A_122 = arith.constant 0 : i32
      %dma_wait3A_123 = arith.constant 0 : i32
      %dma_wait3A_124 = tpu.memref_slice %arg11[%dma_wait3A_122, %dma_wait3A_123] : memref<10000x64xf32, #tpu.memory_space<vmem_shared>> -> memref<10000x64xf32, #tpu.memory_space<vmem_shared>>
      %dma_wait3A_125 = tpu.memref_slice %arg12[%rem3A_114] : memref<4x!tpu.dma_semaphore, #tpu.memory_space<semaphore_mem>> -> memref<1x!tpu.dma_semaphore, #tpu.memory_space<semaphore_mem>>
      %dma_wait3A_126 = tpu.memref_squeeze %dma_wait3A_125 : memref<1x!tpu.dma_semaphore, #tpu.memory_space<semaphore_mem>> -> memref<!tpu.dma_semaphore, #tpu.memory_space<semaphore_mem>>
      tpu.wait_indirect_dma semaphore(%dma_wait3A_126 : memref<!tpu.dma_semaphore, #tpu.memory_space<semaphore_mem>>) src(%dma_wait3A_124 : memref<10000x64xf32, #tpu.memory_space<vmem_shared>>) dst(%dma_wait3A_118 : memref<64x64xf32, #tpu.memory_space<vmem>>)
      %dma_start3A_127 = arith.constant 0 : i32
      %dma_start3A_128 = arith.constant 0 : i32
      %dma_start3A_129 = tpu.memref_slice %arg9[%rem3A_114, %dma_start3A_127, %dma_start3A_128] : memref<4x64x64xf32, #tpu.memory_space<vmem>> -> memref<1x64x64xf32, #tpu.memory_space<vmem>>
      %dma_start3A_130 = tpu.memref_squeeze %dma_start3A_129 : memref<1x64x64xf32, #tpu.memory_space<vmem>> -> memref<64x64xf32, #tpu.memory_space<vmem>>
      %dma_start3A_131 = arith.constant 0 : i32
      %dma_start3A_132 = tpu.memref_slice %arg8[%scan3A_113, %dma_start3A_131] : memref<160x64xi32, #tpu.memory_space<vmem>> -> memref<1x64xi32, #tpu.memory_space<vmem>>
      %dma_start3A_133 = tpu.memref_squeeze %dma_start3A_132 : memref<1x64xi32, #tpu.memory_space<vmem>> -> memref<64xi32, #tpu.memory_space<vmem>>
      %dma_start3A_134 = arith.constant 0 : i32
      %dma_start3A_135 = arith.constant 0 : i32
      %dma_start3A_136 = tpu.memref_slice %arg10[%dma_start3A_134, %dma_start3A_135] : memref<10008x64xf32, #tpu.memory_space<vmem_shared>> -> memref<10008x64xf32, #tpu.memory_space<vmem_shared>>
      %dma_start3A_137 = tpu.memref_slice %arg13[%rem3A_114] : memref<4x!tpu.dma_semaphore, #tpu.memory_space<semaphore_mem>> -> memref<1x!tpu.dma_semaphore, #tpu.memory_space<semaphore_mem>>
      %dma_start3A_138 = tpu.memref_squeeze %dma_start3A_137 : memref<1x!tpu.dma_semaphore, #tpu.memory_space<semaphore_mem>> -> memref<!tpu.dma_semaphore, #tpu.memory_space<semaphore_mem>>
      tpu.enqueue_indirect_dma source(%dma_start3A_130 : memref<64x64xf32, #tpu.memory_space<vmem>>) target(%dma_start3A_136 : memref<10008x64xf32, #tpu.memory_space<vmem_shared>>) offsets(%dma_start3A_133 : memref<64xi32, #tpu.memory_space<vmem>>) semaphore(%dma_start3A_138 : memref<!tpu.dma_semaphore, #tpu.memory_space<semaphore_mem>>) {add = true}
      %ge3A = arith.constant 3 : i32
      %ge3A_139 = arith.cmpi sge, %scan3A_113, %ge3A : i32
      %convert_element_type3A_140 = arith.extui %ge3A_139 : i1 to i32
      %cond3A_141 = arith.constant 0 : i32
      %cond3A_142 = arith.cmpi ne, %convert_element_type3A_140, %cond3A_141 : i32
      scf.if %cond3A_142 {
        %add3A_150 = arith.constant 1 : i32
        %add3A_151 = arith.addi %scan3A_113, %add3A_150 : i32
        %rem3A_152 = arith.constant 4 : i32
        %rem3A_153 = arith.remsi %add3A_151, %rem3A_152 : i32
        %sub3A = arith.constant 3 : i32
        %sub3A_154 = arith.subi %scan3A_113, %sub3A : i32
        %dma_wait3A_155 = arith.constant 0 : i32
        %dma_wait3A_156 = arith.constant 0 : i32
        %dma_wait3A_157 = tpu.memref_slice %arg9[%rem3A_153, %dma_wait3A_155, %dma_wait3A_156] : memref<4x64x64xf32, #tpu.memory_space<vmem>> -> memref<1x64x64xf32, #tpu.memory_space<vmem>>
        %dma_wait3A_158 = tpu.memref_squeeze %dma_wait3A_157 : memref<1x64x64xf32, #tpu.memory_space<vmem>> -> memref<64x64xf32, #tpu.memory_space<vmem>>
        %dma_wait3A_159 = arith.constant 0 : i32
        %dma_wait3A_160 = tpu.memref_slice %arg8[%sub3A_154, %dma_wait3A_159] : memref<160x64xi32, #tpu.memory_space<vmem>> -> memref<1x64xi32, #tpu.memory_space<vmem>>
        %dma_wait3A_161 = tpu.memref_squeeze %dma_wait3A_160 : memref<1x64xi32, #tpu.memory_space<vmem>> -> memref<64xi32, #tpu.memory_space<vmem>>
        %dma_wait3A_162 = arith.constant 0 : i32
        %dma_wait3A_163 = arith.constant 0 : i32
        %dma_wait3A_164 = tpu.memref_slice %arg10[%dma_wait3A_162, %dma_wait3A_163] : memref<10008x64xf32, #tpu.memory_space<vmem_shared>> -> memref<10008x64xf32, #tpu.memory_space<vmem_shared>>
        %dma_wait3A_165 = tpu.memref_slice %arg13[%rem3A_153] : memref<4x!tpu.dma_semaphore, #tpu.memory_space<semaphore_mem>> -> memref<1x!tpu.dma_semaphore, #tpu.memory_space<semaphore_mem>>
        %dma_wait3A_166 = tpu.memref_squeeze %dma_wait3A_165 : memref<1x!tpu.dma_semaphore, #tpu.memory_space<semaphore_mem>> -> memref<!tpu.dma_semaphore, #tpu.memory_space<semaphore_mem>>
        tpu.wait_indirect_dma semaphore(%dma_wait3A_166 : memref<!tpu.dma_semaphore, #tpu.memory_space<semaphore_mem>>) src(%dma_wait3A_158 : memref<64x64xf32, #tpu.memory_space<vmem>>) dst(%dma_wait3A_164 : memref<10008x64xf32, #tpu.memory_space<vmem_shared>>)
      } else {
      }
      %add3A_143 = arith.constant 3 : i32
      %add3A_144 = arith.addi %scan3A_113, %add3A_143 : i32
      %lt3A_145 = arith.constant 160 : i32
      %lt3A_146 = arith.cmpi slt, %add3A_144, %lt3A_145 : i32
      %convert_element_type3A_147 = arith.extui %lt3A_146 : i1 to i32
      %cond3A_148 = arith.constant 0 : i32
      %cond3A_149 = arith.cmpi ne, %convert_element_type3A_147, %cond3A_148 : i32
      scf.if %cond3A_149 {
        %add3A_150 = arith.constant 3 : i32
        %add3A_151 = arith.addi %scan3A_113, %add3A_150 : i32
        %rem3A_152 = arith.constant 4 : i32
        %rem3A_153 = arith.remsi %add3A_151, %rem3A_152 : i32
        %add3A_154 = arith.constant 3 : i32
        %add3A_155 = arith.addi %scan3A_113, %add3A_154 : i32
        %dma_start3A_156 = arith.constant 0 : i32
        %dma_start3A_157 = arith.constant 0 : i32
        %dma_start3A_158 = tpu.memref_slice %arg9[%rem3A_153, %dma_start3A_156, %dma_start3A_157] : memref<4x64x64xf32, #tpu.memory_space<vmem>> -> memref<1x64x64xf32, #tpu.memory_space<vmem>>
        %dma_start3A_159 = tpu.memref_squeeze %dma_start3A_158 : memref<1x64x64xf32, #tpu.memory_space<vmem>> -> memref<64x64xf32, #tpu.memory_space<vmem>>
        %dma_start3A_160 = arith.constant 0 : i32
        %dma_start3A_161 = tpu.memref_slice %arg7[%add3A_155, %dma_start3A_160] : memref<160x64xi32, #tpu.memory_space<vmem>> -> memref<1x64xi32, #tpu.memory_space<vmem>>
        %dma_start3A_162 = tpu.memref_squeeze %dma_start3A_161 : memref<1x64xi32, #tpu.memory_space<vmem>> -> memref<64xi32, #tpu.memory_space<vmem>>
        %dma_start3A_163 = arith.constant 0 : i32
        %dma_start3A_164 = arith.constant 0 : i32
        %dma_start3A_165 = tpu.memref_slice %arg11[%dma_start3A_163, %dma_start3A_164] : memref<10000x64xf32, #tpu.memory_space<vmem_shared>> -> memref<10000x64xf32, #tpu.memory_space<vmem_shared>>
        %dma_start3A_166 = tpu.memref_slice %arg12[%rem3A_153] : memref<4x!tpu.dma_semaphore, #tpu.memory_space<semaphore_mem>> -> memref<1x!tpu.dma_semaphore, #tpu.memory_space<semaphore_mem>>
        %dma_start3A_167 = tpu.memref_squeeze %dma_start3A_166 : memref<1x!tpu.dma_semaphore, #tpu.memory_space<semaphore_mem>> -> memref<!tpu.dma_semaphore, #tpu.memory_space<semaphore_mem>>
        tpu.enqueue_indirect_dma source(%dma_start3A_165 : memref<10000x64xf32, #tpu.memory_space<vmem_shared>>) target(%dma_start3A_159 : memref<64x64xf32, #tpu.memory_space<vmem>>) offsets(%dma_start3A_162 : memref<64xi32, #tpu.memory_space<vmem>>) semaphore(%dma_start3A_167 : memref<!tpu.dma_semaphore, #tpu.memory_space<semaphore_mem>>)
      } else {
      }
    }
    %scan3A_57 = arith.constant 160 : i32
    %dma_wait3A = arith.constant 1 : i32
    %dma_wait3A_58 = arith.constant 157 : i32
    %dma_wait3A_59 = arith.constant 1 : i32
    %dma_wait3A_60 = arith.constant 0 : i32
    %dma_wait3A_61 = arith.constant 0 : i32
    %dma_wait3A_62 = tpu.memref_slice %arg9[%dma_wait3A, %dma_wait3A_60, %dma_wait3A_61] : memref<4x64x64xf32, #tpu.memory_space<vmem>> -> memref<1x64x64xf32, #tpu.memory_space<vmem>>
    %dma_wait3A_63 = tpu.memref_squeeze %dma_wait3A_62 : memref<1x64x64xf32, #tpu.memory_space<vmem>> -> memref<64x64xf32, #tpu.memory_space<vmem>>
    %dma_wait3A_64 = arith.constant 0 : i32
    %dma_wait3A_65 = tpu.memref_slice %arg8[%dma_wait3A_58, %dma_wait3A_64] : memref<160x64xi32, #tpu.memory_space<vmem>> -> memref<1x64xi32, #tpu.memory_space<vmem>>
    %dma_wait3A_66 = tpu.memref_squeeze %dma_wait3A_65 : memref<1x64xi32, #tpu.memory_space<vmem>> -> memref<64xi32, #tpu.memory_space<vmem>>
    %dma_wait3A_67 = arith.constant 0 : i32
    %dma_wait3A_68 = arith.constant 0 : i32
    %dma_wait3A_69 = tpu.memref_slice %arg10[%dma_wait3A_67, %dma_wait3A_68] : memref<10008x64xf32, #tpu.memory_space<vmem_shared>> -> memref<10008x64xf32, #tpu.memory_space<vmem_shared>>
    %dma_wait3A_70 = tpu.memref_slice %arg13[%dma_wait3A_59] : memref<4x!tpu.dma_semaphore, #tpu.memory_space<semaphore_mem>> -> memref<1x!tpu.dma_semaphore, #tpu.memory_space<semaphore_mem>>
    %dma_wait3A_71 = tpu.memref_squeeze %dma_wait3A_70 : memref<1x!tpu.dma_semaphore, #tpu.memory_space<semaphore_mem>> -> memref<!tpu.dma_semaphore, #tpu.memory_space<semaphore_mem>>
    tpu.wait_indirect_dma semaphore(%dma_wait3A_71 : memref<!tpu.dma_semaphore, #tpu.memory_space<semaphore_mem>>) src(%dma_wait3A_63 : memref<64x64xf32, #tpu.memory_space<vmem>>) dst(%dma_wait3A_69 : memref<10008x64xf32, #tpu.memory_space<vmem_shared>>)
    %dma_wait3A_72 = arith.constant 2 : i32
    %dma_wait3A_73 = arith.constant 158 : i32
    %dma_wait3A_74 = arith.constant 2 : i32
    %dma_wait3A_75 = arith.constant 0 : i32
    %dma_wait3A_76 = arith.constant 0 : i32
    %dma_wait3A_77 = tpu.memref_slice %arg9[%dma_wait3A_72, %dma_wait3A_75, %dma_wait3A_76] : memref<4x64x64xf32, #tpu.memory_space<vmem>> -> memref<1x64x64xf32, #tpu.memory_space<vmem>>
    %dma_wait3A_78 = tpu.memref_squeeze %dma_wait3A_77 : memref<1x64x64xf32, #tpu.memory_space<vmem>> -> memref<64x64xf32, #tpu.memory_space<vmem>>
    %dma_wait3A_79 = arith.constant 0 : i32
    %dma_wait3A_80 = tpu.memref_slice %arg8[%dma_wait3A_73, %dma_wait3A_79] : memref<160x64xi32, #tpu.memory_space<vmem>> -> memref<1x64xi32, #tpu.memory_space<vmem>>
    %dma_wait3A_81 = tpu.memref_squeeze %dma_wait3A_80 : memref<1x64xi32, #tpu.memory_space<vmem>> -> memref<64xi32, #tpu.memory_space<vmem>>
    %dma_wait3A_82 = arith.constant 0 : i32
    %dma_wait3A_83 = arith.constant 0 : i32
    %dma_wait3A_84 = tpu.memref_slice %arg10[%dma_wait3A_82, %dma_wait3A_83] : memref<10008x64xf32, #tpu.memory_space<vmem_shared>> -> memref<10008x64xf32, #tpu.memory_space<vmem_shared>>
    %dma_wait3A_85 = tpu.memref_slice %arg13[%dma_wait3A_74] : memref<4x!tpu.dma_semaphore, #tpu.memory_space<semaphore_mem>> -> memref<1x!tpu.dma_semaphore, #tpu.memory_space<semaphore_mem>>
    %dma_wait3A_86 = tpu.memref_squeeze %dma_wait3A_85 : memref<1x!tpu.dma_semaphore, #tpu.memory_space<semaphore_mem>> -> memref<!tpu.dma_semaphore, #tpu.memory_space<semaphore_mem>>
    tpu.wait_indirect_dma semaphore(%dma_wait3A_86 : memref<!tpu.dma_semaphore, #tpu.memory_space<semaphore_mem>>) src(%dma_wait3A_78 : memref<64x64xf32, #tpu.memory_space<vmem>>) dst(%dma_wait3A_84 : memref<10008x64xf32, #tpu.memory_space<vmem_shared>>)
    %dma_wait3A_87 = arith.constant 3 : i32
    %dma_wait3A_88 = arith.constant 159 : i32
    %dma_wait3A_89 = arith.constant 3 : i32
    %dma_wait3A_90 = arith.constant 0 : i32
    %dma_wait3A_91 = arith.constant 0 : i32
    %dma_wait3A_92 = tpu.memref_slice %arg9[%dma_wait3A_87, %dma_wait3A_90, %dma_wait3A_91] : memref<4x64x64xf32, #tpu.memory_space<vmem>> -> memref<1x64x64xf32, #tpu.memory_space<vmem>>
    %dma_wait3A_93 = tpu.memref_squeeze %dma_wait3A_92 : memref<1x64x64xf32, #tpu.memory_space<vmem>> -> memref<64x64xf32, #tpu.memory_space<vmem>>
    %dma_wait3A_94 = arith.constant 0 : i32
    %dma_wait3A_95 = tpu.memref_slice %arg8[%dma_wait3A_88, %dma_wait3A_94] : memref<160x64xi32, #tpu.memory_space<vmem>> -> memref<1x64xi32, #tpu.memory_space<vmem>>
    %dma_wait3A_96 = tpu.memref_squeeze %dma_wait3A_95 : memref<1x64xi32, #tpu.memory_space<vmem>> -> memref<64xi32, #tpu.memory_space<vmem>>
    %dma_wait3A_97 = arith.constant 0 : i32
    %dma_wait3A_98 = arith.constant 0 : i32
    %dma_wait3A_99 = tpu.memref_slice %arg10[%dma_wait3A_97, %dma_wait3A_98] : memref<10008x64xf32, #tpu.memory_space<vmem_shared>> -> memref<10008x64xf32, #tpu.memory_space<vmem_shared>>
    %dma_wait3A_100 = tpu.memref_slice %arg13[%dma_wait3A_89] : memref<4x!tpu.dma_semaphore, #tpu.memory_space<semaphore_mem>> -> memref<1x!tpu.dma_semaphore, #tpu.memory_space<semaphore_mem>>
    %dma_wait3A_101 = tpu.memref_squeeze %dma_wait3A_100 : memref<1x!tpu.dma_semaphore, #tpu.memory_space<semaphore_mem>> -> memref<!tpu.dma_semaphore, #tpu.memory_space<semaphore_mem>>
    tpu.wait_indirect_dma semaphore(%dma_wait3A_101 : memref<!tpu.dma_semaphore, #tpu.memory_space<semaphore_mem>>) src(%dma_wait3A_93 : memref<64x64xf32, #tpu.memory_space<vmem>>) dst(%dma_wait3A_99 : memref<10008x64xf32, #tpu.memory_space<vmem_shared>>)
    %barrier3A_102 = arith.constant 0 : index
    tpu.barrier barrier_id(%barrier3A_102)
    %lt3A_103 = arith.constant 15 : i32
    %lt3A_104 = arith.cmpi slt, %arg1, %lt3A_103 : i32
    %convert_element_type3A_105 = arith.extui %lt3A_104 : i1 to i32
    %cond3A_106 = arith.constant 0 : i32
    %cond3A_107 = arith.cmpi ne, %convert_element_type3A_105, %cond3A_106 : i32
    scf.if %cond3A_107 {
      %mul3A_113 = arith.constant 632 : i32
      %mul3A_114 = arith.muli %arg1, %mul3A_113 : i32
      %mul3A_115 = arith.constant 632 : i32
      %mul3A_116 = arith.muli %arg1, %mul3A_115 : i32
      "tpu.region"() ({
        %run_scoped3A = tpu.sem_alloc : memref<!tpu.dma_semaphore, #tpu.memory_space<semaphore_mem>>
        %dma_start3A_117 = arith.constant 0 : i32
        %dma_start3A_118 = tpu.memref_slice %arg6[%arg0, %mul3A_116, %dma_start3A_117] : memref<2x10000x64xf32, #tpu.memory_space<hbm>> -> memref<1x632x64xf32, #tpu.memory_space<hbm>>
        %dma_start3A_119 = tpu.memref_squeeze %dma_start3A_118 : memref<1x632x64xf32, #tpu.memory_space<hbm>> -> memref<632x64xf32, #tpu.memory_space<hbm>>
        %dma_start3A_120 = arith.constant 0 : i32
        %dma_start3A_121 = tpu.memref_slice %arg10[%mul3A_114, %dma_start3A_120] : memref<10008x64xf32, #tpu.memory_space<vmem_shared>> -> memref<632x64xf32, #tpu.memory_space<vmem_shared>>
        tpu.enqueue_dma source(%dma_start3A_121 : memref<632x64xf32, #tpu.memory_space<vmem_shared>>) target(%dma_start3A_119 : memref<632x64xf32, #tpu.memory_space<hbm>>) target_semaphore(%run_scoped3A : memref<!tpu.dma_semaphore, #tpu.memory_space<semaphore_mem>>)
        %dma_wait3A_122 = arith.constant 0 : i32
        %dma_wait3A_123 = tpu.memref_slice %arg6[%arg0, %mul3A_116, %dma_wait3A_122] : memref<2x10000x64xf32, #tpu.memory_space<hbm>> -> memref<1x632x64xf32, #tpu.memory_space<hbm>>
        %dma_wait3A_124 = tpu.memref_squeeze %dma_wait3A_123 : memref<1x632x64xf32, #tpu.memory_space<hbm>> -> memref<632x64xf32, #tpu.memory_space<hbm>>
        %dma_wait3A_125 = arith.constant 0 : i32
        %dma_wait3A_126 = tpu.memref_slice %arg10[%mul3A_114, %dma_wait3A_125] : memref<10008x64xf32, #tpu.memory_space<vmem_shared>> -> memref<632x64xf32, #tpu.memory_space<vmem_shared>>
        tpu.wait_dma2 semaphore(%run_scoped3A : memref<!tpu.dma_semaphore, #tpu.memory_space<semaphore_mem>>) src(%dma_wait3A_126 : memref<632x64xf32, #tpu.memory_space<vmem_shared>>) dst(%dma_wait3A_124 : memref<632x64xf32, #tpu.memory_space<hbm>>)
        tpu.yield
      }) : () -> ()
    } else {
    }
    %eq3A_108 = arith.constant 15 : i32
    %eq3A_109 = arith.cmpi eq, %arg1, %eq3A_108 : i32
    %convert_element_type3A_110 = arith.extui %eq3A_109 : i1 to i32
    %cond3A_111 = arith.constant 0 : i32
    %cond3A_112 = arith.cmpi ne, %convert_element_type3A_110, %cond3A_111 : i32
    scf.if %cond3A_112 {
      "tpu.region"() ({
        %run_scoped3A = tpu.sem_alloc : memref<!tpu.dma_semaphore, #tpu.memory_space<semaphore_mem>>
        %dma_start3A_113 = arith.constant 9480 : i32
        %dma_start3A_114 = arith.constant 0 : i32
        %dma_start3A_115 = tpu.memref_slice %arg6[%arg0, %dma_start3A_113, %dma_start3A_114] : memref<2x10000x64xf32, #tpu.memory_space<hbm>> -> memref<1x520x64xf32, #tpu.memory_space<hbm>>
        %dma_start3A_116 = tpu.memref_squeeze %dma_start3A_115 : memref<1x520x64xf32, #tpu.memory_space<hbm>> -> memref<520x64xf32, #tpu.memory_space<hbm>>
        %dma_start3A_117 = arith.constant 9480 : i32
        %dma_start3A_118 = arith.constant 0 : i32
        %dma_start3A_119 = tpu.memref_slice %arg10[%dma_start3A_117, %dma_start3A_118] : memref<10008x64xf32, #tpu.memory_space<vmem_shared>> -> memref<520x64xf32, #tpu.memory_space<vmem_shared>>
        tpu.enqueue_dma source(%dma_start3A_119 : memref<520x64xf32, #tpu.memory_space<vmem_shared>>) target(%dma_start3A_116 : memref<520x64xf32, #tpu.memory_space<hbm>>) target_semaphore(%run_scoped3A : memref<!tpu.dma_semaphore, #tpu.memory_space<semaphore_mem>>)
        %dma_wait3A_120 = arith.constant 9480 : i32
        %dma_wait3A_121 = arith.constant 0 : i32
        %dma_wait3A_122 = tpu.memref_slice %arg6[%arg0, %dma_wait3A_120, %dma_wait3A_121] : memref<2x10000x64xf32, #tpu.memory_space<hbm>> -> memref<1x520x64xf32, #tpu.memory_space<hbm>>
        %dma_wait3A_123 = tpu.memref_squeeze %dma_wait3A_122 : memref<1x520x64xf32, #tpu.memory_space<hbm>> -> memref<520x64xf32, #tpu.memory_space<hbm>>
        %dma_wait3A_124 = arith.constant 9480 : i32
        %dma_wait3A_125 = arith.constant 0 : i32
        %dma_wait3A_126 = tpu.memref_slice %arg10[%dma_wait3A_124, %dma_wait3A_125] : memref<10008x64xf32, #tpu.memory_space<vmem_shared>> -> memref<520x64xf32, #tpu.memory_space<vmem_shared>>
        tpu.wait_dma2 semaphore(%run_scoped3A : memref<!tpu.dma_semaphore, #tpu.memory_space<semaphore_mem>>) src(%dma_wait3A_126 : memref<520x64xf32, #tpu.memory_space<vmem_shared>>) dst(%dma_wait3A_123 : memref<520x64xf32, #tpu.memory_space<hbm>>)
        tpu.yield
      }) : () -> ()
    } else {
    }
    return
  }
}

module attributes {stable_mosaic.version = 14 : i64} {
  func.func @_mm_body(%arg0: i32, %arg1: memref<2000x128xf32, #tpu.memory_space<vmem>>, %arg2: memref<128x64xf32, #tpu.memory_space<vmem>>, %arg3: memref<2000x64xf32, #tpu.memory_space<vmem>>) attributes {dimension_semantics = [#tpu.dimension_semantics<arbitrary>], iteration_bounds = array<i64: 5>, scalar_prefetch = 0 : i64, scratch_operands = 0 : i64, tpu.core_type = #tpu.core_type<tc>, window_params = [{transform_indices = @transform_0, window_bounds = array<i64: 2000, 128>}, {pipeline_mode = #tpu.pipeline_mode<synchronous>, transform_indices = @transform_1, window_bounds = array<i64: 128, 64>}, {transform_indices = @transform_2, window_bounds = array<i64: 2000, 64>}]} {
    %get3A = arith.constant 0 : index
    %get3A_0 = arith.constant 0 : index
    %get3A_1 = vector.load %arg1[%get3A, %get3A_0] : memref<2000x128xf32, #tpu.memory_space<vmem>>, vector<2000x128xf32>
    %get3A_2 = arith.constant 0 : index
    %get3A_3 = arith.constant 0 : index
    %get3A_4 = vector.load %arg2[%get3A_2, %get3A_3] : memref<128x64xf32, #tpu.memory_space<vmem>>, vector<128x64xf32>
    %dot_general3A = arith.constant dense<0.000000e+00> : vector<2000x64xf32>
    %dot_general3A_5 = tpu.matmul %get3A_1, %get3A_4, %dot_general3A {dimension_numbers = #tpu.dot_dimension_numbers<[1], [0], [0], [1], [0, 0, 1, 1], [], []>, precision = #tpu.contract_precision<fp32>, transpose_lhs_hint = false} : vector<2000x128xf32>, vector<128x64xf32>, vector<2000x64xf32> -> vector<2000x64xf32>
    %swap3A = arith.constant 0 : index
    %swap3A_6 = arith.constant 0 : index
    %swap3A_7 = vector.load %arg3[%swap3A, %swap3A_6] : memref<2000x64xf32, #tpu.memory_space<vmem>>, vector<2000x64xf32>
    tpu.vector_store %arg3[%swap3A, %swap3A_6], %dot_general3A_5 {strides = array<i32>} : memref<2000x64xf32, #tpu.memory_space<vmem>>, vector<2000x64xf32>,
    return
  }
  func.func @transform_0(%arg0: i32) -> (i32, i32) {
    %c0_i32 = arith.constant 0 : i32
    %c0_i32_0 = arith.constant 0 : i32
    return %arg0, %c0_i32 : i32, i32
  }
  func.func @transform_1(%arg0: i32) -> (i32, i32) {
    %c0_i32 = arith.constant 0 : i32
    %c0_i32_0 = arith.constant 0 : i32
    %c0_i32_1 = arith.constant 0 : i32
    return %c0_i32, %c0_i32_0 : i32, i32
  }
  func.func @transform_2(%arg0: i32) -> (i32, i32) {
    %c0_i32 = arith.constant 0 : i32
    %c0_i32_0 = arith.constant 0 : i32
    return %arg0, %c0_i32 : i32, i32
  }
}

module attributes {stable_mosaic.version = 14 : i64} {
  func.func @_relu_sum_body(%arg0: i32, %arg1: memref<2x2000x64xf32, #tpu.memory_space<vmem>>, %arg2: memref<1x64xf32, #tpu.memory_space<vmem>>, %arg3: memref<2000x64xf32, #tpu.memory_space<vmem>>) attributes {dimension_semantics = [#tpu.dimension_semantics<arbitrary>], iteration_bounds = array<i64: 5>, scalar_prefetch = 0 : i64, scratch_operands = 0 : i64, tpu.core_type = #tpu.core_type<tc>, window_params = [{transform_indices = @transform_0, window_bounds = array<i64: 2, 2000, 64>}, {pipeline_mode = #tpu.pipeline_mode<synchronous>, transform_indices = @transform_1, window_bounds = array<i64: 1, 64>}, {transform_indices = @transform_2, window_bounds = array<i64: 2000, 64>}]} {
    %get3A = arith.constant 0 : index
    %get3A_0 = arith.constant 0 : index
    %get3A_1 = arith.constant 0 : index
    %get3A_2 = vector.load %arg1[%get3A, %get3A_0, %get3A_1] : memref<2x2000x64xf32, #tpu.memory_space<vmem>>, vector<1x2000x64xf32>
    %get3A_3 = vector.shape_cast %get3A_2 : vector<1x2000x64xf32> to vector<2000x64xf32>
    %get3A_4 = arith.constant 1 : index
    %get3A_5 = arith.constant 0 : index
    %get3A_6 = arith.constant 0 : index
    %get3A_7 = vector.load %arg1[%get3A_4, %get3A_5, %get3A_6] : memref<2x2000x64xf32, #tpu.memory_space<vmem>>, vector<1x2000x64xf32>
    %get3A_8 = vector.shape_cast %get3A_7 : vector<1x2000x64xf32> to vector<2000x64xf32>
    %add3A = arith.addf %get3A_3, %get3A_8 : vector<2000x64xf32>
    %get3A_9 = arith.constant 0 : index
    %get3A_10 = arith.constant 0 : index
    %get3A_11 = vector.load %arg2[%get3A_9, %get3A_10] : memref<1x64xf32, #tpu.memory_space<vmem>>, vector<1x64xf32>
    %add3A_12 = vector.broadcast %get3A_11 : vector<1x64xf32> to vector<2000x64xf32>
    %add3A_13 = arith.addf %add3A, %add3A_12 : vector<2000x64xf32>
    %max3A = arith.constant 0.000000e+00 : f32
    %max3A_14 = vector.broadcast %max3A : f32 to vector<2000x64xf32>
    %max3A_15 = arith.maximumf %add3A_13, %max3A_14 : vector<2000x64xf32>
    %swap3A = arith.constant 0 : index
    %swap3A_16 = arith.constant 0 : index
    %swap3A_17 = vector.load %arg3[%swap3A, %swap3A_16] : memref<2000x64xf32, #tpu.memory_space<vmem>>, vector<2000x64xf32>
    tpu.vector_store %arg3[%swap3A, %swap3A_16], %max3A_15 {strides = array<i32>} : memref<2000x64xf32, #tpu.memory_space<vmem>>, vector<2000x64xf32>,
    return
  }
  func.func @transform_0(%arg0: i32) -> (i32, i32, i32) {
    %c0_i32 = arith.constant 0 : i32
    %c0_i32_0 = arith.constant 0 : i32
    %c0_i32_1 = arith.constant 0 : i32
    return %c0_i32, %arg0, %c0_i32_0 : i32, i32, i32
  }
  func.func @transform_1(%arg0: i32) -> (i32, i32) {
    %c0_i32 = arith.constant 0 : i32
    %c0_i32_0 = arith.constant 0 : i32
    %c0_i32_1 = arith.constant 0 : i32
    return %c0_i32, %c0_i32_0 : i32, i32
  }
  func.func @transform_2(%arg0: i32) -> (i32, i32) {
    %c0_i32 = arith.constant 0 : i32
    %c0_i32_0 = arith.constant 0 : i32
    return %arg0, %c0_i32 : i32, i32
  }
}

module attributes {stable_mosaic.version = 14 : i64} {
  func.func @_poolx_body(%arg0: i32, %arg1: memref<2000x128xf32, #tpu.memory_space<vmem>>, %arg2: memref<2000x1xi32, #tpu.memory_space<vmem>>, %arg3: memref<64x640xf32, #tpu.memory_space<vmem>>, %arg4: memref<64x128xf32, #tpu.memory_space<vmem>>, %arg5: memref<64x128xf32, #tpu.memory_space<vmem>>, %arg6: memref<64x128xf32, #tpu.memory_space<vmem>>, %arg7: memref<64x128xf32, #tpu.memory_space<vmem>>, %arg8: memref<64x128xf32, #tpu.memory_space<vmem>>) attributes {dimension_semantics = [#tpu.dimension_semantics<arbitrary>], iteration_bounds = array<i64: 5>, scalar_prefetch = 0 : i64, scratch_operands = 5 : i64, tpu.core_type = #tpu.core_type<tc>, window_params = [{transform_indices = @transform_0, window_bounds = array<i64: 2000, 128>}, {transform_indices = @transform_1, window_bounds = array<i64: 2000, 1>}, {pipeline_mode = #tpu.pipeline_mode<synchronous>, transform_indices = @transform_2, window_bounds = array<i64: 64, 640>}]} {
    %eq3A = arith.constant 0 : i32
    %eq3A_0 = arith.cmpi eq, %arg0, %eq3A : i32
    %convert_element_type3A = arith.extui %eq3A_0 : i1 to i32
    %cond3A = arith.constant 0 : i32
    %cond3A_1 = arith.cmpi ne, %convert_element_type3A, %cond3A : i32
    scf.if %cond3A_1 {
      %broadcast_in_dim3A_60 = arith.constant 0.000000e+00 : f32
      %broadcast_in_dim3A_61 = vector.broadcast %broadcast_in_dim3A_60 : f32 to vector<64x128xf32>
      %swap3A_62 = arith.constant 0 : index
      %swap3A_63 = arith.constant 0 : index
      %swap3A_64 = vector.load %arg4[%swap3A_62, %swap3A_63] : memref<64x128xf32, #tpu.memory_space<vmem>>, vector<64x128xf32>
      tpu.vector_store %arg4[%swap3A_62, %swap3A_63], %broadcast_in_dim3A_61 {strides = array<i32>} : memref<64x128xf32, #tpu.memory_space<vmem>>, vector<64x128xf32>,
      %broadcast_in_dim3A_65 = arith.constant 0.000000e+00 : f32
      %broadcast_in_dim3A_66 = vector.broadcast %broadcast_in_dim3A_65 : f32 to vector<64x128xf32>
      %swap3A_67 = arith.constant 0 : index
      %swap3A_68 = arith.constant 0 : index
      %swap3A_69 = vector.load %arg5[%swap3A_67, %swap3A_68] : memref<64x128xf32, #tpu.memory_space<vmem>>, vector<64x128xf32>
      tpu.vector_store %arg5[%swap3A_67, %swap3A_68], %broadcast_in_dim3A_66 {strides = array<i32>} : memref<64x128xf32, #tpu.memory_space<vmem>>, vector<64x128xf32>,
      %broadcast_in_dim3A_70 = arith.constant 0.000000e+00 : f32
      %broadcast_in_dim3A_71 = vector.broadcast %broadcast_in_dim3A_70 : f32 to vector<64x128xf32>
      %swap3A_72 = arith.constant 0 : index
      %swap3A_73 = arith.constant 0 : index
      %swap3A_74 = vector.load %arg6[%swap3A_72, %swap3A_73] : memref<64x128xf32, #tpu.memory_space<vmem>>, vector<64x128xf32>
      tpu.vector_store %arg6[%swap3A_72, %swap3A_73], %broadcast_in_dim3A_71 {strides = array<i32>} : memref<64x128xf32, #tpu.memory_space<vmem>>, vector<64x128xf32>,
      %broadcast_in_dim3A_75 = arith.constant 0xFF800000 : f32
      %broadcast_in_dim3A_76 = vector.broadcast %broadcast_in_dim3A_75 : f32 to vector<64x128xf32>
      %swap3A_77 = arith.constant 0 : index
      %swap3A_78 = arith.constant 0 : index
      %swap3A_79 = vector.load %arg7[%swap3A_77, %swap3A_78] : memref<64x128xf32, #tpu.memory_space<vmem>>, vector<64x128xf32>
      tpu.vector_store %arg7[%swap3A_77, %swap3A_78], %broadcast_in_dim3A_76 {strides = array<i32>} : memref<64x128xf32, #tpu.memory_space<vmem>>, vector<64x128xf32>,
      %broadcast_in_dim3A_80 = arith.constant 0x7F800000 : f32
      %broadcast_in_dim3A_81 = vector.broadcast %broadcast_in_dim3A_80 : f32 to vector<64x128xf32>
      %swap3A_82 = arith.constant 0 : index
      %swap3A_83 = arith.constant 0 : index
      %swap3A_84 = vector.load %arg8[%swap3A_82, %swap3A_83] : memref<64x128xf32, #tpu.memory_space<vmem>>, vector<64x128xf32>
      tpu.vector_store %arg8[%swap3A_82, %swap3A_83], %broadcast_in_dim3A_81 {strides = array<i32>} : memref<64x128xf32, #tpu.memory_space<vmem>>, vector<64x128xf32>,
    } else {
    }
    %get3A = arith.constant 0 : index
    %get3A_2 = arith.constant 0 : index
    %get3A_3 = vector.load %arg1[%get3A, %get3A_2] : memref<2000x128xf32, #tpu.memory_space<vmem>>, vector<2000x128xf32>
    %get3A_4 = arith.constant 0 : index
    %get3A_5 = arith.constant 0 : index
    %get3A_6 = vector.load %arg2[%get3A_4, %get3A_5] : memref<2000x1xi32, #tpu.memory_space<vmem>>, vector<2000x1xi32>
    %iota3A = tpu.iota {dimensions = array<i32: 1>} : vector<2000x64xi32>
    %eq3A_7 = vector.broadcast %get3A_6 : vector<2000x1xi32> to vector<2000x64xi32>
    %eq3A_8 = arith.cmpi eq, %eq3A_7, %iota3A : vector<2000x64xi32>
    %convert_element_type3A_9 = arith.extui %eq3A_8 : vector<2000x64xi1> to vector<2000x64xi32>
    %convert_element_type3A_10 = arith.sitofp %convert_element_type3A_9 : vector<2000x64xi32> to vector<2000x64xf32>
    %broadcast_in_dim3A = arith.constant 1.000000e+00 : f32
    %broadcast_in_dim3A_11 = vector.broadcast %broadcast_in_dim3A : f32 to vector<2000x128xf32>
    %get3A_12 = arith.constant 0 : index
    %get3A_13 = arith.constant 0 : index
    %get3A_14 = vector.load %arg4[%get3A_12, %get3A_13] : memref<64x128xf32, #tpu.memory_space<vmem>>, vector<64x128xf32>
    %dot_general3A = arith.constant dense<0.000000e+00> : vector<64x128xf32>
    %dot_general3A_15 = tpu.matmul %convert_element_type3A_10, %broadcast_in_dim3A_11, %dot_general3A {dimension_numbers = #tpu.dot_dimension_numbers<[0], [0], [1], [1], [0, 1, 1, 1], [], []>, precision = #tpu.contract_precision<fp32>, transpose_lhs_hint = false} : vector<2000x64xf32>, vector<2000x128xf32>, vector<64x128xf32> -> vector<64x128xf32>
    %add3A = arith.addf %get3A_14, %dot_general3A_15 : vector<64x128xf32>
    %swap3A = arith.constant 0 : index
    %swap3A_16 = arith.constant 0 : index
    %swap3A_17 = vector.load %arg4[%swap3A, %swap3A_16] : memref<64x128xf32, #tpu.memory_space<vmem>>, vector<64x128xf32>
    tpu.vector_store %arg4[%swap3A, %swap3A_16], %add3A {strides = array<i32>} : memref<64x128xf32, #tpu.memory_space<vmem>>, vector<64x128xf32>,
    %get3A_18 = arith.constant 0 : index
    %get3A_19 = arith.constant 0 : index
    %get3A_20 = vector.load %arg5[%get3A_18, %get3A_19] : memref<64x128xf32, #tpu.memory_space<vmem>>, vector<64x128xf32>
    %dot_general3A_21 = arith.constant dense<0.000000e+00> : vector<64x128xf32>
    %dot_general3A_22 = tpu.matmul %convert_element_type3A_10, %get3A_3, %dot_general3A_21 {dimension_numbers = #tpu.dot_dimension_numbers<[0], [0], [1], [1], [0, 1, 1, 1], [], []>, precision = #tpu.contract_precision<fp32>, transpose_lhs_hint = false} : vector<2000x64xf32>, vector<2000x128xf32>, vector<64x128xf32> -> vector<64x128xf32>
    %add3A_23 = arith.addf %get3A_20, %dot_general3A_22 : vector<64x128xf32>
    %swap3A_24 = arith.constant 0 : index
    %swap3A_25 = arith.constant 0 : index
    %swap3A_26 = vector.load %arg5[%swap3A_24, %swap3A_25] : memref<64x128xf32, #tpu.memory_space<vmem>>, vector<64x128xf32>
    tpu.vector_store %arg5[%swap3A_24, %swap3A_25], %add3A_23 {strides = array<i32>} : memref<64x128xf32, #tpu.memory_space<vmem>>, vector<64x128xf32>,
    %get3A_27 = arith.constant 0 : index
    %get3A_28 = arith.constant 0 : index
    %get3A_29 = vector.load %arg6[%get3A_27, %get3A_28] : memref<64x128xf32, #tpu.memory_space<vmem>>, vector<64x128xf32>
    %mul3A = arith.mulf %get3A_3, %get3A_3 : vector<2000x128xf32>
    %dot_general3A_30 = arith.constant dense<0.000000e+00> : vector<64x128xf32>
    %dot_general3A_31 = tpu.matmul %convert_element_type3A_10, %mul3A, %dot_general3A_30 {dimension_numbers = #tpu.dot_dimension_numbers<[0], [0], [1], [1], [0, 1, 1, 1], [], []>, precision = #tpu.contract_precision<fp32>, transpose_lhs_hint = false} : vector<2000x64xf32>, vector<2000x128xf32>, vector<64x128xf32> -> vector<64x128xf32>
    %add3A_32 = arith.addf %get3A_29, %dot_general3A_31 : vector<64x128xf32>
    %swap3A_33 = arith.constant 0 : index
    %swap3A_34 = arith.constant 0 : index
    %swap3A_35 = vector.load %arg6[%swap3A_33, %swap3A_34] : memref<64x128xf32, #tpu.memory_space<vmem>>, vector<64x128xf32>
    tpu.vector_store %arg6[%swap3A_33, %swap3A_34], %add3A_32 {strides = array<i32>} : memref<64x128xf32, #tpu.memory_space<vmem>>, vector<64x128xf32>,
    %get3A_36 = arith.constant 0 : index
    %get3A_37 = arith.constant 0 : index
    %get3A_38 = vector.load %arg2[%get3A_36, %get3A_37] : memref<2000x1xi32, #tpu.memory_space<vmem>>, vector<1x1xi32>
    %get3A_39 = vector.extract %get3A_38[0, 0] : i32 from vector<1x1xi32>
    %get3A_40 = arith.constant 1999 : index
    %get3A_41 = arith.constant 0 : index
    %get3A_42 = vector.load %arg2[%get3A_40, %get3A_41] : memref<2000x1xi32, #tpu.memory_space<vmem>>, vector<1x1xi32>
    %get3A_43 = vector.extract %get3A_42[0, 0] : i32 from vector<1x1xi32>
    %iota3A_44 = tpu.iota {dimensions = array<i32: 0>} : vector<64x1xi32>
    %add3A_45 = arith.constant 1 : i32
    %add3A_46 = arith.addi %get3A_43, %add3A_45 : i32
    %while3A = arith.constant 0 : i32
    %while3A_47 = arith.subi %add3A_46, %get3A_39 : i32
    %while3A_48 = arith.addi %get3A_39, %while3A_47 : i32
    %while3A_49 = arith.constant 1 : i32
    %while3A_50 = arith.divsi %while3A_47, %while3A_49 : i32
    %while3A_51 = arith.muli %while3A_50, %while3A_49 : i32
    %while3A_52 = arith.addi %get3A_39, %while3A_51 : i32
    %while3A_53 = arith.constant 1 : i32
    scf.for %while3A_60 = %get3A_39 to %while3A_52 step %while3A_53  : i32 {
      %eq3A_61 = vector.broadcast %while3A_60 : i32 to vector<2000x1xi32>
      %eq3A_62 = arith.cmpi eq, %get3A_6, %eq3A_61 : vector<2000x1xi32>
      %jit3A = arith.constant 0xFF800000 : f32
      %broadcast_in_dim3A_63 = vector.shape_cast %eq3A_62 : vector<2000x1xi1> to vector<2000x1xi1>
      %broadcast_in_dim3A_64 = vector.broadcast %broadcast_in_dim3A_63 : vector<2000x1xi1> to vector<2000x128xi1>
      %broadcast_in_dim3A_65 = vector.broadcast %jit3A : f32 to vector<2000x128xf32>
      %select_n3A = arith.select %broadcast_in_dim3A_64, %get3A_3, %broadcast_in_dim3A_65 : vector<2000x128xi1>, vector<2000x128xf32>
      %reduce_max3A = arith.constant dense<0xFF800000> : vector<128xf32>
      %reduce_max3A_66 = vector.multi_reduction <maximumf>, %select_n3A, %reduce_max3A [0] : vector<2000x128xf32> to vector<128xf32>
      %broadcast_in_dim3A_67 = vector.shape_cast %reduce_max3A_66 : vector<128xf32> to vector<1x128xf32>
      %jit3A_68 = arith.constant 0x7F800000 : f32
      %broadcast_in_dim3A_69 = vector.shape_cast %eq3A_62 : vector<2000x1xi1> to vector<2000x1xi1>
      %broadcast_in_dim3A_70 = vector.broadcast %broadcast_in_dim3A_69 : vector<2000x1xi1> to vector<2000x128xi1>
      %broadcast_in_dim3A_71 = vector.broadcast %jit3A_68 : f32 to vector<2000x128xf32>
      %select_n3A_72 = arith.select %broadcast_in_dim3A_70, %get3A_3, %broadcast_in_dim3A_71 : vector<2000x128xi1>, vector<2000x128xf32>
      %reduce_min3A = arith.constant dense<0x7F800000> : vector<128xf32>
      %reduce_min3A_73 = vector.multi_reduction <minimumf>, %select_n3A_72, %reduce_min3A [0] : vector<2000x128xf32> to vector<128xf32>
      %broadcast_in_dim3A_74 = vector.shape_cast %reduce_min3A_73 : vector<128xf32> to vector<1x128xf32>
      %eq3A_75 = vector.broadcast %while3A_60 : i32 to vector<64x1xi32>
      %eq3A_76 = arith.cmpi eq, %iota3A_44, %eq3A_75 : vector<64x1xi32>
      %get3A_77 = arith.constant 0 : index
      %get3A_78 = arith.constant 0 : index
      %get3A_79 = vector.load %arg7[%get3A_77, %get3A_78] : memref<64x128xf32, #tpu.memory_space<vmem>>, vector<64x128xf32>
      %max3A = vector.broadcast %broadcast_in_dim3A_67 : vector<1x128xf32> to vector<64x128xf32>
      %max3A_80 = arith.maximumf %get3A_79, %max3A : vector<64x128xf32>
      %get3A_81 = arith.constant 0 : index
      %get3A_82 = arith.constant 0 : index
      %get3A_83 = vector.load %arg7[%get3A_81, %get3A_82] : memref<64x128xf32, #tpu.memory_space<vmem>>, vector<64x128xf32>
      %broadcast_in_dim3A_84 = vector.shape_cast %eq3A_76 : vector<64x1xi1> to vector<64x1xi1>
      %broadcast_in_dim3A_85 = vector.broadcast %broadcast_in_dim3A_84 : vector<64x1xi1> to vector<64x128xi1>
      %select_n3A_86 = arith.select %broadcast_in_dim3A_85, %max3A_80, %get3A_83 : vector<64x128xi1>, vector<64x128xf32>
      %swap3A_87 = arith.constant 0 : index
      %swap3A_88 = arith.constant 0 : index
      %swap3A_89 = vector.load %arg7[%swap3A_87, %swap3A_88] : memref<64x128xf32, #tpu.memory_space<vmem>>, vector<64x128xf32>
      tpu.vector_store %arg7[%swap3A_87, %swap3A_88], %select_n3A_86 {strides = array<i32>} : memref<64x128xf32, #tpu.memory_space<vmem>>, vector<64x128xf32>,
      %get3A_90 = arith.constant 0 : index
      %get3A_91 = arith.constant 0 : index
      %get3A_92 = vector.load %arg8[%get3A_90, %get3A_91] : memref<64x128xf32, #tpu.memory_space<vmem>>, vector<64x128xf32>
      %min3A = vector.broadcast %broadcast_in_dim3A_74 : vector<1x128xf32> to vector<64x128xf32>
      %min3A_93 = arith.minimumf %get3A_92, %min3A : vector<64x128xf32>
      %get3A_94 = arith.constant 0 : index
      %get3A_95 = arith.constant 0 : index
      %get3A_96 = vector.load %arg8[%get3A_94, %get3A_95] : memref<64x128xf32, #tpu.memory_space<vmem>>, vector<64x128xf32>
      %broadcast_in_dim3A_97 = vector.shape_cast %eq3A_76 : vector<64x1xi1> to vector<64x1xi1>
      %broadcast_in_dim3A_98 = vector.broadcast %broadcast_in_dim3A_97 : vector<64x1xi1> to vector<64x128xi1>
      %select_n3A_99 = arith.select %broadcast_in_dim3A_98, %min3A_93, %get3A_96 : vector<64x128xi1>, vector<64x128xf32>
      %swap3A_100 = arith.constant 0 : index
      %swap3A_101 = arith.constant 0 : index
      %swap3A_102 = vector.load %arg8[%swap3A_100, %swap3A_101] : memref<64x128xf32, #tpu.memory_space<vmem>>, vector<64x128xf32>
      tpu.vector_store %arg8[%swap3A_100, %swap3A_101], %select_n3A_99 {strides = array<i32>} : memref<64x128xf32, #tpu.memory_space<vmem>>, vector<64x128xf32>,
    }
    %while3A_54 = arith.constant 1 : i32
    scf.for %while3A_60 = %while3A_52 to %while3A_48 step %while3A_54  : i32 {
      %eq3A_61 = vector.broadcast %while3A_60 : i32 to vector<2000x1xi32>
      %eq3A_62 = arith.cmpi eq, %get3A_6, %eq3A_61 : vector<2000x1xi32>
      %jit3A = arith.constant 0xFF800000 : f32
      %broadcast_in_dim3A_63 = vector.shape_cast %eq3A_62 : vector<2000x1xi1> to vector<2000x1xi1>
      %broadcast_in_dim3A_64 = vector.broadcast %broadcast_in_dim3A_63 : vector<2000x1xi1> to vector<2000x128xi1>
      %broadcast_in_dim3A_65 = vector.broadcast %jit3A : f32 to vector<2000x128xf32>
      %select_n3A = arith.select %broadcast_in_dim3A_64, %get3A_3, %broadcast_in_dim3A_65 : vector<2000x128xi1>, vector<2000x128xf32>
      %reduce_max3A = arith.constant dense<0xFF800000> : vector<128xf32>
      %reduce_max3A_66 = vector.multi_reduction <maximumf>, %select_n3A, %reduce_max3A [0] : vector<2000x128xf32> to vector<128xf32>
      %broadcast_in_dim3A_67 = vector.shape_cast %reduce_max3A_66 : vector<128xf32> to vector<1x128xf32>
      %jit3A_68 = arith.constant 0x7F800000 : f32
      %broadcast_in_dim3A_69 = vector.shape_cast %eq3A_62 : vector<2000x1xi1> to vector<2000x1xi1>
      %broadcast_in_dim3A_70 = vector.broadcast %broadcast_in_dim3A_69 : vector<2000x1xi1> to vector<2000x128xi1>
      %broadcast_in_dim3A_71 = vector.broadcast %jit3A_68 : f32 to vector<2000x128xf32>
      %select_n3A_72 = arith.select %broadcast_in_dim3A_70, %get3A_3, %broadcast_in_dim3A_71 : vector<2000x128xi1>, vector<2000x128xf32>
      %reduce_min3A = arith.constant dense<0x7F800000> : vector<128xf32>
      %reduce_min3A_73 = vector.multi_reduction <minimumf>, %select_n3A_72, %reduce_min3A [0] : vector<2000x128xf32> to vector<128xf32>
      %broadcast_in_dim3A_74 = vector.shape_cast %reduce_min3A_73 : vector<128xf32> to vector<1x128xf32>
      %eq3A_75 = vector.broadcast %while3A_60 : i32 to vector<64x1xi32>
      %eq3A_76 = arith.cmpi eq, %iota3A_44, %eq3A_75 : vector<64x1xi32>
      %get3A_77 = arith.constant 0 : index
      %get3A_78 = arith.constant 0 : index
      %get3A_79 = vector.load %arg7[%get3A_77, %get3A_78] : memref<64x128xf32, #tpu.memory_space<vmem>>, vector<64x128xf32>
      %max3A = vector.broadcast %broadcast_in_dim3A_67 : vector<1x128xf32> to vector<64x128xf32>
      %max3A_80 = arith.maximumf %get3A_79, %max3A : vector<64x128xf32>
      %get3A_81 = arith.constant 0 : index
      %get3A_82 = arith.constant 0 : index
      %get3A_83 = vector.load %arg7[%get3A_81, %get3A_82] : memref<64x128xf32, #tpu.memory_space<vmem>>, vector<64x128xf32>
      %broadcast_in_dim3A_84 = vector.shape_cast %eq3A_76 : vector<64x1xi1> to vector<64x1xi1>
      %broadcast_in_dim3A_85 = vector.broadcast %broadcast_in_dim3A_84 : vector<64x1xi1> to vector<64x128xi1>
      %select_n3A_86 = arith.select %broadcast_in_dim3A_85, %max3A_80, %get3A_83 : vector<64x128xi1>, vector<64x128xf32>
      %swap3A_87 = arith.constant 0 : index
      %swap3A_88 = arith.constant 0 : index
      %swap3A_89 = vector.load %arg7[%swap3A_87, %swap3A_88] : memref<64x128xf32, #tpu.memory_space<vmem>>, vector<64x128xf32>
      tpu.vector_store %arg7[%swap3A_87, %swap3A_88], %select_n3A_86 {strides = array<i32>} : memref<64x128xf32, #tpu.memory_space<vmem>>, vector<64x128xf32>,
      %get3A_90 = arith.constant 0 : index
      %get3A_91 = arith.constant 0 : index
      %get3A_92 = vector.load %arg8[%get3A_90, %get3A_91] : memref<64x128xf32, #tpu.memory_space<vmem>>, vector<64x128xf32>
      %min3A = vector.broadcast %broadcast_in_dim3A_74 : vector<1x128xf32> to vector<64x128xf32>
      %min3A_93 = arith.minimumf %get3A_92, %min3A : vector<64x128xf32>
      %get3A_94 = arith.constant 0 : index
      %get3A_95 = arith.constant 0 : index
      %get3A_96 = vector.load %arg8[%get3A_94, %get3A_95] : memref<64x128xf32, #tpu.memory_space<vmem>>, vector<64x128xf32>
      %broadcast_in_dim3A_97 = vector.shape_cast %eq3A_76 : vector<64x1xi1> to vector<64x1xi1>
      %broadcast_in_dim3A_98 = vector.broadcast %broadcast_in_dim3A_97 : vector<64x1xi1> to vector<64x128xi1>
      %select_n3A_99 = arith.select %broadcast_in_dim3A_98, %min3A_93, %get3A_96 : vector<64x128xi1>, vector<64x128xf32>
      %swap3A_100 = arith.constant 0 : index
      %swap3A_101 = arith.constant 0 : index
      %swap3A_102 = vector.load %arg8[%swap3A_100, %swap3A_101] : memref<64x128xf32, #tpu.memory_space<vmem>>, vector<64x128xf32>
      tpu.vector_store %arg8[%swap3A_100, %swap3A_101], %select_n3A_99 {strides = array<i32>} : memref<64x128xf32, #tpu.memory_space<vmem>>, vector<64x128xf32>,
    }
    %eq3A_55 = arith.constant 4 : i32
    %eq3A_56 = arith.cmpi eq, %arg0, %eq3A_55 : i32
    %convert_element_type3A_57 = arith.extui %eq3A_56 : i1 to i32
    %cond3A_58 = arith.constant 0 : i32
    %cond3A_59 = arith.cmpi ne, %convert_element_type3A_57, %cond3A_58 : i32
    scf.if %cond3A_59 {
      %get3A_60 = arith.constant 0 : index
      %get3A_61 = arith.constant 0 : index
      %get3A_62 = vector.load %arg5[%get3A_60, %get3A_61] : memref<64x128xf32, #tpu.memory_space<vmem>>, vector<64x128xf32>
      %swap3A_63 = arith.constant 0 : index
      %swap3A_64 = arith.constant 0 : index
      %swap3A_65 = vector.load %arg3[%swap3A_63, %swap3A_64] : memref<64x640xf32, #tpu.memory_space<vmem>>, vector<64x128xf32>
      tpu.vector_store %arg3[%swap3A_63, %swap3A_64], %get3A_62 {strides = array<i32>} : memref<64x640xf32, #tpu.memory_space<vmem>>, vector<64x128xf32>,
      %get3A_66 = arith.constant 0 : index
      %get3A_67 = arith.constant 0 : index
      %get3A_68 = vector.load %arg6[%get3A_66, %get3A_67] : memref<64x128xf32, #tpu.memory_space<vmem>>, vector<64x128xf32>
      %swap3A_69 = arith.constant 0 : index
      %swap3A_70 = arith.constant 128 : index
      %swap3A_71 = vector.load %arg3[%swap3A_69, %swap3A_70] : memref<64x640xf32, #tpu.memory_space<vmem>>, vector<64x128xf32>
      tpu.vector_store %arg3[%swap3A_69, %swap3A_70], %get3A_68 {strides = array<i32>} : memref<64x640xf32, #tpu.memory_space<vmem>>, vector<64x128xf32>,
      %get3A_72 = arith.constant 0 : index
      %get3A_73 = arith.constant 0 : index
      %get3A_74 = vector.load %arg7[%get3A_72, %get3A_73] : memref<64x128xf32, #tpu.memory_space<vmem>>, vector<64x128xf32>
      %swap3A_75 = arith.constant 0 : index
      %swap3A_76 = arith.constant 256 : index
      %swap3A_77 = vector.load %arg3[%swap3A_75, %swap3A_76] : memref<64x640xf32, #tpu.memory_space<vmem>>, vector<64x128xf32>
      tpu.vector_store %arg3[%swap3A_75, %swap3A_76], %get3A_74 {strides = array<i32>} : memref<64x640xf32, #tpu.memory_space<vmem>>, vector<64x128xf32>,
      %get3A_78 = arith.constant 0 : index
      %get3A_79 = arith.constant 0 : index
      %get3A_80 = vector.load %arg8[%get3A_78, %get3A_79] : memref<64x128xf32, #tpu.memory_space<vmem>>, vector<64x128xf32>
      %swap3A_81 = arith.constant 0 : index
      %swap3A_82 = arith.constant 384 : index
      %swap3A_83 = vector.load %arg3[%swap3A_81, %swap3A_82] : memref<64x640xf32, #tpu.memory_space<vmem>>, vector<64x128xf32>
      tpu.vector_store %arg3[%swap3A_81, %swap3A_82], %get3A_80 {strides = array<i32>} : memref<64x640xf32, #tpu.memory_space<vmem>>, vector<64x128xf32>,
      %get3A_84 = arith.constant 0 : index
      %get3A_85 = arith.constant 0 : index
      %get3A_86 = vector.load %arg4[%get3A_84, %get3A_85] : memref<64x128xf32, #tpu.memory_space<vmem>>, vector<64x128xf32>
      %swap3A_87 = arith.constant 0 : index
      %swap3A_88 = arith.constant 512 : index
      %swap3A_89 = vector.load %arg3[%swap3A_87, %swap3A_88] : memref<64x640xf32, #tpu.memory_space<vmem>>, vector<64x128xf32>
      tpu.vector_store %arg3[%swap3A_87, %swap3A_88], %get3A_86 {strides = array<i32>} : memref<64x640xf32, #tpu.memory_space<vmem>>, vector<64x128xf32>,
    } else {
    }
    return
  }
  func.func @transform_0(%arg0: i32) -> (i32, i32) {
    %c0_i32 = arith.constant 0 : i32
    %c0_i32_0 = arith.constant 0 : i32
    return %arg0, %c0_i32 : i32, i32
  }
  func.func @transform_1(%arg0: i32) -> (i32, i32) {
    %c0_i32 = arith.constant 0 : i32
    %c0_i32_0 = arith.constant 0 : i32
    return %arg0, %c0_i32 : i32, i32
  }
  func.func @transform_2(%arg0: i32) -> (i32, i32) {
    %c0_i32 = arith.constant 0 : i32
    %c0_i32_0 = arith.constant 0 : i32
    %c0_i32_1 = arith.constant 0 : i32
    return %c0_i32, %c0_i32_0 : i32, i32
  }
}

module attributes {stable_mosaic.version = 14 : i64} {
  func.func @_fin_body(%arg0: i32, %arg1: memref<2x2000x64xf32, #tpu.memory_space<vmem>>, %arg2: memref<64x128xf32, #tpu.memory_space<vmem>>, %arg3: memref<1x128xf32, #tpu.memory_space<vmem>>, %arg4: memref<2000x1xi32, #tpu.memory_space<vmem>>, %arg5: memref<64x640xf32, #tpu.memory_space<vmem>>, %arg6: memref<896x128xf32, #tpu.memory_space<vmem>>, %arg7: memref<1x128xf32, #tpu.memory_space<vmem>>, %arg8: memref<1x128xf32, #tpu.memory_space<vmem>>, %arg9: memref<1x128xf32, #tpu.memory_space<vmem>>, %arg10: memref<1x128xf32, #tpu.memory_space<vmem>>, %arg11: memref<1x128xf32, #tpu.memory_space<vmem>>, %arg12: memref<128x256xf32, #tpu.memory_space<vmem>>, %arg13: memref<1x256xf32, #tpu.memory_space<vmem>>, %arg14: memref<1x256xf32, #tpu.memory_space<vmem>>, %arg15: memref<1x256xf32, #tpu.memory_space<vmem>>, %arg16: memref<1x256xf32, #tpu.memory_space<vmem>>, %arg17: memref<1x256xf32, #tpu.memory_space<vmem>>, %arg18: memref<256x512xf32, #tpu.memory_space<vmem>>, %arg19: memref<1x512xf32, #tpu.memory_space<vmem>>, %arg20: memref<1x512xf32, #tpu.memory_space<vmem>>, %arg21: memref<1x512xf32, #tpu.memory_space<vmem>>, %arg22: memref<1x512xf32, #tpu.memory_space<vmem>>, %arg23: memref<1x512xf32, #tpu.memory_space<vmem>>, %arg24: memref<512x64xf32, #tpu.memory_space<vmem>>, %arg25: memref<1x64xf32, #tpu.memory_space<vmem>>, %arg26: memref<64x64xf32, #tpu.memory_space<vmem>>, %arg27: memref<1x64xf32, #tpu.memory_space<vmem>>, %arg28: memref<64x1xf32, #tpu.memory_space<vmem>>, %arg29: memref<1x1xf32, #tpu.memory_space<vmem>>, %arg30: memref<512x64xf32, #tpu.memory_space<vmem>>, %arg31: memref<1x64xf32, #tpu.memory_space<vmem>>, %arg32: memref<64x64xf32, #tpu.memory_space<vmem>>, %arg33: memref<1x64xf32, #tpu.memory_space<vmem>>, %arg34: memref<64x2xf32, #tpu.memory_space<vmem>>, %arg35: memref<1x2xf32, #tpu.memory_space<vmem>>, %arg36: memref<2x2xf32, #tpu.memory_space<vmem>>, %arg37: memref<1x2xf32, #tpu.memory_space<vmem>>, %arg38: memref<512x64xf32, #tpu.memory_space<vmem>>, %arg39: memref<1x64xf32, #tpu.memory_space<vmem>>, %arg40: memref<64x64xf32, #tpu.memory_space<vmem>>, %arg41: memref<1x64xf32, #tpu.memory_space<vmem>>, %arg42: memref<64x2xf32, #tpu.memory_space<vmem>>, %arg43: memref<1x2xf32, #tpu.memory_space<vmem>>, %arg44: memref<64x5xf32, #tpu.memory_space<vmem>>, %arg45: memref<64x128xf32, #tpu.memory_space<vmem>>, %arg46: memref<64x128xf32, #tpu.memory_space<vmem>>) attributes {dimension_semantics = [#tpu.dimension_semantics<arbitrary>], iteration_bounds = array<i64: 5>, scalar_prefetch = 0 : i64, scratch_operands = 2 : i64, tpu.core_type = #tpu.core_type<tc>, window_params = [{transform_indices = @transform_0, window_bounds = array<i64: 2, 2000, 64>}, {pipeline_mode = #tpu.pipeline_mode<synchronous>, transform_indices = @transform_1, window_bounds = array<i64: 64, 128>}, {pipeline_mode = #tpu.pipeline_mode<synchronous>, transform_indices = @transform_2, window_bounds = array<i64: 1, 128>}, {transform_indices = @transform_3, window_bounds = array<i64: 2000, 1>}, {pipeline_mode = #tpu.pipeline_mode<synchronous>, transform_indices = @transform_4, window_bounds = array<i64: 64, 640>}, {pipeline_mode = #tpu.pipeline_mode<synchronous>, transform_indices = @transform_5, window_bounds = array<i64: 896, 128>}, {pipeline_mode = #tpu.pipeline_mode<synchronous>, transform_indices = @transform_6, window_bounds = array<i64: 1, 128>}, {pipeline_mode = #tpu.pipeline_mode<synchronous>, transform_indices = @transform_7, window_bounds = array<i64: 1, 128>}, {pipeline_mode = #tpu.pipeline_mode<synchronous>, transform_indices = @transform_8, window_bounds = array<i64: 1, 128>}, {pipeline_mode = #tpu.pipeline_mode<synchronous>, transform_indices = @transform_9, window_bounds = array<i64: 1, 128>}, {pipeline_mode = #tpu.pipeline_mode<synchronous>, transform_indices = @transform_10, window_bounds = array<i64: 1, 128>}, {pipeline_mode = #tpu.pipeline_mode<synchronous>, transform_indices = @transform_11, window_bounds = array<i64: 128, 256>}, {pipeline_mode = #tpu.pipeline_mode<synchronous>, transform_indices = @transform_12, window_bounds = array<i64: 1, 256>}, {pipeline_mode = #tpu.pipeline_mode<synchronous>, transform_indices = @transform_13, window_bounds = array<i64: 1, 256>}, {pipeline_mode = #tpu.pipeline_mode<synchronous>, transform_indices = @transform_14, window_bounds = array<i64: 1, 256>}, {pipeline_mode = #tpu.pipeline_mode<synchronous>, transform_indices = @transform_15, window_bounds = array<i64: 1, 256>}, {pipeline_mode = #tpu.pipeline_mode<synchronous>, transform_indices = @transform_16, window_bounds = array<i64: 1, 256>}, {pipeline_mode = #tpu.pipeline_mode<synchronous>, transform_indices = @transform_17, window_bounds = array<i64: 256, 512>}, {pipeline_mode = #tpu.pipeline_mode<synchronous>, transform_indices = @transform_18, window_bounds = array<i64: 1, 512>}, {pipeline_mode = #tpu.pipeline_mode<synchronous>, transform_indices = @transform_19, window_bounds = array<i64: 1, 512>}, {pipeline_mode = #tpu.pipeline_mode<synchronous>, transform_indices = @transform_20, window_bounds = array<i64: 1, 512>}, {pipeline_mode = #tpu.pipeline_mode<synchronous>, transform_indices = @transform_21, window_bounds = array<i64: 1, 512>}, {pipeline_mode = #tpu.pipeline_mode<synchronous>, transform_indices = @transform_22, window_bounds = array<i64: 1, 512>}, {pipeline_mode = #tpu.pipeline_mode<synchronous>, transform_indices = @transform_23, window_bounds = array<i64: 512, 64>}, {pipeline_mode = #tpu.pipeline_mode<synchronous>, transform_indices = @transform_24, window_bounds = array<i64: 1, 64>}, {pipeline_mode = #tpu.pipeline_mode<synchronous>, transform_indices = @transform_25, window_bounds = array<i64: 64, 64>}, {pipeline_mode = #tpu.pipeline_mode<synchronous>, transform_indices = @transform_26, window_bounds = array<i64: 1, 64>}, {pipeline_mode = #tpu.pipeline_mode<synchronous>, transform_indices = @transform_27, window_bounds = array<i64: 64, 1>}, {pipeline_mode = #tpu.pipeline_mode<synchronous>, transform_indices = @transform_28, window_bounds = array<i64: 1, 1>}, {pipeline_mode = #tpu.pipeline_mode<synchronous>, transform_indices = @transform_29, window_bounds = array<i64: 512, 64>}, {pipeline_mode = #tpu.pipeline_mode<synchronous>, transform_indices = @transform_30, window_bounds = array<i64: 1, 64>}, {pipeline_mode = #tpu.pipeline_mode<synchronous>, transform_indices = @transform_31, window_bounds = array<i64: 64, 64>}, {pipeline_mode = #tpu.pipeline_mode<synchronous>, transform_indices = @transform_32, window_bounds = array<i64: 1, 64>}, {pipeline_mode = #tpu.pipeline_mode<synchronous>, transform_indices = @transform_33, window_bounds = array<i64: 64, 2>}, {pipeline_mode = #tpu.pipeline_mode<synchronous>, transform_indices = @transform_34, window_bounds = array<i64: 1, 2>}, {pipeline_mode = #tpu.pipeline_mode<synchronous>, transform_indices = @transform_35, window_bounds = array<i64: 2, 2>}, {pipeline_mode = #tpu.pipeline_mode<synchronous>, transform_indices = @transform_36, window_bounds = array<i64: 1, 2>}, {pipeline_mode = #tpu.pipeline_mode<synchronous>, transform_indices = @transform_37, window_bounds = array<i64: 512, 64>}, {pipeline_mode = #tpu.pipeline_mode<synchronous>, transform_indices = @transform_38, window_bounds = array<i64: 1, 64>}, {pipeline_mode = #tpu.pipeline_mode<synchronous>, transform_indices = @transform_39, window_bounds = array<i64: 64, 64>}, {pipeline_mode = #tpu.pipeline_mode<synchronous>, transform_indices = @transform_40, window_bounds = array<i64: 1, 64>}, {pipeline_mode = #tpu.pipeline_mode<synchronous>, transform_indices = @transform_41, window_bounds = array<i64: 64, 2>}, {pipeline_mode = #tpu.pipeline_mode<synchronous>, transform_indices = @transform_42, window_bounds = array<i64: 1, 2>}, {pipeline_mode = #tpu.pipeline_mode<synchronous>, transform_indices = @transform_43, window_bounds = array<i64: 64, 5>}]} {
    %eq3A = arith.constant 0 : i32
    %eq3A_0 = arith.cmpi eq, %arg0, %eq3A : i32
    %convert_element_type3A = arith.extui %eq3A_0 : i1 to i32
    %cond3A = arith.constant 0 : i32
    %cond3A_1 = arith.cmpi ne, %convert_element_type3A, %cond3A : i32
    scf.if %cond3A_1 {
      %broadcast_in_dim3A = arith.constant 0.000000e+00 : f32
      %broadcast_in_dim3A_61 = vector.broadcast %broadcast_in_dim3A : f32 to vector<64x128xf32>
      %swap3A_62 = arith.constant 0 : index
      %swap3A_63 = arith.constant 0 : index
      %swap3A_64 = vector.load %arg46[%swap3A_62, %swap3A_63] : memref<64x128xf32, #tpu.memory_space<vmem>>, vector<64x128xf32>
      tpu.vector_store %arg46[%swap3A_62, %swap3A_63], %broadcast_in_dim3A_61 {strides = array<i32>} : memref<64x128xf32, #tpu.memory_space<vmem>>, vector<64x128xf32>,
      %broadcast_in_dim3A_65 = arith.constant 0xFF800000 : f32
      %broadcast_in_dim3A_66 = vector.broadcast %broadcast_in_dim3A_65 : f32 to vector<64x128xf32>
      %swap3A_67 = arith.constant 0 : index
      %swap3A_68 = arith.constant 0 : index
      %swap3A_69 = vector.load %arg45[%swap3A_67, %swap3A_68] : memref<64x128xf32, #tpu.memory_space<vmem>>, vector<64x128xf32>
      tpu.vector_store %arg45[%swap3A_67, %swap3A_68], %broadcast_in_dim3A_66 {strides = array<i32>} : memref<64x128xf32, #tpu.memory_space<vmem>>, vector<64x128xf32>,
    } else {
    }
    %get3A = arith.constant 0 : index
    %get3A_2 = arith.constant 0 : index
    %get3A_3 = arith.constant 0 : index
    %get3A_4 = vector.load %arg1[%get3A, %get3A_2, %get3A_3] : memref<2x2000x64xf32, #tpu.memory_space<vmem>>, vector<1x2000x64xf32>
    %get3A_5 = vector.shape_cast %get3A_4 : vector<1x2000x64xf32> to vector<2000x64xf32>
    %get3A_6 = arith.constant 1 : index
    %get3A_7 = arith.constant 0 : index
    %get3A_8 = arith.constant 0 : index
    %get3A_9 = vector.load %arg1[%get3A_6, %get3A_7, %get3A_8] : memref<2x2000x64xf32, #tpu.memory_space<vmem>>, vector<1x2000x64xf32>
    %get3A_10 = vector.shape_cast %get3A_9 : vector<1x2000x64xf32> to vector<2000x64xf32>
    %add3A = arith.addf %get3A_5, %get3A_10 : vector<2000x64xf32>
    %get3A_11 = arith.constant 0 : index
    %get3A_12 = arith.constant 0 : index
    %get3A_13 = vector.load %arg2[%get3A_11, %get3A_12] : memref<64x128xf32, #tpu.memory_space<vmem>>, vector<64x128xf32>
    %dot_general3A = arith.constant dense<0.000000e+00> : vector<2000x128xf32>
    %dot_general3A_14 = tpu.matmul %add3A, %get3A_13, %dot_general3A {dimension_numbers = #tpu.dot_dimension_numbers<[1], [0], [0], [1], [0, 0, 1, 1], [], []>, precision = #tpu.contract_precision<fp32>, transpose_lhs_hint = false} : vector<2000x64xf32>, vector<64x128xf32>, vector<2000x128xf32> -> vector<2000x128xf32>
    %get3A_15 = arith.constant 0 : index
    %get3A_16 = arith.constant 0 : index
    %get3A_17 = vector.load %arg3[%get3A_15, %get3A_16] : memref<1x128xf32, #tpu.memory_space<vmem>>, vector<1x128xf32>
    %add3A_18 = vector.broadcast %get3A_17 : vector<1x128xf32> to vector<2000x128xf32>
    %add3A_19 = arith.addf %dot_general3A_14, %add3A_18 : vector<2000x128xf32>
    %max3A = arith.constant 0.000000e+00 : f32
    %max3A_20 = vector.broadcast %max3A : f32 to vector<2000x128xf32>
    %max3A_21 = arith.maximumf %add3A_19, %max3A_20 : vector<2000x128xf32>
    %get3A_22 = arith.constant 0 : index
    %get3A_23 = arith.constant 0 : index
    %get3A_24 = vector.load %arg4[%get3A_22, %get3A_23] : memref<2000x1xi32, #tpu.memory_space<vmem>>, vector<2000x1xi32>
    %iota3A = tpu.iota {dimensions = array<i32: 1>} : vector<2000x64xi32>
    %eq3A_25 = vector.broadcast %get3A_24 : vector<2000x1xi32> to vector<2000x64xi32>
    %eq3A_26 = arith.cmpi eq, %eq3A_25, %iota3A : vector<2000x64xi32>
    %convert_element_type3A_27 = arith.extui %eq3A_26 : vector<2000x64xi1> to vector<2000x64xi32>
    %convert_element_type3A_28 = arith.sitofp %convert_element_type3A_27 : vector<2000x64xi32> to vector<2000x64xf32>
    %get3A_29 = arith.constant 0 : index
    %get3A_30 = arith.constant 0 : index
    %get3A_31 = vector.load %arg46[%get3A_29, %get3A_30] : memref<64x128xf32, #tpu.memory_space<vmem>>, vector<64x128xf32>
    %dot_general3A_32 = arith.constant dense<0.000000e+00> : vector<64x128xf32>
    %dot_general3A_33 = tpu.matmul %convert_element_type3A_28, %max3A_21, %dot_general3A_32 {dimension_numbers = #tpu.dot_dimension_numbers<[0], [0], [1], [1], [0, 1, 1, 1], [], []>, precision = #tpu.contract_precision<fp32>, transpose_lhs_hint = false} : vector<2000x64xf32>, vector<2000x128xf32>, vector<64x128xf32> -> vector<64x128xf32>
    %add3A_34 = arith.addf %get3A_31, %dot_general3A_33 : vector<64x128xf32>
    %swap3A = arith.constant 0 : index
    %swap3A_35 = arith.constant 0 : index
    %swap3A_36 = vector.load %arg46[%swap3A, %swap3A_35] : memref<64x128xf32, #tpu.memory_space<vmem>>, vector<64x128xf32>
    tpu.vector_store %arg46[%swap3A, %swap3A_35], %add3A_34 {strides = array<i32>} : memref<64x128xf32, #tpu.memory_space<vmem>>, vector<64x128xf32>,
    %get3A_37 = arith.constant 0 : index
    %get3A_38 = arith.constant 0 : index
    %get3A_39 = vector.load %arg4[%get3A_37, %get3A_38] : memref<2000x1xi32, #tpu.memory_space<vmem>>, vector<1x1xi32>
    %get3A_40 = vector.extract %get3A_39[0, 0] : i32 from vector<1x1xi32>
    %get3A_41 = arith.constant 1999 : index
    %get3A_42 = arith.constant 0 : index
    %get3A_43 = vector.load %arg4[%get3A_41, %get3A_42] : memref<2000x1xi32, #tpu.memory_space<vmem>>, vector<1x1xi32>
    %get3A_44 = vector.extract %get3A_43[0, 0] : i32 from vector<1x1xi32>
    %iota3A_45 = tpu.iota {dimensions = array<i32: 0>} : vector<64x1xi32>
    %add3A_46 = arith.constant 1 : i32
    %add3A_47 = arith.addi %get3A_44, %add3A_46 : i32
    %while3A = arith.constant 0 : i32
    %while3A_48 = arith.subi %add3A_47, %get3A_40 : i32
    %while3A_49 = arith.addi %get3A_40, %while3A_48 : i32
    %while3A_50 = arith.constant 1 : i32
    %while3A_51 = arith.divsi %while3A_48, %while3A_50 : i32
    %while3A_52 = arith.muli %while3A_51, %while3A_50 : i32
    %while3A_53 = arith.addi %get3A_40, %while3A_52 : i32
    %while3A_54 = arith.constant 1 : i32
    scf.for %while3A_61 = %get3A_40 to %while3A_53 step %while3A_54  : i32 {
      %eq3A_62 = vector.broadcast %while3A_61 : i32 to vector<2000x1xi32>
      %eq3A_63 = arith.cmpi eq, %get3A_24, %eq3A_62 : vector<2000x1xi32>
      %jit3A = arith.constant 0xFF800000 : f32
      %broadcast_in_dim3A = vector.shape_cast %eq3A_63 : vector<2000x1xi1> to vector<2000x1xi1>
      %broadcast_in_dim3A_64 = vector.broadcast %broadcast_in_dim3A : vector<2000x1xi1> to vector<2000x128xi1>
      %broadcast_in_dim3A_65 = vector.broadcast %jit3A : f32 to vector<2000x128xf32>
      %select_n3A = arith.select %broadcast_in_dim3A_64, %max3A_21, %broadcast_in_dim3A_65 : vector<2000x128xi1>, vector<2000x128xf32>
      %reduce_max3A = arith.constant dense<0xFF800000> : vector<128xf32>
      %reduce_max3A_66 = vector.multi_reduction <maximumf>, %select_n3A, %reduce_max3A [0] : vector<2000x128xf32> to vector<128xf32>
      %broadcast_in_dim3A_67 = vector.shape_cast %reduce_max3A_66 : vector<128xf32> to vector<1x128xf32>
      %eq3A_68 = vector.broadcast %while3A_61 : i32 to vector<64x1xi32>
      %eq3A_69 = arith.cmpi eq, %iota3A_45, %eq3A_68 : vector<64x1xi32>
      %get3A_70 = arith.constant 0 : index
      %get3A_71 = arith.constant 0 : index
      %get3A_72 = vector.load %arg45[%get3A_70, %get3A_71] : memref<64x128xf32, #tpu.memory_space<vmem>>, vector<64x128xf32>
      %max3A_73 = vector.broadcast %broadcast_in_dim3A_67 : vector<1x128xf32> to vector<64x128xf32>
      %max3A_74 = arith.maximumf %get3A_72, %max3A_73 : vector<64x128xf32>
      %get3A_75 = arith.constant 0 : index
      %get3A_76 = arith.constant 0 : index
      %get3A_77 = vector.load %arg45[%get3A_75, %get3A_76] : memref<64x128xf32, #tpu.memory_space<vmem>>, vector<64x128xf32>
      %broadcast_in_dim3A_78 = vector.shape_cast %eq3A_69 : vector<64x1xi1> to vector<64x1xi1>
      %broadcast_in_dim3A_79 = vector.broadcast %broadcast_in_dim3A_78 : vector<64x1xi1> to vector<64x128xi1>
      %select_n3A_80 = arith.select %broadcast_in_dim3A_79, %max3A_74, %get3A_77 : vector<64x128xi1>, vector<64x128xf32>
      %swap3A_81 = arith.constant 0 : index
      %swap3A_82 = arith.constant 0 : index
      %swap3A_83 = vector.load %arg45[%swap3A_81, %swap3A_82] : memref<64x128xf32, #tpu.memory_space<vmem>>, vector<64x128xf32>
      tpu.vector_store %arg45[%swap3A_81, %swap3A_82], %select_n3A_80 {strides = array<i32>} : memref<64x128xf32, #tpu.memory_space<vmem>>, vector<64x128xf32>,
    }
    %while3A_55 = arith.constant 1 : i32
    scf.for %while3A_61 = %while3A_53 to %while3A_49 step %while3A_55  : i32 {
      %eq3A_62 = vector.broadcast %while3A_61 : i32 to vector<2000x1xi32>
      %eq3A_63 = arith.cmpi eq, %get3A_24, %eq3A_62 : vector<2000x1xi32>
      %jit3A = arith.constant 0xFF800000 : f32
      %broadcast_in_dim3A = vector.shape_cast %eq3A_63 : vector<2000x1xi1> to vector<2000x1xi1>
      %broadcast_in_dim3A_64 = vector.broadcast %broadcast_in_dim3A : vector<2000x1xi1> to vector<2000x128xi1>
      %broadcast_in_dim3A_65 = vector.broadcast %jit3A : f32 to vector<2000x128xf32>
      %select_n3A = arith.select %broadcast_in_dim3A_64, %max3A_21, %broadcast_in_dim3A_65 : vector<2000x128xi1>, vector<2000x128xf32>
      %reduce_max3A = arith.constant dense<0xFF800000> : vector<128xf32>
      %reduce_max3A_66 = vector.multi_reduction <maximumf>, %select_n3A, %reduce_max3A [0] : vector<2000x128xf32> to vector<128xf32>
      %broadcast_in_dim3A_67 = vector.shape_cast %reduce_max3A_66 : vector<128xf32> to vector<1x128xf32>
      %eq3A_68 = vector.broadcast %while3A_61 : i32 to vector<64x1xi32>
      %eq3A_69 = arith.cmpi eq, %iota3A_45, %eq3A_68 : vector<64x1xi32>
      %get3A_70 = arith.constant 0 : index
      %get3A_71 = arith.constant 0 : index
      %get3A_72 = vector.load %arg45[%get3A_70, %get3A_71] : memref<64x128xf32, #tpu.memory_space<vmem>>, vector<64x128xf32>
      %max3A_73 = vector.broadcast %broadcast_in_dim3A_67 : vector<1x128xf32> to vector<64x128xf32>
      %max3A_74 = arith.maximumf %get3A_72, %max3A_73 : vector<64x128xf32>
      %get3A_75 = arith.constant 0 : index
      %get3A_76 = arith.constant 0 : index
      %get3A_77 = vector.load %arg45[%get3A_75, %get3A_76] : memref<64x128xf32, #tpu.memory_space<vmem>>, vector<64x128xf32>
      %broadcast_in_dim3A_78 = vector.shape_cast %eq3A_69 : vector<64x1xi1> to vector<64x1xi1>
      %broadcast_in_dim3A_79 = vector.broadcast %broadcast_in_dim3A_78 : vector<64x1xi1> to vector<64x128xi1>
      %select_n3A_80 = arith.select %broadcast_in_dim3A_79, %max3A_74, %get3A_77 : vector<64x128xi1>, vector<64x128xf32>
      %swap3A_81 = arith.constant 0 : index
      %swap3A_82 = arith.constant 0 : index
      %swap3A_83 = vector.load %arg45[%swap3A_81, %swap3A_82] : memref<64x128xf32, #tpu.memory_space<vmem>>, vector<64x128xf32>
      tpu.vector_store %arg45[%swap3A_81, %swap3A_82], %select_n3A_80 {strides = array<i32>} : memref<64x128xf32, #tpu.memory_space<vmem>>, vector<64x128xf32>,
    }
    %eq3A_56 = arith.constant 4 : i32
    %eq3A_57 = arith.cmpi eq, %arg0, %eq3A_56 : i32
    %convert_element_type3A_58 = arith.extui %eq3A_57 : i1 to i32
    %cond3A_59 = arith.constant 0 : i32
    %cond3A_60 = arith.cmpi ne, %convert_element_type3A_58, %cond3A_59 : i32
    scf.if %cond3A_60 {
      %get3A_61 = arith.constant 0 : index
      %get3A_62 = arith.constant 0 : index
      %get3A_63 = vector.load %arg5[%get3A_61, %get3A_62] : memref<64x640xf32, #tpu.memory_space<vmem>>, vector<64x128xf32>
      %get3A_64 = arith.constant 0 : index
      %get3A_65 = arith.constant 128 : index
      %get3A_66 = vector.load %arg5[%get3A_64, %get3A_65] : memref<64x640xf32, #tpu.memory_space<vmem>>, vector<64x128xf32>
      %get3A_67 = arith.constant 0 : index
      %get3A_68 = arith.constant 256 : index
      %get3A_69 = vector.load %arg5[%get3A_67, %get3A_68] : memref<64x640xf32, #tpu.memory_space<vmem>>, vector<64x128xf32>
      %get3A_70 = arith.constant 0 : index
      %get3A_71 = arith.constant 384 : index
      %get3A_72 = vector.load %arg5[%get3A_70, %get3A_71] : memref<64x640xf32, #tpu.memory_space<vmem>>, vector<64x128xf32>
      %get3A_73 = arith.constant 0 : index
      %get3A_74 = arith.constant 512 : index
      %get3A_75 = vector.load %arg5[%get3A_73, %get3A_74] : memref<64x640xf32, #tpu.memory_space<vmem>>, vector<64x128xf32>
      %max3A_76 = arith.constant 1.000000e+00 : f32
      %max3A_77 = vector.broadcast %max3A_76 : f32 to vector<64x128xf32>
      %max3A_78 = arith.maximumf %get3A_75, %max3A_77 : vector<64x128xf32>
      %div3A = arith.divf %get3A_63, %max3A_78 : vector<64x128xf32>
      %div3A_79 = arith.divf %get3A_66, %max3A_78 : vector<64x128xf32>
      %mul3A = arith.mulf %div3A, %div3A : vector<64x128xf32>
      %sub3A = arith.subf %div3A_79, %mul3A : vector<64x128xf32>
      %abs3A = math.absf %sub3A : vector<64x128xf32>
      %get3A_80 = arith.constant 0 : index
      %get3A_81 = arith.constant 0 : index
      %get3A_82 = vector.load %arg45[%get3A_80, %get3A_81] : memref<64x128xf32, #tpu.memory_space<vmem>>, vector<64x128xf32>
      %get3A_83 = arith.constant 0 : index
      %get3A_84 = arith.constant 0 : index
      %get3A_85 = vector.load %arg46[%get3A_83, %get3A_84] : memref<64x128xf32, #tpu.memory_space<vmem>>, vector<64x128xf32>
      %div3A_86 = arith.divf %get3A_85, %max3A_78 : vector<64x128xf32>
      %get3A_87 = arith.constant 0 : index
      %get3A_88 = arith.constant 0 : index
      %get3A_89 = vector.load %arg46[%get3A_87, %get3A_88] : memref<64x128xf32, #tpu.memory_space<vmem>>, vector<64x128xf32>
      %concatenate3A = tpu.concatenate %get3A_82, %div3A_86, %get3A_89, %div3A, %abs3A, %get3A_69, %get3A_72 in 1 : vector<64x128xf32>, vector<64x128xf32>, vector<64x128xf32>, vector<64x128xf32>, vector<64x128xf32>, vector<64x128xf32>, vector<64x128xf32> -> vector<64x896xf32>
      %get3A_90 = arith.constant 0 : index
      %get3A_91 = arith.constant 0 : index
      %get3A_92 = vector.load %arg6[%get3A_90, %get3A_91] : memref<896x128xf32, #tpu.memory_space<vmem>>, vector<896x128xf32>
      %dot_general3A_93 = arith.constant dense<0.000000e+00> : vector<64x128xf32>
      %dot_general3A_94 = tpu.matmul %concatenate3A, %get3A_92, %dot_general3A_93 {dimension_numbers = #tpu.dot_dimension_numbers<[1], [0], [0], [1], [0, 0, 1, 1], [], []>, precision = #tpu.contract_precision<fp32>, transpose_lhs_hint = false} : vector<64x896xf32>, vector<896x128xf32>, vector<64x128xf32> -> vector<64x128xf32>
      %get3A_95 = arith.constant 0 : index
      %get3A_96 = arith.constant 0 : index
      %get3A_97 = vector.load %arg7[%get3A_95, %get3A_96] : memref<1x128xf32, #tpu.memory_space<vmem>>, vector<1x128xf32>
      %add3A_98 = vector.broadcast %get3A_97 : vector<1x128xf32> to vector<64x128xf32>
      %add3A_99 = arith.addf %dot_general3A_94, %add3A_98 : vector<64x128xf32>
      %ge3A = arith.constant 0.000000e+00 : f32
      %ge3A_100 = vector.broadcast %ge3A : f32 to vector<64x128xf32>
      %ge3A_101 = arith.cmpf oge, %add3A_99, %ge3A_100 : vector<64x128xf32>
      %mul3A_102 = arith.constant 1.500000e-01 : f32
      %mul3A_103 = vector.broadcast %mul3A_102 : f32 to vector<64x128xf32>
      %mul3A_104 = arith.mulf %mul3A_103, %add3A_99 : vector<64x128xf32>
      %select_n3A = arith.select %ge3A_101, %add3A_99, %mul3A_104 : vector<64x128xi1>, vector<64x128xf32>
      %get3A_105 = arith.constant 0 : index
      %get3A_106 = arith.constant 0 : index
      %get3A_107 = vector.load %arg10[%get3A_105, %get3A_106] : memref<1x128xf32, #tpu.memory_space<vmem>>, vector<1x128xf32>
      %sub3A_108 = vector.broadcast %get3A_107 : vector<1x128xf32> to vector<64x128xf32>
      %sub3A_109 = arith.subf %select_n3A, %sub3A_108 : vector<64x128xf32>
      %get3A_110 = arith.constant 0 : index
      %get3A_111 = arith.constant 0 : index
      %get3A_112 = vector.load %arg11[%get3A_110, %get3A_111] : memref<1x128xf32, #tpu.memory_space<vmem>>, vector<1x128xf32>
      %add3A_113 = arith.constant 1.000000e-03 : f32
      %add3A_114 = vector.broadcast %add3A_113 : f32 to vector<1x128xf32>
      %add3A_115 = arith.addf %get3A_112, %add3A_114 : vector<1x128xf32>
      %sqrt3A = math.sqrt %add3A_115 : vector<1x128xf32>
      %div3A_116 = vector.broadcast %sqrt3A : vector<1x128xf32> to vector<64x128xf32>
      %div3A_117 = arith.divf %sub3A_109, %div3A_116 : vector<64x128xf32>
      %get3A_118 = arith.constant 0 : index
      %get3A_119 = arith.constant 0 : index
      %get3A_120 = vector.load %arg8[%get3A_118, %get3A_119] : memref<1x128xf32, #tpu.memory_space<vmem>>, vector<1x128xf32>
      %mul3A_121 = vector.broadcast %get3A_120 : vector<1x128xf32> to vector<64x128xf32>
      %mul3A_122 = arith.mulf %div3A_117, %mul3A_121 : vector<64x128xf32>
      %get3A_123 = arith.constant 0 : index
      %get3A_124 = arith.constant 0 : index
      %get3A_125 = vector.load %arg9[%get3A_123, %get3A_124] : memref<1x128xf32, #tpu.memory_space<vmem>>, vector<1x128xf32>
      %add3A_126 = vector.broadcast %get3A_125 : vector<1x128xf32> to vector<64x128xf32>
      %add3A_127 = arith.addf %mul3A_122, %add3A_126 : vector<64x128xf32>
      %get3A_128 = arith.constant 0 : index
      %get3A_129 = arith.constant 0 : index
      %get3A_130 = vector.load %arg12[%get3A_128, %get3A_129] : memref<128x256xf32, #tpu.memory_space<vmem>>, vector<128x256xf32>
      %dot_general3A_131 = arith.constant dense<0.000000e+00> : vector<64x256xf32>
      %dot_general3A_132 = tpu.matmul %add3A_127, %get3A_130, %dot_general3A_131 {dimension_numbers = #tpu.dot_dimension_numbers<[1], [0], [0], [1], [0, 0, 1, 1], [], []>, precision = #tpu.contract_precision<fp32>, transpose_lhs_hint = false} : vector<64x128xf32>, vector<128x256xf32>, vector<64x256xf32> -> vector<64x256xf32>
      %get3A_133 = arith.constant 0 : index
      %get3A_134 = arith.constant 0 : index
      %get3A_135 = vector.load %arg13[%get3A_133, %get3A_134] : memref<1x256xf32, #tpu.memory_space<vmem>>, vector<1x256xf32>
      %add3A_136 = vector.broadcast %get3A_135 : vector<1x256xf32> to vector<64x256xf32>
      %add3A_137 = arith.addf %dot_general3A_132, %add3A_136 : vector<64x256xf32>
      %ge3A_138 = arith.constant 0.000000e+00 : f32
      %ge3A_139 = vector.broadcast %ge3A_138 : f32 to vector<64x256xf32>
      %ge3A_140 = arith.cmpf oge, %add3A_137, %ge3A_139 : vector<64x256xf32>
      %mul3A_141 = arith.constant 1.500000e-01 : f32
      %mul3A_142 = vector.broadcast %mul3A_141 : f32 to vector<64x256xf32>
      %mul3A_143 = arith.mulf %mul3A_142, %add3A_137 : vector<64x256xf32>
      %select_n3A_144 = arith.select %ge3A_140, %add3A_137, %mul3A_143 : vector<64x256xi1>, vector<64x256xf32>
      %get3A_145 = arith.constant 0 : index
      %get3A_146 = arith.constant 0 : index
      %get3A_147 = vector.load %arg16[%get3A_145, %get3A_146] : memref<1x256xf32, #tpu.memory_space<vmem>>, vector<1x256xf32>
      %sub3A_148 = vector.broadcast %get3A_147 : vector<1x256xf32> to vector<64x256xf32>
      %sub3A_149 = arith.subf %select_n3A_144, %sub3A_148 : vector<64x256xf32>
      %get3A_150 = arith.constant 0 : index
      %get3A_151 = arith.constant 0 : index
      %get3A_152 = vector.load %arg17[%get3A_150, %get3A_151] : memref<1x256xf32, #tpu.memory_space<vmem>>, vector<1x256xf32>
      %add3A_153 = arith.constant 1.000000e-03 : f32
      %add3A_154 = vector.broadcast %add3A_153 : f32 to vector<1x256xf32>
      %add3A_155 = arith.addf %get3A_152, %add3A_154 : vector<1x256xf32>
      %sqrt3A_156 = math.sqrt %add3A_155 : vector<1x256xf32>
      %div3A_157 = vector.broadcast %sqrt3A_156 : vector<1x256xf32> to vector<64x256xf32>
      %div3A_158 = arith.divf %sub3A_149, %div3A_157 : vector<64x256xf32>
      %get3A_159 = arith.constant 0 : index
      %get3A_160 = arith.constant 0 : index
      %get3A_161 = vector.load %arg14[%get3A_159, %get3A_160] : memref<1x256xf32, #tpu.memory_space<vmem>>, vector<1x256xf32>
      %mul3A_162 = vector.broadcast %get3A_161 : vector<1x256xf32> to vector<64x256xf32>
      %mul3A_163 = arith.mulf %div3A_158, %mul3A_162 : vector<64x256xf32>
      %get3A_164 = arith.constant 0 : index
      %get3A_165 = arith.constant 0 : index
      %get3A_166 = vector.load %arg15[%get3A_164, %get3A_165] : memref<1x256xf32, #tpu.memory_space<vmem>>, vector<1x256xf32>
      %add3A_167 = vector.broadcast %get3A_166 : vector<1x256xf32> to vector<64x256xf32>
      %add3A_168 = arith.addf %mul3A_163, %add3A_167 : vector<64x256xf32>
      %get3A_169 = arith.constant 0 : index
      %get3A_170 = arith.constant 0 : index
      %get3A_171 = vector.load %arg18[%get3A_169, %get3A_170] : memref<256x512xf32, #tpu.memory_space<vmem>>, vector<256x512xf32>
      %dot_general3A_172 = arith.constant dense<0.000000e+00> : vector<64x512xf32>
      %dot_general3A_173 = tpu.matmul %add3A_168, %get3A_171, %dot_general3A_172 {dimension_numbers = #tpu.dot_dimension_numbers<[1], [0], [0], [1], [0, 0, 1, 1], [], []>, precision = #tpu.contract_precision<fp32>, transpose_lhs_hint = false} : vector<64x256xf32>, vector<256x512xf32>, vector<64x512xf32> -> vector<64x512xf32>
      %get3A_174 = arith.constant 0 : index
      %get3A_175 = arith.constant 0 : index
      %get3A_176 = vector.load %arg19[%get3A_174, %get3A_175] : memref<1x512xf32, #tpu.memory_space<vmem>>, vector<1x512xf32>
      %add3A_177 = vector.broadcast %get3A_176 : vector<1x512xf32> to vector<64x512xf32>
      %add3A_178 = arith.addf %dot_general3A_173, %add3A_177 : vector<64x512xf32>
      %ge3A_179 = arith.constant 0.000000e+00 : f32
      %ge3A_180 = vector.broadcast %ge3A_179 : f32 to vector<64x512xf32>
      %ge3A_181 = arith.cmpf oge, %add3A_178, %ge3A_180 : vector<64x512xf32>
      %mul3A_182 = arith.constant 1.500000e-01 : f32
      %mul3A_183 = vector.broadcast %mul3A_182 : f32 to vector<64x512xf32>
      %mul3A_184 = arith.mulf %mul3A_183, %add3A_178 : vector<64x512xf32>
      %select_n3A_185 = arith.select %ge3A_181, %add3A_178, %mul3A_184 : vector<64x512xi1>, vector<64x512xf32>
      %get3A_186 = arith.constant 0 : index
      %get3A_187 = arith.constant 0 : index
      %get3A_188 = vector.load %arg22[%get3A_186, %get3A_187] : memref<1x512xf32, #tpu.memory_space<vmem>>, vector<1x512xf32>
      %sub3A_189 = vector.broadcast %get3A_188 : vector<1x512xf32> to vector<64x512xf32>
      %sub3A_190 = arith.subf %select_n3A_185, %sub3A_189 : vector<64x512xf32>
      %get3A_191 = arith.constant 0 : index
      %get3A_192 = arith.constant 0 : index
      %get3A_193 = vector.load %arg23[%get3A_191, %get3A_192] : memref<1x512xf32, #tpu.memory_space<vmem>>, vector<1x512xf32>
      %add3A_194 = arith.constant 1.000000e-03 : f32
      %add3A_195 = vector.broadcast %add3A_194 : f32 to vector<1x512xf32>
      %add3A_196 = arith.addf %get3A_193, %add3A_195 : vector<1x512xf32>
      %sqrt3A_197 = math.sqrt %add3A_196 : vector<1x512xf32>
      %div3A_198 = vector.broadcast %sqrt3A_197 : vector<1x512xf32> to vector<64x512xf32>
      %div3A_199 = arith.divf %sub3A_190, %div3A_198 : vector<64x512xf32>
      %get3A_200 = arith.constant 0 : index
      %get3A_201 = arith.constant 0 : index
      %get3A_202 = vector.load %arg20[%get3A_200, %get3A_201] : memref<1x512xf32, #tpu.memory_space<vmem>>, vector<1x512xf32>
      %mul3A_203 = vector.broadcast %get3A_202 : vector<1x512xf32> to vector<64x512xf32>
      %mul3A_204 = arith.mulf %div3A_199, %mul3A_203 : vector<64x512xf32>
      %get3A_205 = arith.constant 0 : index
      %get3A_206 = arith.constant 0 : index
      %get3A_207 = vector.load %arg21[%get3A_205, %get3A_206] : memref<1x512xf32, #tpu.memory_space<vmem>>, vector<1x512xf32>
      %add3A_208 = vector.broadcast %get3A_207 : vector<1x512xf32> to vector<64x512xf32>
      %add3A_209 = arith.addf %mul3A_204, %add3A_208 : vector<64x512xf32>
      %get3A_210 = arith.constant 0 : index
      %get3A_211 = arith.constant 0 : index
      %get3A_212 = vector.load %arg24[%get3A_210, %get3A_211] : memref<512x64xf32, #tpu.memory_space<vmem>>, vector<512x64xf32>
      %dot_general3A_213 = arith.constant dense<0.000000e+00> : vector<64x64xf32>
      %dot_general3A_214 = tpu.matmul %add3A_209, %get3A_212, %dot_general3A_213 {dimension_numbers = #tpu.dot_dimension_numbers<[1], [0], [0], [1], [0, 0, 1, 1], [], []>, precision = #tpu.contract_precision<fp32>, transpose_lhs_hint = false} : vector<64x512xf32>, vector<512x64xf32>, vector<64x64xf32> -> vector<64x64xf32>
      %get3A_215 = arith.constant 0 : index
      %get3A_216 = arith.constant 0 : index
      %get3A_217 = vector.load %arg25[%get3A_215, %get3A_216] : memref<1x64xf32, #tpu.memory_space<vmem>>, vector<1x64xf32>
      %add3A_218 = vector.broadcast %get3A_217 : vector<1x64xf32> to vector<64x64xf32>
      %add3A_219 = arith.addf %dot_general3A_214, %add3A_218 : vector<64x64xf32>
      %get3A_220 = arith.constant 0 : index
      %get3A_221 = arith.constant 0 : index
      %get3A_222 = vector.load %arg26[%get3A_220, %get3A_221] : memref<64x64xf32, #tpu.memory_space<vmem>>, vector<64x64xf32>
      %dot_general3A_223 = arith.constant dense<0.000000e+00> : vector<64x64xf32>
      %dot_general3A_224 = tpu.matmul %add3A_219, %get3A_222, %dot_general3A_223 {dimension_numbers = #tpu.dot_dimension_numbers<[1], [0], [0], [1], [0, 0, 1, 1], [], []>, precision = #tpu.contract_precision<fp32>, transpose_lhs_hint = false} : vector<64x64xf32>, vector<64x64xf32>, vector<64x64xf32> -> vector<64x64xf32>
      %get3A_225 = arith.constant 0 : index
      %get3A_226 = arith.constant 0 : index
      %get3A_227 = vector.load %arg27[%get3A_225, %get3A_226] : memref<1x64xf32, #tpu.memory_space<vmem>>, vector<1x64xf32>
      %add3A_228 = vector.broadcast %get3A_227 : vector<1x64xf32> to vector<64x64xf32>
      %add3A_229 = arith.addf %dot_general3A_224, %add3A_228 : vector<64x64xf32>
      %get3A_230 = arith.constant 0 : index
      %get3A_231 = arith.constant 0 : index
      %get3A_232 = vector.load %arg28[%get3A_230, %get3A_231] : memref<64x1xf32, #tpu.memory_space<vmem>>, vector<64x1xf32>
      %dot_general3A_233 = arith.constant dense<0.000000e+00> : vector<64x1xf32>
      %dot_general3A_234 = tpu.matmul %add3A_229, %get3A_232, %dot_general3A_233 {dimension_numbers = #tpu.dot_dimension_numbers<[1], [0], [0], [1], [0, 0, 1, 1], [], []>, precision = #tpu.contract_precision<fp32>, transpose_lhs_hint = false} : vector<64x64xf32>, vector<64x1xf32>, vector<64x1xf32> -> vector<64x1xf32>
      %get3A_235 = arith.constant 0 : index
      %get3A_236 = arith.constant 0 : index
      %get3A_237 = vector.load %arg29[%get3A_235, %get3A_236] : memref<1x1xf32, #tpu.memory_space<vmem>>, vector<1x1xf32>
      %add3A_238 = vector.broadcast %get3A_237 : vector<1x1xf32> to vector<64x1xf32>
      %add3A_239 = arith.addf %dot_general3A_234, %add3A_238 : vector<64x1xf32>
      %get3A_240 = arith.constant 0 : index
      %get3A_241 = arith.constant 0 : index
      %get3A_242 = vector.load %arg30[%get3A_240, %get3A_241] : memref<512x64xf32, #tpu.memory_space<vmem>>, vector<512x64xf32>
      %dot_general3A_243 = arith.constant dense<0.000000e+00> : vector<64x64xf32>
      %dot_general3A_244 = tpu.matmul %add3A_209, %get3A_242, %dot_general3A_243 {dimension_numbers = #tpu.dot_dimension_numbers<[1], [0], [0], [1], [0, 0, 1, 1], [], []>, precision = #tpu.contract_precision<fp32>, transpose_lhs_hint = false} : vector<64x512xf32>, vector<512x64xf32>, vector<64x64xf32> -> vector<64x64xf32>
      %get3A_245 = arith.constant 0 : index
      %get3A_246 = arith.constant 0 : index
      %get3A_247 = vector.load %arg31[%get3A_245, %get3A_246] : memref<1x64xf32, #tpu.memory_space<vmem>>, vector<1x64xf32>
      %add3A_248 = vector.broadcast %get3A_247 : vector<1x64xf32> to vector<64x64xf32>
      %add3A_249 = arith.addf %dot_general3A_244, %add3A_248 : vector<64x64xf32>
      %get3A_250 = arith.constant 0 : index
      %get3A_251 = arith.constant 0 : index
      %get3A_252 = vector.load %arg32[%get3A_250, %get3A_251] : memref<64x64xf32, #tpu.memory_space<vmem>>, vector<64x64xf32>
      %dot_general3A_253 = arith.constant dense<0.000000e+00> : vector<64x64xf32>
      %dot_general3A_254 = tpu.matmul %add3A_249, %get3A_252, %dot_general3A_253 {dimension_numbers = #tpu.dot_dimension_numbers<[1], [0], [0], [1], [0, 0, 1, 1], [], []>, precision = #tpu.contract_precision<fp32>, transpose_lhs_hint = false} : vector<64x64xf32>, vector<64x64xf32>, vector<64x64xf32> -> vector<64x64xf32>
      %get3A_255 = arith.constant 0 : index
      %get3A_256 = arith.constant 0 : index
      %get3A_257 = vector.load %arg33[%get3A_255, %get3A_256] : memref<1x64xf32, #tpu.memory_space<vmem>>, vector<1x64xf32>
      %add3A_258 = vector.broadcast %get3A_257 : vector<1x64xf32> to vector<64x64xf32>
      %add3A_259 = arith.addf %dot_general3A_254, %add3A_258 : vector<64x64xf32>
      %get3A_260 = arith.constant 0 : index
      %get3A_261 = arith.constant 0 : index
      %get3A_262 = vector.load %arg34[%get3A_260, %get3A_261] : memref<64x2xf32, #tpu.memory_space<vmem>>, vector<64x2xf32>
      %dot_general3A_263 = arith.constant dense<0.000000e+00> : vector<64x2xf32>
      %dot_general3A_264 = tpu.matmul %add3A_259, %get3A_262, %dot_general3A_263 {dimension_numbers = #tpu.dot_dimension_numbers<[1], [0], [0], [1], [0, 0, 1, 1], [], []>, precision = #tpu.contract_precision<fp32>, transpose_lhs_hint = false} : vector<64x64xf32>, vector<64x2xf32>, vector<64x2xf32> -> vector<64x2xf32>
      %get3A_265 = arith.constant 0 : index
      %get3A_266 = arith.constant 0 : index
      %get3A_267 = vector.load %arg35[%get3A_265, %get3A_266] : memref<1x2xf32, #tpu.memory_space<vmem>>, vector<1x2xf32>
      %add3A_268 = vector.broadcast %get3A_267 : vector<1x2xf32> to vector<64x2xf32>
      %add3A_269 = arith.addf %dot_general3A_264, %add3A_268 : vector<64x2xf32>
      %get3A_270 = arith.constant 0 : index
      %get3A_271 = arith.constant 0 : index
      %get3A_272 = vector.load %arg36[%get3A_270, %get3A_271] : memref<2x2xf32, #tpu.memory_space<vmem>>, vector<2x2xf32>
      %dot_general3A_273 = arith.constant dense<0.000000e+00> : vector<64x2xf32>
      %dot_general3A_274 = tpu.matmul %add3A_269, %get3A_272, %dot_general3A_273 {dimension_numbers = #tpu.dot_dimension_numbers<[1], [0], [0], [1], [0, 0, 1, 1], [], []>, precision = #tpu.contract_precision<fp32>, transpose_lhs_hint = false} : vector<64x2xf32>, vector<2x2xf32>, vector<64x2xf32> -> vector<64x2xf32>
      %get3A_275 = arith.constant 0 : index
      %get3A_276 = arith.constant 0 : index
      %get3A_277 = vector.load %arg37[%get3A_275, %get3A_276] : memref<1x2xf32, #tpu.memory_space<vmem>>, vector<1x2xf32>
      %add3A_278 = vector.broadcast %get3A_277 : vector<1x2xf32> to vector<64x2xf32>
      %add3A_279 = arith.addf %dot_general3A_274, %add3A_278 : vector<64x2xf32>
      %logistic3A = arith.negf %add3A_279 : vector<64x2xf32>
      %logistic3A_280 = math.exp %logistic3A : vector<64x2xf32>
      %logistic3A_281 = arith.constant 1.000000e+00 : f32
      %logistic3A_282 = vector.broadcast %logistic3A_281 : f32 to vector<64x2xf32>
      %logistic3A_283 = arith.addf %logistic3A_282, %logistic3A_280 : vector<64x2xf32>
      %logistic3A_284 = arith.divf %logistic3A_282, %logistic3A_283 : vector<64x2xf32>
      %get3A_285 = arith.constant 0 : index
      %get3A_286 = arith.constant 0 : index
      %get3A_287 = vector.load %arg38[%get3A_285, %get3A_286] : memref<512x64xf32, #tpu.memory_space<vmem>>, vector<512x64xf32>
      %dot_general3A_288 = arith.constant dense<0.000000e+00> : vector<64x64xf32>
      %dot_general3A_289 = tpu.matmul %add3A_209, %get3A_287, %dot_general3A_288 {dimension_numbers = #tpu.dot_dimension_numbers<[1], [0], [0], [1], [0, 0, 1, 1], [], []>, precision = #tpu.contract_precision<fp32>, transpose_lhs_hint = false} : vector<64x512xf32>, vector<512x64xf32>, vector<64x64xf32> -> vector<64x64xf32>
      %get3A_290 = arith.constant 0 : index
      %get3A_291 = arith.constant 0 : index
      %get3A_292 = vector.load %arg39[%get3A_290, %get3A_291] : memref<1x64xf32, #tpu.memory_space<vmem>>, vector<1x64xf32>
      %add3A_293 = vector.broadcast %get3A_292 : vector<1x64xf32> to vector<64x64xf32>
      %add3A_294 = arith.addf %dot_general3A_289, %add3A_293 : vector<64x64xf32>
      %get3A_295 = arith.constant 0 : index
      %get3A_296 = arith.constant 0 : index
      %get3A_297 = vector.load %arg40[%get3A_295, %get3A_296] : memref<64x64xf32, #tpu.memory_space<vmem>>, vector<64x64xf32>
      %dot_general3A_298 = arith.constant dense<0.000000e+00> : vector<64x64xf32>
      %dot_general3A_299 = tpu.matmul %add3A_294, %get3A_297, %dot_general3A_298 {dimension_numbers = #tpu.dot_dimension_numbers<[1], [0], [0], [1], [0, 0, 1, 1], [], []>, precision = #tpu.contract_precision<fp32>, transpose_lhs_hint = false} : vector<64x64xf32>, vector<64x64xf32>, vector<64x64xf32> -> vector<64x64xf32>
      %get3A_300 = arith.constant 0 : index
      %get3A_301 = arith.constant 0 : index
      %get3A_302 = vector.load %arg41[%get3A_300, %get3A_301] : memref<1x64xf32, #tpu.memory_space<vmem>>, vector<1x64xf32>
      %add3A_303 = vector.broadcast %get3A_302 : vector<1x64xf32> to vector<64x64xf32>
      %add3A_304 = arith.addf %dot_general3A_299, %add3A_303 : vector<64x64xf32>
      %get3A_305 = arith.constant 0 : index
      %get3A_306 = arith.constant 0 : index
      %get3A_307 = vector.load %arg42[%get3A_305, %get3A_306] : memref<64x2xf32, #tpu.memory_space<vmem>>, vector<64x2xf32>
      %dot_general3A_308 = arith.constant dense<0.000000e+00> : vector<64x2xf32>
      %dot_general3A_309 = tpu.matmul %add3A_304, %get3A_307, %dot_general3A_308 {dimension_numbers = #tpu.dot_dimension_numbers<[1], [0], [0], [1], [0, 0, 1, 1], [], []>, precision = #tpu.contract_precision<fp32>, transpose_lhs_hint = false} : vector<64x64xf32>, vector<64x2xf32>, vector<64x2xf32> -> vector<64x2xf32>
      %get3A_310 = arith.constant 0 : index
      %get3A_311 = arith.constant 0 : index
      %get3A_312 = vector.load %arg43[%get3A_310, %get3A_311] : memref<1x2xf32, #tpu.memory_space<vmem>>, vector<1x2xf32>
      %add3A_313 = vector.broadcast %get3A_312 : vector<1x2xf32> to vector<64x2xf32>
      %add3A_314 = arith.addf %dot_general3A_309, %add3A_313 : vector<64x2xf32>
      %abs3A_315 = math.absf %add3A_314 : vector<64x2xf32>
      %add3A_316 = arith.constant 9.99999974E-6 : f32
      %add3A_317 = vector.broadcast %add3A_316 : f32 to vector<64x2xf32>
      %add3A_318 = arith.addf %abs3A_315, %add3A_317 : vector<64x2xf32>
      %swap3A_319 = arith.constant 0 : index
      %swap3A_320 = arith.constant 0 : index
      %swap3A_321 = vector.load %arg44[%swap3A_319, %swap3A_320] : memref<64x5xf32, #tpu.memory_space<vmem>>, vector<64x1xf32>
      tpu.vector_store %arg44[%swap3A_319, %swap3A_320], %add3A_239 {strides = array<i32>} : memref<64x5xf32, #tpu.memory_space<vmem>>, vector<64x1xf32>,
      %slice3A = vector.extract_strided_slice %logistic3A_284 {offsets = [0, 0], sizes = [64, 1], strides = [1, 1]} : vector<64x2xf32> to vector<64x1xf32>
      %mul3A_322 = arith.constant 3.14159274 : f32
      %mul3A_323 = vector.broadcast %mul3A_322 : f32 to vector<64x1xf32>
      %mul3A_324 = arith.mulf %slice3A, %mul3A_323 : vector<64x1xf32>
      %swap3A_325 = arith.constant 0 : index
      %swap3A_326 = arith.constant 1 : index
      %swap3A_327 = vector.load %arg44[%swap3A_325, %swap3A_326] : memref<64x5xf32, #tpu.memory_space<vmem>>, vector<64x1xf32>
      tpu.vector_store %arg44[%swap3A_325, %swap3A_326], %mul3A_324 {strides = array<i32>} : memref<64x5xf32, #tpu.memory_space<vmem>>, vector<64x1xf32>,
      %slice3A_328 = vector.extract_strided_slice %logistic3A_284 {offsets = [0, 1], sizes = [64, 1], strides = [1, 1]} : vector<64x2xf32> to vector<64x1xf32>
      %mul3A_329 = arith.constant 6.28318548 : f32
      %mul3A_330 = vector.broadcast %mul3A_329 : f32 to vector<64x1xf32>
      %mul3A_331 = arith.mulf %slice3A_328, %mul3A_330 : vector<64x1xf32>
      %swap3A_332 = arith.constant 0 : index
      %swap3A_333 = arith.constant 2 : index
      %swap3A_334 = vector.load %arg44[%swap3A_332, %swap3A_333] : memref<64x5xf32, #tpu.memory_space<vmem>>, vector<64x1xf32>
      tpu.vector_store %arg44[%swap3A_332, %swap3A_333], %mul3A_331 {strides = array<i32>} : memref<64x5xf32, #tpu.memory_space<vmem>>, vector<64x1xf32>,
      %swap3A_335 = arith.constant 0 : index
      %swap3A_336 = arith.constant 3 : index
      %swap3A_337 = vector.load %arg44[%swap3A_335, %swap3A_336] : memref<64x5xf32, #tpu.memory_space<vmem>>, vector<64x2xf32>
      tpu.vector_store %arg44[%swap3A_335, %swap3A_336], %add3A_318 {strides = array<i32>} : memref<64x5xf32, #tpu.memory_space<vmem>>, vector<64x2xf32>,
    } else {
    }
    return
  }
  func.func @transform_0(%arg0: i32) -> (i32, i32, i32) {
    %c0_i32 = arith.constant 0 : i32
    %c0_i32_0 = arith.constant 0 : i32
    %c0_i32_1 = arith.constant 0 : i32
    return %c0_i32, %arg0, %c0_i32_0 : i32, i32, i32
  }
  func.func @transform_1(%arg0: i32) -> (i32, i32) {
    %c0_i32 = arith.constant 0 : i32
    %c0_i32_0 = arith.constant 0 : i32
    %c0_i32_1 = arith.constant 0 : i32
    return %c0_i32, %c0_i32_0 : i32, i32
  }
  func.func @transform_2(%arg0: i32) -> (i32, i32) {
    %c0_i32 = arith.constant 0 : i32
    %c0_i32_0 = arith.constant 0 : i32
    %c0_i32_1 = arith.constant 0 : i32
    return %c0_i32, %c0_i32_0 : i32, i32
  }
  func.func @transform_3(%arg0: i32) -> (i32, i32) {
    %c0_i32 = arith.constant 0 : i32
    %c0_i32_0 = arith.constant 0 : i32
    return %arg0, %c0_i32 : i32, i32
  }
  func.func @transform_4(%arg0: i32) -> (i32, i32) {
    %c0_i32 = arith.constant 0 : i32
    %c0_i32_0 = arith.constant 0 : i32
    %c0_i32_1 = arith.constant 0 : i32
    return %c0_i32, %c0_i32_0 : i32, i32
  }
  func.func @transform_5(%arg0: i32) -> (i32, i32) {
    %c0_i32 = arith.constant 0 : i32
    %c0_i32_0 = arith.constant 0 : i32
    %c0_i32_1 = arith.constant 0 : i32
    return %c0_i32, %c0_i32_0 : i32, i32
  }
  func.func @transform_6(%arg0: i32) -> (i32, i32) {
    %c0_i32 = arith.constant 0 : i32
    %c0_i32_0 = arith.constant 0 : i32
    %c0_i32_1 = arith.constant 0 : i32
    return %c0_i32, %c0_i32_0 : i32, i32
  }
  func.func @transform_7(%arg0: i32) -> (i32, i32) {
    %c0_i32 = arith.constant 0 : i32
    %c0_i32_0 = arith.constant 0 : i32
    %c0_i32_1 = arith.constant 0 : i32
    return %c0_i32, %c0_i32_0 : i32, i32
  }
  func.func @transform_8(%arg0: i32) -> (i32, i32) {
    %c0_i32 = arith.constant 0 : i32
    %c0_i32_0 = arith.constant 0 : i32
    %c0_i32_1 = arith.constant 0 : i32
    return %c0_i32, %c0_i32_0 : i32, i32
  }
  func.func @transform_9(%arg0: i32) -> (i32, i32) {
    %c0_i32 = arith.constant 0 : i32
    %c0_i32_0 = arith.constant 0 : i32
    %c0_i32_1 = arith.constant 0 : i32
    return %c0_i32, %c0_i32_0 : i32, i32
  }
  func.func @transform_10(%arg0: i32) -> (i32, i32) {
    %c0_i32 = arith.constant 0 : i32
    %c0_i32_0 = arith.constant 0 : i32
    %c0_i32_1 = arith.constant 0 : i32
    return %c0_i32, %c0_i32_0 : i32, i32
  }
  func.func @transform_11(%arg0: i32) -> (i32, i32) {
    %c0_i32 = arith.constant 0 : i32
    %c0_i32_0 = arith.constant 0 : i32
    %c0_i32_1 = arith.constant 0 : i32
    return %c0_i32, %c0_i32_0 : i32, i32
  }
  func.func @transform_12(%arg0: i32) -> (i32, i32) {
    %c0_i32 = arith.constant 0 : i32
    %c0_i32_0 = arith.constant 0 : i32
    %c0_i32_1 = arith.constant 0 : i32
    return %c0_i32, %c0_i32_0 : i32, i32
  }
  func.func @transform_13(%arg0: i32) -> (i32, i32) {
    %c0_i32 = arith.constant 0 : i32
    %c0_i32_0 = arith.constant 0 : i32
    %c0_i32_1 = arith.constant 0 : i32
    return %c0_i32, %c0_i32_0 : i32, i32
  }
  func.func @transform_14(%arg0: i32) -> (i32, i32) {
    %c0_i32 = arith.constant 0 : i32
    %c0_i32_0 = arith.constant 0 : i32
    %c0_i32_1 = arith.constant 0 : i32
    return %c0_i32, %c0_i32_0 : i32, i32
  }
  func.func @transform_15(%arg0: i32) -> (i32, i32) {
    %c0_i32 = arith.constant 0 : i32
    %c0_i32_0 = arith.constant 0 : i32
    %c0_i32_1 = arith.constant 0 : i32
    return %c0_i32, %c0_i32_0 : i32, i32
  }
  func.func @transform_16(%arg0: i32) -> (i32, i32) {
    %c0_i32 = arith.constant 0 : i32
    %c0_i32_0 = arith.constant 0 : i32
    %c0_i32_1 = arith.constant 0 : i32
    return %c0_i32, %c0_i32_0 : i32, i32
  }
  func.func @transform_17(%arg0: i32) -> (i32, i32) {
    %c0_i32 = arith.constant 0 : i32
    %c0_i32_0 = arith.constant 0 : i32
    %c0_i32_1 = arith.constant 0 : i32
    return %c0_i32, %c0_i32_0 : i32, i32
  }
  func.func @transform_18(%arg0: i32) -> (i32, i32) {
    %c0_i32 = arith.constant 0 : i32
    %c0_i32_0 = arith.constant 0 : i32
    %c0_i32_1 = arith.constant 0 : i32
    return %c0_i32, %c0_i32_0 : i32, i32
  }
  func.func @transform_19(%arg0: i32) -> (i32, i32) {
    %c0_i32 = arith.constant 0 : i32
    %c0_i32_0 = arith.constant 0 : i32
    %c0_i32_1 = arith.constant 0 : i32
    return %c0_i32, %c0_i32_0 : i32, i32
  }
  func.func @transform_20(%arg0: i32) -> (i32, i32) {
    %c0_i32 = arith.constant 0 : i32
    %c0_i32_0 = arith.constant 0 : i32
    %c0_i32_1 = arith.constant 0 : i32
    return %c0_i32, %c0_i32_0 : i32, i32
  }
  func.func @transform_21(%arg0: i32) -> (i32, i32) {
    %c0_i32 = arith.constant 0 : i32
    %c0_i32_0 = arith.constant 0 : i32
    %c0_i32_1 = arith.constant 0 : i32
    return %c0_i32, %c0_i32_0 : i32, i32
  }
  func.func @transform_22(%arg0: i32) -> (i32, i32) {
    %c0_i32 = arith.constant 0 : i32
    %c0_i32_0 = arith.constant 0 : i32
    %c0_i32_1 = arith.constant 0 : i32
    return %c0_i32, %c0_i32_0 : i32, i32
  }
  func.func @transform_23(%arg0: i32) -> (i32, i32) {
    %c0_i32 = arith.constant 0 : i32
    %c0_i32_0 = arith.constant 0 : i32
    %c0_i32_1 = arith.constant 0 : i32
    return %c0_i32, %c0_i32_0 : i32, i32
  }
  func.func @transform_24(%arg0: i32) -> (i32, i32) {
    %c0_i32 = arith.constant 0 : i32
    %c0_i32_0 = arith.constant 0 : i32
    %c0_i32_1 = arith.constant 0 : i32
    return %c0_i32, %c0_i32_0 : i32, i32
  }
  func.func @transform_25(%arg0: i32) -> (i32, i32) {
    %c0_i32 = arith.constant 0 : i32
    %c0_i32_0 = arith.constant 0 : i32
    %c0_i32_1 = arith.constant 0 : i32
    return %c0_i32, %c0_i32_0 : i32, i32
  }
  func.func @transform_26(%arg0: i32) -> (i32, i32) {
    %c0_i32 = arith.constant 0 : i32
    %c0_i32_0 = arith.constant 0 : i32
    %c0_i32_1 = arith.constant 0 : i32
    return %c0_i32, %c0_i32_0 : i32, i32
  }
  func.func @transform_27(%arg0: i32) -> (i32, i32) {
    %c0_i32 = arith.constant 0 : i32
    %c0_i32_0 = arith.constant 0 : i32
    %c0_i32_1 = arith.constant 0 : i32
    return %c0_i32, %c0_i32_0 : i32, i32
  }
  func.func @transform_28(%arg0: i32) -> (i32, i32) {
    %c0_i32 = arith.constant 0 : i32
    %c0_i32_0 = arith.constant 0 : i32
    %c0_i32_1 = arith.constant 0 : i32
    return %c0_i32, %c0_i32_0 : i32, i32
  }
  func.func @transform_29(%arg0: i32) -> (i32, i32) {
    %c0_i32 = arith.constant 0 : i32
    %c0_i32_0 = arith.constant 0 : i32
    %c0_i32_1 = arith.constant 0 : i32
    return %c0_i32, %c0_i32_0 : i32, i32
  }
  func.func @transform_30(%arg0: i32) -> (i32, i32) {
    %c0_i32 = arith.constant 0 : i32
    %c0_i32_0 = arith.constant 0 : i32
    %c0_i32_1 = arith.constant 0 : i32
    return %c0_i32, %c0_i32_0 : i32, i32
  }
  func.func @transform_31(%arg0: i32) -> (i32, i32) {
    %c0_i32 = arith.constant 0 : i32
    %c0_i32_0 = arith.constant 0 : i32
    %c0_i32_1 = arith.constant 0 : i32
    return %c0_i32, %c0_i32_0 : i32, i32
  }
  func.func @transform_32(%arg0: i32) -> (i32, i32) {
    %c0_i32 = arith.constant 0 : i32
    %c0_i32_0 = arith.constant 0 : i32
    %c0_i32_1 = arith.constant 0 : i32
    return %c0_i32, %c0_i32_0 : i32, i32
  }
  func.func @transform_33(%arg0: i32) -> (i32, i32) {
    %c0_i32 = arith.constant 0 : i32
    %c0_i32_0 = arith.constant 0 : i32
    %c0_i32_1 = arith.constant 0 : i32
    return %c0_i32, %c0_i32_0 : i32, i32
  }
  func.func @transform_34(%arg0: i32) -> (i32, i32) {
    %c0_i32 = arith.constant 0 : i32
    %c0_i32_0 = arith.constant 0 : i32
    %c0_i32_1 = arith.constant 0 : i32
    return %c0_i32, %c0_i32_0 : i32, i32
  }
  func.func @transform_35(%arg0: i32) -> (i32, i32) {
    %c0_i32 = arith.constant 0 : i32
    %c0_i32_0 = arith.constant 0 : i32
    %c0_i32_1 = arith.constant 0 : i32
    return %c0_i32, %c0_i32_0 : i32, i32
  }
  func.func @transform_36(%arg0: i32) -> (i32, i32) {
    %c0_i32 = arith.constant 0 : i32
    %c0_i32_0 = arith.constant 0 : i32
    %c0_i32_1 = arith.constant 0 : i32
    return %c0_i32, %c0_i32_0 : i32, i32
  }
  func.func @transform_37(%arg0: i32) -> (i32, i32) {
    %c0_i32 = arith.constant 0 : i32
    %c0_i32_0 = arith.constant 0 : i32
    %c0_i32_1 = arith.constant 0 : i32
    return %c0_i32, %c0_i32_0 : i32, i32
  }
  func.func @transform_38(%arg0: i32) -> (i32, i32) {
    %c0_i32 = arith.constant 0 : i32
    %c0_i32_0 = arith.constant 0 : i32
    %c0_i32_1 = arith.constant 0 : i32
    return %c0_i32, %c0_i32_0 : i32, i32
  }
  func.func @transform_39(%arg0: i32) -> (i32, i32) {
    %c0_i32 = arith.constant 0 : i32
    %c0_i32_0 = arith.constant 0 : i32
    %c0_i32_1 = arith.constant 0 : i32
    return %c0_i32, %c0_i32_0 : i32, i32
  }
  func.func @transform_40(%arg0: i32) -> (i32, i32) {
    %c0_i32 = arith.constant 0 : i32
    %c0_i32_0 = arith.constant 0 : i32
    %c0_i32_1 = arith.constant 0 : i32
    return %c0_i32, %c0_i32_0 : i32, i32
  }
  func.func @transform_41(%arg0: i32) -> (i32, i32) {
    %c0_i32 = arith.constant 0 : i32
    %c0_i32_0 = arith.constant 0 : i32
    %c0_i32_1 = arith.constant 0 : i32
    return %c0_i32, %c0_i32_0 : i32, i32
  }
  func.func @transform_42(%arg0: i32) -> (i32, i32) {
    %c0_i32 = arith.constant 0 : i32
    %c0_i32_0 = arith.constant 0 : i32
    %c0_i32_1 = arith.constant 0 : i32
    return %c0_i32, %c0_i32_0 : i32, i32
  }
  func.func @transform_43(%arg0: i32) -> (i32, i32) {
    %c0_i32 = arith.constant 0 : i32
    %c0_i32_0 = arith.constant 0 : i32
    %c0_i32_1 = arith.constant 0 : i32
    return %c0_i32, %c0_i32_0 : i32, i32
  }
}

</mosaic_0001>

<sc_bundles>
// kernel: edge_agg_w64.4.cloned.1.call-start
scs
__scs_entry_jumppad:
0x0: {  	(pc) =	sbr.rel $0x88, $3  }
0x1: {  	(tag) =	ssettag $0x0;
	lr =	simm.s32 $0x1  }
0x2: {  	[smem:$0x3F74] =	sst lr;
	_ =	strace $0xD0000000  }
0x3: {  	_ = 	snop  }
0x4: {  	_ = 	snop  }
0x5: {  	_ = 	snop  }
0x6: {  	_ = 	snop  }
0x7: {  	_ = 	snop  }
__scs_overlays_trampoline_lowered:
0x8: {  	[smem:$0x3F83] =	sst s0  }
0x9: {  	[smem:$0x3F84] =	sst s1  }
0xa: {  	[smem:$0x3F85] =	sst s2  }
0xb: {  	[smem:$0x3F86] =	sst s3  }
0xc: {  	[smem:$0x3F87] =	sst s4  }
0xd: {  	[smem:$0x3F88] =	sst s5  }
0xe: {  	[smem:$0x3F89] =	sst s6  }
0xf: {  	[smem:$0x3F8A] =	sst s7  }
0x10: {  	[smem:$0x3F8B] =	sst s8  }
0x11: {  	[smem:$0x3F8C] =	sst s9;
	s0 =	simm.s32 @!p0 $0x0  }
0x12: {  	s1 =	sld [smem:$0x3F72];
	s0 =	simm.s32 @p0 $0x1  }
0x13: {  	[smem:$0x3F8D] =	sst s0;
	s0 =	simm.s32 @!p1 $0x0  }
0x14: {  	s2 =	sld [smem:$0x3F71];
	s0 =	simm.s32 @p1 $0x1  }
0x15: {  	[smem:$0x3F8E] =	sst s0;
	s0 =	simm.s32 @!p2 $0x0  }
0x16: {  	s3 =	sld [smem:$0x3FDB];
	s0 =	simm.s32 @p2 $0x1  }
0x17: {  	s4 =	simm.s32 $0x1BF5;
	[smem:$0x3F90] =	sst s0  }
0x18: {  	s0 =	sld [smem:$0x3F73];
	_ =	swait.ge [sflag:s4], $0x0  }
0x19: {  	s7 =	sld [smem:$0x3F74]  }
0x1a: {  	s8 =	sadd.s32 $0xFFFFE003, lr  }
0x1b: {  	s9 =	sadd.s32 $0xFFFFFEF7, lr;
	s5 =	simm.s32 $0xFFFFFFFF;
	p2 =	slt.u32 s8, $0xFFFFF086  }
0x1c: {  	p1 =	slt.u32 s9, $0xF7A;
	s5 =	simm.s32 @!p2 $0x0  }
0x1d: {  	s5 =	simm.s32 @p1 $0x1;
	p0 =	seq.s32 s7, s2  }
0x1e: {  	s7 =	smul.u32 @!p0 $0xF7A, s2;
	p2 =	seq.s32 @!p0 s5, $0x0  }
0x1f: {  	s9 =	smul.u32 $0xF7A, s1;
	s8 =	simm.s32 @!p0 $0x1BF5;
	p2 =	por !p2, p0  }
0x20: {  	[sflag:s8] =	ssyncset.s32 @!p0 $0xFFFFF086;
	s6 =	sadd.s32 @!p0 s3, s7;
	s7 =	simm.s32 @!p0 $0x108  }
0x21: {  	s3 =	sadd.s32 s3, s9;
	s6 =	sadd.s32 @!p0 $0x88, s6;
	s7 =	simm.s32 @p2 $0x1082  }
0x22: {  	[simem:s7], [sflag:s8] =	dma.local @!p0 [hbm:s6], $0xF7A  }
0x23: {  	s9 =	sor.u32 $0xD0000000, s2;
	s6 =	simm.s32 $0x108;
	_ =	swait.ge @!p0 [sflag:s8], $0x0  }
0x24: {  	s3 =	sadd.s32 $0x88, s3;
	s6 =	simm.s32 @!p1 $0x1082;
	[sflag:s4] =	ssyncset.s32 $0xFFFFF086  }
0x25: {  	[simem:s6], [sflag:s4] =	dma.local [hbm:s3], $0xF7A  }
0x26: {  	[smem:$0x3F74] =	sst s1;
	(tag) =	ssettag s2;
	_ =	strace s9  }
0x27: {  	s1 =	sld [smem:$0x3F84]  }
0x28: {  	s2 =	sld [smem:$0x3F85]  }
0x29: {  	s4 =	sld [smem:$0x3F87]  }
0x2a: {  	p0 =	seq.s32 s5, $0x0;
	s5 =	sld [smem:$0x3F88]  }
0x2b: {  	s6 =	sld [smem:$0x3F89]  }
0x2c: {  	s7 =	sld [smem:$0x3F8A]  }
0x2d: {  	s3 =	simm.s32 $0x108;
	s8 =	sld [smem:$0x3F8B]  }
0x2e: {  	s3 =	simm.s32 @!p0 $0x1082;
	s9 =	sld [smem:$0x3F8C]  }
0x2f: {  	lr =	sadd.s32 s0, s3;
	s0 =	sld [smem:$0x3F83]  }
0x30: {  	s3 =	sld [smem:$0x3F86]  }
0x31: {  	[smem:$0x3F8F] =	sst s10  }
0x32: {  	s10 =	sld [smem:$0x3F8D];
	_ =	sdelay $0x3  }
0x33: {  	p0 =	seq.s32 s10, $0x1;
	s10 =	sld [smem:$0x3F8F];
	_ =	sdelay $0x3  }
0x34: {  	[smem:$0x3F8F] =	sst s10  }
0x35: {  	s10 =	sld [smem:$0x3F8E];
	_ =	sdelay $0x3  }
0x36: {  	p1 =	seq.s32 s10, $0x1;
	s10 =	sld [smem:$0x3F8F];
	_ =	sdelay $0x3  }
0x37: {  	[smem:$0x3F8F] =	sst s10  }
0x38: {  	s10 =	sld [smem:$0x3F90]  }
0x39: {  	_ = 	snop;
	(pc) =	sbr.ind lr, $3  }
0x3a: {  	_ = 	snop  }
0x3b: {  	_ = 	snop  }
0x3c: {  	p2 =	seq.s32 s10, $0x1;
	s10 =	sld [smem:$0x3F8F]  }
0x3d: {  	_ =	shalt  }
0x3e: {  	_ =	shalt  }
0x3f: {  	_ =	shalt  }
0x40: {  	_ =	shalt  }
0x41: {  	_ =	shalt  }
0x42: {  	_ =	shalt  }
0x43: {  	_ =	shalt  }
0x44: {  	_ =	shalt  }
0x45: {  	_ =	shalt  }
0x46: {  	_ =	shalt  }
0x47: {  	_ =	shalt  }
0x48: {  	_ =	shalt  }
0x49: {  	_ =	shalt  }
0x4a: {  	_ =	shalt  }
0x4b: {  	_ =	shalt  }
0x4c: {  	_ =	shalt  }
0x4d: {  	_ =	shalt  }
0x4e: {  	_ =	shalt  }
0x4f: {  	_ =	shalt  }
0x50: {  	_ =	shalt  }
0x51: {  	_ =	shalt  }
0x52: {  	_ =	shalt  }
0x53: {  	_ =	shalt  }
0x54: {  	_ =	shalt  }
0x55: {  	_ =	shalt  }
0x56: {  	_ =	shalt  }
0x57: {  	_ =	shalt  }
0x58: {  	_ =	shalt  }
0x59: {  	_ =	shalt  }
0x5a: {  	_ =	shalt  }
0x5b: {  	_ =	shalt  }
0x5c: {  	_ =	shalt  }
0x5d: {  	_ =	shalt  }
0x5e: {  	_ =	shalt  }
0x5f: {  	_ =	shalt  }
0x60: {  	_ =	shalt  }
0x61: {  	_ =	shalt  }
0x62: {  	_ =	shalt  }
0x63: {  	_ =	shalt  }
0x64: {  	_ =	shalt  }
0x65: {  	_ =	shalt  }
0x66: {  	_ =	shalt  }
0x67: {  	_ =	shalt  }
0x68: {  	_ =	shalt  }
0x69: {  	_ =	shalt  }
0x6a: {  	_ =	shalt  }
0x6b: {  	_ =	shalt  }
0x6c: {  	_ =	shalt  }
0x6d: {  	_ =	shalt  }
0x6e: {  	_ =	shalt  }
0x6f: {  	_ =	shalt  }
0x70: {  	_ =	shalt  }
0x71: {  	_ =	shalt  }
0x72: {  	_ =	shalt  }
0x73: {  	_ =	shalt  }
0x74: {  	_ =	shalt  }
0x75: {  	_ =	shalt  }
0x76: {  	_ =	shalt  }
0x77: {  	_ =	shalt  }
0x78: {  	_ =	shalt  }
0x79: {  	_ =	shalt  }
0x7a: {  	_ =	shalt  }
0x7b: {  	_ =	shalt  }
0x7c: {  	_ =	shalt  }
0x7d: {  	_ =	shalt  }
0x7e: {  	_ =	shalt  }
0x7f: {  	_ =	shalt  }
0x80: {  	_ =	shalt  }
0x81: {  	_ =	shalt  }
0x82: {  	_ =	shalt  }
0x83: {  	_ =	shalt  }
0x84: {  	_ =	shalt  }
0x85: {  	_ =	shalt  }
0x86: {  	_ =	shalt  }
0x87: {  	_ =	shalt  }
.Lfunc_end0:
.L_simem_size_0:
called_computation_lowered:
.L_overlay_start_0:
0x88: {  	s2 =	sld [smem:$0x3FD9]  }
0x89: {  	s3 =	sld [smem:$0x3FFE];
	_ =	sdelay $0x1  }
0x8a: {  	s1 =	srdreg.scid  }
0x8b: {  	s0 =	sand.u32 $0x1, s1  }
0x8c: {  	s16 =	sshll.u32 s0, $0xA;
	s2 =	sadd.s32 s3, s2  }
0x8d: {  	s2 =	sadd.s32 s2, s16  }
0x8e: {  	[smem:$0x3F9B] =	sst s2  }
0x8f: {  	_ = 	snop  }
0x90: {  	(tm) =	ssettm $0x1  }
0x91: {  	s17 =	sld [smem:$0x3FFB];
	_ =	sdelay $0x3  }
0x92: {  	_ =	strace s17  }
0x93: {  	s2 =	sld [smem:$0x3FFC];
	_ =	sdelay $0x3  }
0x94: {  	_ =	strace s2  }
0x95: {  	s2 =	sld [smem:$0x3FFD];
	_ =	sdelay $0x3  }
0x96: {  	_ =	strace s2  }
0x97: {  	_ =	strace $0x8FFFFFFF  }
0x98: {  	s18 =	sld [smem:$0x3FDB];
	_ =	sdelay $0x1  }
0x99: {  	s19 =	simm.s32 $_scs_section_size  }
0x9a: {  	s4 =	simm.s32 $_size__tile_overlayer_lowered;
	s5 =	simm.s32 $_tile_overlayer_lowered  }
0x9b: {  	s22 =	simm.s32 $0x1BFF;
	s21 =	sshll.u32 s5, $0x1;
	s2 =	sadd.s32 s19, s18  }
0x9c: {  	s6 =	simm.s32 $0x0;
	s20 =	sshll.u32 s4, $0x1;
	s4 =	sadd.s32 s21, s2  }
0x9d: {  	[timem:s6], [sflag:s22] =	dma.local [hbm:s4], s20  }
0x9e: {  	_ =	swait.ge [sflag:s22], s20  }
0x9f: {  	s3 =	ssub.s32 $0x0, s20;
	[sflag:s22] =	ssyncset.done $0x0  }
0xa0: {  	[sflag:s22] =	ssyncadd.s32 s3;
	_ =	sdelay $0x1  }
0xa1: {  	s23 =	simm.s32 $0x1B8B  }
0xa2: {  	_ =	swait.ge [sflag:s23], $0x1  }
0xa3: {  	[sflag:s23] =	ssyncset.done $0x0  }
0xa4: {  	s25 =	simm.s32 $0x1B8E;
	s24 =	sld [smem:$0x3FFE];
	[sflag:s23] =	ssyncadd.s32 $0xFFFFFFFF  }
0xa5: {  	s26 =	simm.s32 $execute0_lowered;
	[smem:$0x3FD2] =	sst s25  }
0xa6: {  	s4 =	sshll.u32 s26, $0x1;
	_ =	strace $0x80000046;
	[dreg:$0x1] =	wrdreg $0xFFFFFFFF  }
0xa7: {  	s28 =	simm.s32 $_size_execute0_lowered;
	s2 =	sadd.s32 s2, s4;
	[dreg:$0x0] =	wrdreg $0x0  }
0xa8: {  	s4 =	sshll.u32 s28, $0x1;
	[dreg:$0x2] =	wrdreg s2  }
0xa9: {  	[dreg:$0x3] =	wrdreg s4  }
0xaa: {  	[dreg:$0x4] =	wrdreg $0xC0  }
0xab: {  	_ =	task [dreg:s6], $0x5FFFF  }
0xac: {  	[dreg:$0x1] =	wrdreg $0xFFFFFFFF  }
0xad: {  	[dreg:$0x0] =	wrdreg $0x60  }
0xae: {  	[dreg:$0x2] =	wrdreg s24  }
0xaf: {  	[dreg:$0x3] =	wrdreg $0x90000  }
0xb0: {  	[dreg:$0x4] =	wrdreg $0x12C600  }
0xb1: {  	[dreg:$0x5] =	wrdreg $0x9  }
0xb2: {  	_ =	task.clear_ibuf [dreg:s6], $0x6FFFF;
	_ =	strace $0x90000046  }
0xb3: {  	s29 =	simm.s32 $0x9;
	_ =	strace $0x80000048  }
0xb4: {  	_ =	swait.ge [sflag:s29], $0x1  }
0xb5: {  	[sflag:s29] =	ssyncadd.s32 $0xFFFFFFFF  }
0xb6: {  	_ =	strace $0x90000048  }
0xb7: {  	_ =	sfence  }
0xb8: {  	s30 =	sld [smem:$0x0];
	_ =	sdelay $0x2  }
0xb9: {  	s31 =	sshll.u32 s1, $0xD;
	s1 =	sshrl.u32 s1, $0x2  }
0xba: {  	s3 =	sand.u32 $0x4000, s31;
	s1 =	sadd.s32 s1, s30  }
0xbb: {  	s0 =	sor.u32 s3, s0;
	s1 =	sshll.u32 s1, $0x11  }
0xbc: {  	s0 =	sor.u32 s1, s0  }
0xbd: {  	s0 =	sadd.s32 $0x8F2B, s0  }
0xbe: {  	[sflag:s0] =	ssyncadd.remote.s32 $0x1  }
0xbf: {  	_ =	sfence.sel $0xFFFF  }
0xc0: {  	[dreg:$0x0] =	wrdreg $0xFFFFFFFF;
	(pc) =	sbr.abs _section_cstart, $3  }
0xc1: {  	[dreg:$0x1] =	wrdreg $0xFFFFFFFF  }
0xc2: {  	_ =	task.clear_ibuf [dreg:s6], $0x2FFFF;
	_ =	strace $0x9FFFFFFF  }
0xc3: {  	(tm) =	ssettm $0x7FFFFFFF  }
tec
execute0_lowered:
.L_overlay_start_1:
0x0: {  	(tag) =	ssettag $0x1  }
0x1: {  	s0 =	rddreg [dreg:$0x0]  }
0x2: {  	s2 =	rddreg [dreg:$0x1]  }
0x3: {  	s3 =	rddreg [dreg:$0x2];
	s1 =	srdreg.scid  }
0x4: {  	s12 =	stileid.u32;
	s4 =	simm.s32 $0x0;
	s19 =	simm.s32 $0x9  }
0x5: {  	s20 =	simm.s32 $0x2800;
	s21 =	simm.s32 $0x40;
	s22 =	simm.s32 $0x5000  }
0x6: {  	s30 =	simm.s32 $0x2;
	s29 =	simm.s32 $0x6;
	s31 =	simm.s32 $0x7  }
0x7: {  	s1 =	sand.u32 $0x1, s1;
	s5 =	smul.u32 $0x9E00, s12;
	[smem:$0x7FF] =	sst s4  }
0x8: {  	s10 =	sadd.s32 $0x40C00, s0;
	s13 =	sadd.s32 $0x3FA40, s0;
	s15 =	sadd.s32 $0x94200, s3  }
0x9: {  	p0 =	seq.s32 s12, $0xF;
	s6 =	sshll.u32 s1, $0x4;
	s8 =	ssub.s32 $0x2, s1  }
0xa: {  	_ =	strace $0x80000047;
	s1 =	smul.u32 $0x9C400, s1;
	[dreg:$0x6] =	wrdreg s13  }
0xb: {  	s15 =	sshrl.u32 @p0 s15, $0x3;
	s6 =	sor.u32 s12, s6;
	s7 =	sshrl.u32 s5, $0x3  }
0xc: {  	s9 =	sshrl.u32 s8, $0x1;
	s6 =	smul.u32 $0x500, s6;
	s7 =	sadd.s32 s7, s0  }
0xd: {  	s8 =	ssub.s32 s8, s9;
	s9 =	sadd.s32 s5, s2;
	s24 =	sadd.s32 s5, s1  }
0xe: {  	s1 =	sshrl.u32 s1, $0x3;
	s11 =	sadd.s32 $0x2D200, s7;
	s7 =	sadd.s32 $0x5800, s7  }
0xf: {  	s1 =	sadd.s32 s10, s1;
	s28 =	smax.u32 s8, $0x1;
	s17 =	sshrl.u32 @!p0 s9, $0x3  }
0x10: {  	s6 =	sadd.s32 s6, s0;
	[dreg:$0x4] =	wrdreg s11;
	s11 =	sadd.s32 s5, s3  }
0x11: {  	[dreg:$0x5] =	wrdreg s7;
	s7 =	sadd.s32 $0x94200, s2;
	s0 =	sadd.s32 $0x18040, s0  }
0x12: {  	s26 =	sadd.s32 $0x12840, s1;
	[dreg:$0xc] =	wrdreg s28;
	s1 =	simm.s32 $0x3  }
0x13: {  	[dreg:$0x7] =	wrdreg s0;
	s23 =	sadd.s32 $0x19200, s6;
	s25 =	sadd.s32 $0x23200, s6  }
0x14: {  	s0 =	sshrl.u32 s24, $0x3;
	[dreg:$0xb] =	wrdreg s26;
	s14 =	sshrl.u32 @p0 s7, $0x3  }
0x15: {  	s18 =	sshrl.u32 @!p0 s11, $0x3;
	s26 =	simm.s32 $0x1;
	[dreg:$0x8] =	wrdreg s23  }
0x16: {  	s24 =	simm.s32 $0x0;
	[dreg:$0x9] =	wrdreg s25;
	s0 =	sadd.s32 s10, s0  }
0x17: {  	s23 =	simm.s32 $0x6000;
	[dreg:$0xa] =	wrdreg s0;
	s0 =	sshll.u32 @!p0 s12, $0x6  }
0x18: {  	s25 =	simm.s32 $0x7000;
	s16 =	sor.u32 @!p0 $0x1C09, s0;
	s0 =	simm.s32 $0x8  }
.LBB2_1:
0x19: {  	s5 =	simm.s32 @p0 $0x1FC9;
	s6 =	rddreg [dreg:$0x6]  }
0x1a: {  	[spmem:s14], [sflag:s5] =	dma.local @p0 [hbm:s6], $0x1080  }
0x1b: {  	s6 =	simm.s32 @p0 $0x9  }
0x1c: {  	_ =	swait.ge @p0 [sflag:s6], $0x1080  }
0x1d: {  	[sflag:s6] =	ssyncset.done @p0 $0x0  }
0x1e: {  	s7 =	rddreg [dreg:$0x7];
	[sflag:s6] =	ssyncadd.s32 @p0 $0xFFFFEF80  }
0x1f: {  	[spmem:s15], [sflag:s5] =	dma.local @p0 [hbm:s7], $0x1040  }
0x20: {  	_ =	swait.ge @p0 [sflag:s6], $0x1040  }
0x21: {  	[sflag:s6] =	ssyncset.done @p0 $0x0  }
0x22: {  	s5 =	rddreg [dreg:$0x4];
	[sflag:s6] =	ssyncadd.s32 @p0 $0xFFFFEFC0  }
0x23: {  	[spmem:s17], [sflag:s16] =	dma.local @!p0 [hbm:s5], $0x13C0  }
0x24: {  	s5 =	simm.s32 @!p0 $0x9  }
0x25: {  	_ =	swait.ge @!p0 [sflag:s5], $0x13C0  }
0x26: {  	[sflag:s5] =	ssyncset.done @!p0 $0x0  }
0x27: {  	s6 =	rddreg [dreg:$0x5];
	[sflag:s5] =	ssyncadd.s32 @!p0 $0xFFFFEC40  }
0x28: {  	[spmem:s18], [sflag:s16] =	dma.local @!p0 [hbm:s6], $0x13C0  }
0x29: {  	_ =	swait.ge @!p0 [sflag:s5], $0x13C0  }
0x2a: {  	[sflag:s5] =	ssyncset.done @!p0 $0x0  }
0x2b: {  	s9 =	rddreg [dreg:$0x8];
	[sflag:s5] =	ssyncadd.s32 @!p0 $0xFFFFEC40  }
0x2c: {  	[tilespmem:s4], [sflag:$0x9] =	stream.linear.gather [hbm4b:s9+s4], $0x2800, $0x38;
	[tilespmem:$0x1C8A0] =	vst v63  }
0x2d: {  	_ =	swait.ge [sflag:s19], $0x2800  }
0x2e: {  	[sflag:s19] =	ssyncset.done $0x0  }
0x2f: {  	s10 =	rddreg [dreg:$0x9];
	[sflag:s19] =	ssyncadd.s32 $0xFFFFD800  }
0x30: {  	[tilespmem:s20], [sflag:$0x9] =	stream.linear.gather [hbm4b:s10+s4], $0x2800, $0x38;
	[tilespmem:$0x1C8A0] =	vst v63  }
0x31: {  	_ =	swait.ge [sflag:s19], $0x2800  }
0x32: {  	[sflag:s19] =	ssyncset.done $0x0  }
0x33: {  	[sflag:s19] =	ssyncadd.s32 $0xFFFFD800  }
0x34: {  	[bflag:$0x0] =	sbarrier.arrive $0xFFFF  }
0x35: {  	[tilespmem:s22], [sflag:$0x1] =	stream.indirect.gather [spmem:s3], $0x40, s4, s21, $0xb8;
	[tilespmem:$0x1C8A0] =	vst v63  }
0x36: {  	_ = 	snop  }
0x37: {  	[tilespmem:s23], [sflag:$0x2] =	stream.indirect.gather [spmem:s3], $0x40, s21, s21, $0xb8;
	[tilespmem:$0x1C8A0] =	vst v63  }
0x38: {  	s11 =	simm.s32 $0x80  }
0x39: {  	[tilespmem:s25], [sflag:$0x3] =	stream.indirect.gather [spmem:s3], $0x40, s11, s21, $0xb8;
	[tilespmem:$0x1C8A0] =	vst v63  }
0x3a: {  	_ =	swait.ge [sflag:s26], $0x1000  }
0x3b: {  	[sflag:s26] =	ssyncset.done $0x0  }
0x3c: {  	[sflag:s26] =	ssyncadd.s32 $0xFFFFF000  }
0x3d: {  	[spmem:s2] =	stream.indirect.scatter.add.f32 [tilespmem:s22], [sflag:$0x5], $0x40, s20, s21, $0xb8;
	[tilespmem:$0x1C8A0] =	vst v63  }
0x3e: {  	s12 =	simm.s32 $0xC0;
	s13 =	simm.s32 $0x8000  }
0x3f: {  	[tilespmem:s13], [sflag:$0x4] =	stream.indirect.gather [spmem:s3], $0x40, s12, s21, $0xb8;
	[tilespmem:$0x1C8A0] =	vst v63  }
0x40: {  	_ =	swait.ge [sflag:s30], $0x1000  }
0x41: {  	[sflag:s30] =	ssyncset.done $0x0  }
0x42: {  	s6 =	simm.s32 $0x2840;
	[sflag:s30] =	ssyncadd.s32 $0xFFFFF000  }
0x43: {  	[spmem:s2] =	stream.indirect.scatter.add.f32 [tilespmem:s23], [sflag:$0x6], $0x40, s6, s21, $0xb8;
	[tilespmem:$0x1C8A0] =	vst v63  }
0x44: {  	s7 =	simm.s32 $0x100  }
0x45: {  	[tilespmem:s22], [sflag:$0x1] =	stream.indirect.gather [spmem:s3], $0x40, s7, s21, $0xb8;
	[tilespmem:$0x1C8A0] =	vst v63  }
0x46: {  	s8 =	simm.s32 $0x2880;
	s28 =	simm.s32 $0x180;
	_ =	swait.ge [sflag:s1], $0x1000  }
0x47: {  	p1 =	por $0x0, $0x0;
	s10 =	simm.s32 $0x3;
	[sflag:s1] =	ssyncset.done $0x0  }
0x48: {  	s9 =	simm.s32 $0x140;
	s5 =	sand.u32 $0x3, s10;
	[sflag:s1] =	ssyncadd.s32 $0xFFFFF000  }
0x49: {  	[spmem:s2] =	stream.indirect.scatter.add.f32 [tilespmem:s25], [sflag:$0x7], $0x40, s8, s21, $0xb8;
	[tilespmem:$0x1C8A0] =	vst v63  }
0x4a: {  	s11 =	sadd.s32 $0x1, s5;
	s12 =	simm.s32 $0x28C0;
	s7 =	sand.u32 @!p1 $0x3, s29  }
0x4b: {  	[tilespmem:s23], [sflag:$0x2] =	stream.indirect.gather [spmem:s3], $0x40, s9, s21, $0xb8;
	[tilespmem:$0x1C8A0] =	vst v63  }
0x4c: {  	s10 =	sshll.u32 @!p1 s7, $0xC;
	s8 =	sshll.u32 s5, $0xC;
	_ =	swait.ge [sflag:s11], $0x1000  }
0x4d: {  	s5 =	sadd.s32 $0x5, s5;
	s9 =	simm.s32 $0x4;
	[sflag:s11] =	ssyncset.done $0x0  }
0x4e: {  	s8 =	sadd.s32 $0x5000, s8;
	s13 =	sand.u32 $0x3, s9;
	[sflag:s11] =	ssyncadd.s32 $0xFFFFF000  }
0x4f: {  	[spmem:s2] =	stream.indirect.scatter.add.f32 [tilespmem:s8], [sflag:s5], $0x40, s12, s21, $0xb8;
	[tilespmem:$0x1C8A0] =	vst v63  }
0x50: {  	s6 =	simm.s32 $0x2900;
	s10 =	sadd.s32 @!p1 $0x5000, s10;
	s8 =	sadd.s32 $0x5, s13  }
0x51: {  	s9 =	sadd.s32 @!p1 $0x1, s7;
	s7 =	simm.s32 $0x180;
	_ =	swait.ge [sflag:s8], $0x1000  }
0x52: {  	s11 =	simm.s32 @!p1 $0x40;
	s5 =	simm.s32 $0x7;
	[sflag:s8] =	ssyncset.done $0x0  }
.LBB2_2:
0x53: {  	[sflag:s8] =	ssyncadd.s32 $0xFFFFF000  }
0x54: {  	s28 =	sadd.s32 $0x40, s28;
	s12 =	smov.u32 s5;
	s5 =	sadd.s32 $0x1, s5  }
0x55: {  	[tilespmem:s10], [sflag:s9] =	stream.indirect.gather @!p1 [spmem:s3], $0x40, s7, s11, $0xb8;
	[tilespmem:$0x1C8A0] =	vst v63  }
0x56: {  	s8 =	sadd.s32 $0xFFFFFFFD, s12;
	p2 =	sne.s32 s5, $0xA3;
	s7 =	smov.u32 s28  }
0x57: {  	s9 =	sand.u32 $0x3, s8  }
0x58: {  	s10 =	sshll.u32 s9, $0xC;
	s11 =	sadd.s32 $0x1, s9  }
0x59: {  	s13 =	sadd.s32 $0xFFFFFFFE, s12;
	s9 =	sadd.s32 $0x5, s9;
	_ =	swait.ge [sflag:s11], $0x1000  }
0x5a: {  	p1 =	sgt.u32 s8, $0x9C;
	s8 =	sadd.s32 $0x5000, s10;
	[sflag:s11] =	ssyncset.done $0x0  }
.Ltmp0:
0x5b: {  	s10 =	sand.u32 $0x3, s13;
	[sflag:s11] =	ssyncadd.s32 $0xFFFFF000;
	(pc) =	sbr.rel @p2 .LBB2_2-.Ltmp0, $4  }
0x5c: {  	[spmem:s2] =	stream.indirect.scatter.add.f32 [tilespmem:s8], [sflag:s9], $0x40, s6, s21, $0xb8;
	[tilespmem:$0x1C8A0] =	vst v63  }
0x5d: {  	s8 =	sadd.s32 $0x5, s10;
	s9 =	sand.u32 @!p1 $0x3, s12;
	s6 =	sadd.s32 $0x40, s6  }
0x5e: {  	s10 =	sshll.u32 @!p1 s9, $0xC;
	s9 =	sadd.s32 @!p1 $0x1, s9;
	_ =	swait.ge [sflag:s8], $0x1000  }
0x5f: {  	s11 =	simm.s32 @!p1 $0x40;
	s10 =	sadd.s32 @!p1 $0x5000, s10;
	[sflag:s8] =	ssyncset.done $0x0  }
0x60: {  	[sflag:s8] =	ssyncadd.s32 $0xFFFFF000  }
0x61: {  	[tilespmem:s10], [sflag:s9] =	stream.indirect.gather @!p1 [spmem:s3], $0x40, s7, s11, $0xb8;
	[tilespmem:$0x1C8A0] =	vst v63  }
0x62: {  	_ =	swait.ge [sflag:s29], $0x1000  }
0x63: {  	[sflag:s29] =	ssyncset.done $0x0  }
0x64: {  	[sflag:s29] =	ssyncadd.s32 $0xFFFFF000  }
0x65: {  	_ =	swait.ge [sflag:s31], $0x1000  }
0x66: {  	[sflag:s31] =	ssyncset.done $0x0  }
0x67: {  	[sflag:s31] =	ssyncadd.s32 $0xFFFFF000  }
0x68: {  	_ =	swait.ge [sflag:s0], $0x1000  }
0x69: {  	[sflag:s0] =	ssyncset.done $0x0  }
0x6a: {  	[sflag:s0] =	ssyncadd.s32 $0xFFFFF000  }
0x6b: {  	[bflag:$0x0] =	sbarrier.arrive $0xFFFF  }
0x6c: {  	s5 =	simm.s32 @p0 $0x1FC9;
	s6 =	rddreg [dreg:$0xb]  }
0x6d: {  	[hbm:s6], [sflag:s5] =	dma.local @p0 [spmem:s14], $0x1040  }
0x6e: {  	s5 =	simm.s32 @p0 $0x9  }
0x6f: {  	_ =	swait.ge @p0 [sflag:s5], $0x1040  }
0x70: {  	[sflag:s5] =	ssyncset.done @p0 $0x0  }
0x71: {  	[sflag:s5] =	ssyncadd.s32 @p0 $0xFFFFEFC0;
	s5 =	rddreg [dreg:$0xa]  }
0x72: {  	[hbm:s5], [sflag:s16] =	dma.local @!p0 [spmem:s17], $0x13C0  }
0x73: {  	s5 =	simm.s32 @!p0 $0x9  }
0x74: {  	_ =	swait.ge @!p0 [sflag:s5], $0x13C0  }
0x75: {  	s24 =	sadd.s32 $0x1, s24;
	s28 =	rddreg [dreg:$0xc]  }
0x76: {  	p1 =	sne.s32 s24, s28  }
.Ltmp1:
0x77: {  	_ = 	snop;
	(pc) =	sbr.rel @p1 .LBB2_1-.Ltmp1, $3  }
0x78: {  	_ =	sdelay $0x1  }
0x79: {  	[sflag:s5] =	ssyncset.done @!p0 $0x0  }
0x7a: {  	[sflag:s5] =	ssyncadd.s32 @!p0 $0xFFFFEC40  }
0x7b: {  	_ =	sfence.sel $0x180000  }
0x7c: {  	[bflag:$0x0] =	sbarrier.arrive $0xFFFF  }
0x7d: {  	_ =	strace $0x90000047  }
0x7e: {  	s0 =	stileid.u32;
	[bflag:$0x2] =	sbarrier.arrive $0xFFFF  }
0x7f: {  	p0 =	sne.s32 s0, $0x0;
	s0 =	rddreg [dreg:$0x3]  }
0x80: {  	s0 =	sadd.s32 @!p0 $0x100000, s0  }
0x81: {  	[sflag:s0] =	ssyncadd.tile.s32 @!p0 $0x1;
	_ =	shalt  }
.Lfunc_end2:
_tile_overlayer_lowered:
.L_overlay_start_2:
0x82: {  	(tag) =	ssettag $0x2  }
0x83: {  	s0 =	rddreg [dreg:$0x0];
	s2 =	stileid.u32  }
0x84: {  	s1 =	rddreg [dreg:$0x1];
	p0 =	sne.s32 s2, $0x0  }
0x85: {  	s3 =	rddreg [dreg:$0x2];
	[bflag:$0x3] =	sbarrier.arrive $0xFFFF;
	s2 =	simm.s32 @!p0 $0x1C09  }
0x86: {  	[timem:s3], [sflag:s2] =	dma.local @!p0 [hbm:s0], s1  }
0x87: {  	s0 =	simm.s32 @!p0 $0x9  }
0x88: {  	_ =	swait.ge @!p0 [sflag:s0], s1  }
0x89: {  	s1 =	ssub.s32 @!p0 $0x0, s1;
	[sflag:s0] =	ssyncset.done @!p0 $0x0  }
0x8a: {  	[sflag:s0] =	ssyncadd.s32 @!p0 s1  }
0x8b: {  	[bflag:$0x3] =	sbarrier.arrive $0xFFFF  }
0x8c: {  	_ =	shalt  }

// kernel: edge_agg_w64.7.cloned.1.call-start
scs
__scs_entry_jumppad:
0x0: {  	(pc) =	sbr.rel $0x88, $3  }
0x1: {  	(tag) =	ssettag $0x0;
	lr =	simm.s32 $0x1  }
0x2: {  	[smem:$0x3F74] =	sst lr;
	_ =	strace $0xD0000000  }
0x3: {  	_ = 	snop  }
0x4: {  	_ = 	snop  }
0x5: {  	_ = 	snop  }
0x6: {  	_ = 	snop  }
0x7: {  	_ = 	snop  }
__scs_overlays_trampoline_lowered:
0x8: {  	[smem:$0x3F83] =	sst s0  }
0x9: {  	[smem:$0x3F84] =	sst s1  }
0xa: {  	[smem:$0x3F85] =	sst s2  }
0xb: {  	[smem:$0x3F86] =	sst s3  }
0xc: {  	[smem:$0x3F87] =	sst s4  }
0xd: {  	[smem:$0x3F88] =	sst s5  }
0xe: {  	[smem:$0x3F89] =	sst s6  }
0xf: {  	[smem:$0x3F8A] =	sst s7  }
0x10: {  	[smem:$0x3F8B] =	sst s8  }
0x11: {  	[smem:$0x3F8C] =	sst s9;
	s0 =	simm.s32 @!p0 $0x0  }
0x12: {  	s1 =	sld [smem:$0x3F72];
	s0 =	simm.s32 @p0 $0x1  }
0x13: {  	[smem:$0x3F8D] =	sst s0;
	s0 =	simm.s32 @!p1 $0x0  }
0x14: {  	s2 =	sld [smem:$0x3F71];
	s0 =	simm.s32 @p1 $0x1  }
0x15: {  	[smem:$0x3F8E] =	sst s0;
	s0 =	simm.s32 @!p2 $0x0  }
0x16: {  	s3 =	sld [smem:$0x3FDB];
	s0 =	simm.s32 @p2 $0x1  }
0x17: {  	s4 =	simm.s32 $0x1BF5;
	[smem:$0x3F90] =	sst s0  }
0x18: {  	s0 =	sld [smem:$0x3F73];
	_ =	swait.ge [sflag:s4], $0x0  }
0x19: {  	s7 =	sld [smem:$0x3F74]  }
0x1a: {  	s8 =	sadd.s32 $0xFFFFE003, lr  }
0x1b: {  	s9 =	sadd.s32 $0xFFFFFEF7, lr;
	s5 =	simm.s32 $0xFFFFFFFF;
	p2 =	slt.u32 s8, $0xFFFFF086  }
0x1c: {  	p1 =	slt.u32 s9, $0xF7A;
	s5 =	simm.s32 @!p2 $0x0  }
0x1d: {  	s5 =	simm.s32 @p1 $0x1;
	p0 =	seq.s32 s7, s2  }
0x1e: {  	s7 =	smul.u32 @!p0 $0xF7A, s2;
	p2 =	seq.s32 @!p0 s5, $0x0  }
0x1f: {  	s9 =	smul.u32 $0xF7A, s1;
	s8 =	simm.s32 @!p0 $0x1BF5;
	p2 =	por !p2, p0  }
0x20: {  	[sflag:s8] =	ssyncset.s32 @!p0 $0xFFFFF086;
	s6 =	sadd.s32 @!p0 s3, s7;
	s7 =	simm.s32 @!p0 $0x108  }
0x21: {  	s3 =	sadd.s32 s3, s9;
	s6 =	sadd.s32 @!p0 $0x88, s6;
	s7 =	simm.s32 @p2 $0x1082  }
0x22: {  	[simem:s7], [sflag:s8] =	dma.local @!p0 [hbm:s6], $0xF7A  }
0x23: {  	s9 =	sor.u32 $0xD0000000, s2;
	s6 =	simm.s32 $0x108;
	_ =	swait.ge @!p0 [sflag:s8], $0x0  }
0x24: {  	s3 =	sadd.s32 $0x88, s3;
	s6 =	simm.s32 @!p1 $0x1082;
	[sflag:s4] =	ssyncset.s32 $0xFFFFF086  }
0x25: {  	[simem:s6], [sflag:s4] =	dma.local [hbm:s3], $0xF7A  }
0x26: {  	[smem:$0x3F74] =	sst s1;
	(tag) =	ssettag s2;
	_ =	strace s9  }
0x27: {  	s1 =	sld [smem:$0x3F84]  }
0x28: {  	s2 =	sld [smem:$0x3F85]  }
0x29: {  	s4 =	sld [smem:$0x3F87]  }
0x2a: {  	p0 =	seq.s32 s5, $0x0;
	s5 =	sld [smem:$0x3F88]  }
0x2b: {  	s6 =	sld [smem:$0x3F89]  }
0x2c: {  	s7 =	sld [smem:$0x3F8A]  }
0x2d: {  	s3 =	simm.s32 $0x108;
	s8 =	sld [smem:$0x3F8B]  }
0x2e: {  	s3 =	simm.s32 @!p0 $0x1082;
	s9 =	sld [smem:$0x3F8C]  }
0x2f: {  	lr =	sadd.s32 s0, s3;
	s0 =	sld [smem:$0x3F83]  }
0x30: {  	s3 =	sld [smem:$0x3F86]  }
0x31: {  	[smem:$0x3F8F] =	sst s10  }
0x32: {  	s10 =	sld [smem:$0x3F8D];
	_ =	sdelay $0x3  }
0x33: {  	p0 =	seq.s32 s10, $0x1;
	s10 =	sld [smem:$0x3F8F];
	_ =	sdelay $0x3  }
0x34: {  	[smem:$0x3F8F] =	sst s10  }
0x35: {  	s10 =	sld [smem:$0x3F8E];
	_ =	sdelay $0x3  }
0x36: {  	p1 =	seq.s32 s10, $0x1;
	s10 =	sld [smem:$0x3F8F];
	_ =	sdelay $0x3  }
0x37: {  	[smem:$0x3F8F] =	sst s10  }
0x38: {  	s10 =	sld [smem:$0x3F90]  }
0x39: {  	_ = 	snop;
	(pc) =	sbr.ind lr, $3  }
0x3a: {  	_ = 	snop  }
0x3b: {  	_ = 	snop  }
0x3c: {  	p2 =	seq.s32 s10, $0x1;
	s10 =	sld [smem:$0x3F8F]  }
0x3d: {  	_ =	shalt  }
0x3e: {  	_ =	shalt  }
0x3f: {  	_ =	shalt  }
0x40: {  	_ =	shalt  }
0x41: {  	_ =	shalt  }
0x42: {  	_ =	shalt  }
0x43: {  	_ =	shalt  }
0x44: {  	_ =	shalt  }
0x45: {  	_ =	shalt  }
0x46: {  	_ =	shalt  }
0x47: {  	_ =	shalt  }
0x48: {  	_ =	shalt  }
0x49: {  	_ =	shalt  }
0x4a: {  	_ =	shalt  }
0x4b: {  	_ =	shalt  }
0x4c: {  	_ =	shalt  }
0x4d: {  	_ =	shalt  }
0x4e: {  	_ =	shalt  }
0x4f: {  	_ =	shalt  }
0x50: {  	_ =	shalt  }
0x51: {  	_ =	shalt  }
0x52: {  	_ =	shalt  }
0x53: {  	_ =	shalt  }
0x54: {  	_ =	shalt  }
0x55: {  	_ =	shalt  }
0x56: {  	_ =	shalt  }
0x57: {  	_ =	shalt  }
0x58: {  	_ =	shalt  }
0x59: {  	_ =	shalt  }
0x5a: {  	_ =	shalt  }
0x5b: {  	_ =	shalt  }
0x5c: {  	_ =	shalt  }
0x5d: {  	_ =	shalt  }
0x5e: {  	_ =	shalt  }
0x5f: {  	_ =	shalt  }
0x60: {  	_ =	shalt  }
0x61: {  	_ =	shalt  }
0x62: {  	_ =	shalt  }
0x63: {  	_ =	shalt  }
0x64: {  	_ =	shalt  }
0x65: {  	_ =	shalt  }
0x66: {  	_ =	shalt  }
0x67: {  	_ =	shalt  }
0x68: {  	_ =	shalt  }
0x69: {  	_ =	shalt  }
0x6a: {  	_ =	shalt  }
0x6b: {  	_ =	shalt  }
0x6c: {  	_ =	shalt  }
0x6d: {  	_ =	shalt  }
0x6e: {  	_ =	shalt  }
0x6f: {  	_ =	shalt  }
0x70: {  	_ =	shalt  }
0x71: {  	_ =	shalt  }
0x72: {  	_ =	shalt  }
0x73: {  	_ =	shalt  }
0x74: {  	_ =	shalt  }
0x75: {  	_ =	shalt  }
0x76: {  	_ =	shalt  }
0x77: {  	_ =	shalt  }
0x78: {  	_ =	shalt  }
0x79: {  	_ =	shalt  }
0x7a: {  	_ =	shalt  }
0x7b: {  	_ =	shalt  }
0x7c: {  	_ =	shalt  }
0x7d: {  	_ =	shalt  }
0x7e: {  	_ =	shalt  }
0x7f: {  	_ =	shalt  }
0x80: {  	_ =	shalt  }
0x81: {  	_ =	shalt  }
0x82: {  	_ =	shalt  }
0x83: {  	_ =	shalt  }
0x84: {  	_ =	shalt  }
0x85: {  	_ =	shalt  }
0x86: {  	_ =	shalt  }
0x87: {  	_ =	shalt  }
.Lfunc_end0:
.L_simem_size_0:
called_computation.1_lowered:
.L_overlay_start_0:
0x88: {  	s2 =	sld [smem:$0x3FD9]  }
0x89: {  	s3 =	sld [smem:$0x3FFE];
	_ =	sdelay $0x1  }
0x8a: {  	s1 =	srdreg.scid  }
0x8b: {  	s0 =	sand.u32 $0x1, s1  }
0x8c: {  	s16 =	sshll.u32 s0, $0xA;
	s2 =	sadd.s32 s3, s2  }
0x8d: {  	s2 =	sadd.s32 s2, s16  }
0x8e: {  	[smem:$0x3F9B] =	sst s2  }
0x8f: {  	_ = 	snop  }
0x90: {  	(tm) =	ssettm $0x1  }
0x91: {  	s17 =	sld [smem:$0x3FFB];
	_ =	sdelay $0x3  }
0x92: {  	_ =	strace s17  }
0x93: {  	s2 =	sld [smem:$0x3FFC];
	_ =	sdelay $0x3  }
0x94: {  	_ =	strace s2  }
0x95: {  	s2 =	sld [smem:$0x3FFD];
	_ =	sdelay $0x3  }
0x96: {  	_ =	strace s2  }
0x97: {  	_ =	strace $0x8FFFFFFF  }
0x98: {  	s18 =	sld [smem:$0x3FDB];
	_ =	sdelay $0x1  }
0x99: {  	s19 =	simm.s32 $_scs_section_size  }
0x9a: {  	s4 =	simm.s32 $_size__tile_overlayer_lowered;
	s5 =	simm.s32 $_tile_overlayer_lowered  }
0x9b: {  	s22 =	simm.s32 $0x1BFF;
	s21 =	sshll.u32 s5, $0x1;
	s2 =	sadd.s32 s19, s18  }
0x9c: {  	s6 =	simm.s32 $0x0;
	s20 =	sshll.u32 s4, $0x1;
	s4 =	sadd.s32 s21, s2  }
0x9d: {  	[timem:s6], [sflag:s22] =	dma.local [hbm:s4], s20  }
0x9e: {  	_ =	swait.ge [sflag:s22], s20  }
0x9f: {  	s3 =	ssub.s32 $0x0, s20;
	[sflag:s22] =	ssyncset.done $0x0  }
0xa0: {  	[sflag:s22] =	ssyncadd.s32 s3;
	_ =	sdelay $0x1  }
0xa1: {  	s23 =	simm.s32 $0x1B8B  }
0xa2: {  	_ =	swait.ge [sflag:s23], $0x1  }
0xa3: {  	[sflag:s23] =	ssyncset.done $0x0  }
0xa4: {  	s25 =	simm.s32 $0x1B8E;
	s24 =	sld [smem:$0x3FFE];
	[sflag:s23] =	ssyncadd.s32 $0xFFFFFFFF  }
0xa5: {  	s26 =	simm.s32 $execute0_lowered;
	[smem:$0x3FD2] =	sst s25  }
0xa6: {  	s4 =	sshll.u32 s26, $0x1;
	_ =	strace $0x80000049;
	[dreg:$0x1] =	wrdreg $0xFFFFFFFF  }
0xa7: {  	s28 =	simm.s32 $_size_execute0_lowered;
	s2 =	sadd.s32 s2, s4;
	[dreg:$0x0] =	wrdreg $0x0  }
0xa8: {  	s4 =	sshll.u32 s28, $0x1;
	[dreg:$0x2] =	wrdreg s2  }
0xa9: {  	[dreg:$0x3] =	wrdreg s4  }
0xaa: {  	[dreg:$0x4] =	wrdreg $0xC0  }
0xab: {  	_ =	task [dreg:s6], $0x5FFFF  }
0xac: {  	[dreg:$0x1] =	wrdreg $0xFFFFFFFF  }
0xad: {  	[dreg:$0x0] =	wrdreg $0x60  }
0xae: {  	[dreg:$0x2] =	wrdreg s24  }
0xaf: {  	[dreg:$0x3] =	wrdreg $0x90000  }
0xb0: {  	[dreg:$0x4] =	wrdreg $0x12C600  }
0xb1: {  	[dreg:$0x5] =	wrdreg $0x9  }
0xb2: {  	_ =	task.clear_ibuf [dreg:s6], $0x6FFFF;
	_ =	strace $0x90000049  }
0xb3: {  	s29 =	simm.s32 $0x9;
	_ =	strace $0x8000004B  }
0xb4: {  	_ =	swait.ge [sflag:s29], $0x1  }
0xb5: {  	[sflag:s29] =	ssyncadd.s32 $0xFFFFFFFF  }
0xb6: {  	_ =	strace $0x9000004B  }
0xb7: {  	_ =	sfence  }
0xb8: {  	s30 =	sld [smem:$0x0];
	_ =	sdelay $0x2  }
0xb9: {  	s31 =	sshll.u32 s1, $0xD;
	s1 =	sshrl.u32 s1, $0x2  }
0xba: {  	s3 =	sand.u32 $0x4000, s31;
	s1 =	sadd.s32 s1, s30  }
0xbb: {  	s0 =	sor.u32 s3, s0;
	s1 =	sshll.u32 s1, $0x11  }
0xbc: {  	s0 =	sor.u32 s1, s0  }
0xbd: {  	s0 =	sadd.s32 $0x8F2B, s0  }
0xbe: {  	[sflag:s0] =	ssyncadd.remote.s32 $0x1  }
0xbf: {  	_ =	sfence.sel $0xFFFF  }
0xc0: {  	[dreg:$0x0] =	wrdreg $0xFFFFFFFF;
	(pc) =	sbr.abs _section_cstart, $3  }
0xc1: {  	[dreg:$0x1] =	wrdreg $0xFFFFFFFF  }
0xc2: {  	_ =	task.clear_ibuf [dreg:s6], $0x2FFFF;
	_ =	strace $0x9FFFFFFF  }
0xc3: {  	(tm) =	ssettm $0x7FFFFFFF  }
tec
execute0_lowered:
.L_overlay_start_1:
0x0: {  	(tag) =	ssettag $0x1  }
0x1: {  	s0 =	rddreg [dreg:$0x0]  }
0x2: {  	s2 =	rddreg [dreg:$0x1]  }
0x3: {  	s3 =	rddreg [dreg:$0x2];
	s1 =	srdreg.scid  }
0x4: {  	s12 =	stileid.u32;
	s4 =	simm.s32 $0x0;
	s19 =	simm.s32 $0x9  }
0x5: {  	s20 =	simm.s32 $0x2800;
	s21 =	simm.s32 $0x40;
	s22 =	simm.s32 $0x5000  }
0x6: {  	s30 =	simm.s32 $0x2;
	s29 =	simm.s32 $0x6;
	s31 =	simm.s32 $0x7  }
0x7: {  	s1 =	sand.u32 $0x1, s1;
	s5 =	smul.u32 $0x9E00, s12;
	[smem:$0x7FF] =	sst s4  }
0x8: {  	s10 =	sadd.s32 $0x40C00, s0;
	s13 =	sadd.s32 $0x3FA40, s0;
	s15 =	sadd.s32 $0x94200, s3  }
0x9: {  	p0 =	seq.s32 s12, $0xF;
	s6 =	sshll.u32 s1, $0x4;
	s8 =	ssub.s32 $0x2, s1  }
0xa: {  	_ =	strace $0x8000004A;
	s1 =	smul.u32 $0x9C400, s1;
	[dreg:$0x6] =	wrdreg s13  }
0xb: {  	s15 =	sshrl.u32 @p0 s15, $0x3;
	s6 =	sor.u32 s12, s6;
	s7 =	sshrl.u32 s5, $0x3  }
0xc: {  	s9 =	sshrl.u32 s8, $0x1;
	s6 =	smul.u32 $0x500, s6;
	s7 =	sadd.s32 s7, s0  }
0xd: {  	s8 =	ssub.s32 s8, s9;
	s9 =	sadd.s32 s5, s2;
	s24 =	sadd.s32 s5, s1  }
0xe: {  	s1 =	sshrl.u32 s1, $0x3;
	s11 =	sadd.s32 $0x2D200, s7;
	s7 =	sadd.s32 $0x5800, s7  }
0xf: {  	s1 =	sadd.s32 s10, s1;
	s28 =	smax.u32 s8, $0x1;
	s17 =	sshrl.u32 @!p0 s9, $0x3  }
0x10: {  	s6 =	sadd.s32 s6, s0;
	[dreg:$0x4] =	wrdreg s11;
	s11 =	sadd.s32 s5, s3  }
0x11: {  	[dreg:$0x5] =	wrdreg s7;
	s7 =	sadd.s32 $0x94200, s2;
	s0 =	sadd.s32 $0x18040, s0  }
0x12: {  	s26 =	sadd.s32 $0x12840, s1;
	[dreg:$0xc] =	wrdreg s28;
	s1 =	simm.s32 $0x3  }
0x13: {  	[dreg:$0x7] =	wrdreg s0;
	s23 =	sadd.s32 $0x19200, s6;
	s25 =	sadd.s32 $0x23200, s6  }
0x14: {  	s0 =	sshrl.u32 s24, $0x3;
	[dreg:$0xb] =	wrdreg s26;
	s14 =	sshrl.u32 @p0 s7, $0x3  }
0x15: {  	s18 =	sshrl.u32 @!p0 s11, $0x3;
	s26 =	simm.s32 $0x1;
	[dreg:$0x8] =	wrdreg s23  }
0x16: {  	s24 =	simm.s32 $0x0;
	[dreg:$0x9] =	wrdreg s25;
	s0 =	sadd.s32 s10, s0  }
0x17: {  	s23 =	simm.s32 $0x6000;
	[dreg:$0xa] =	wrdreg s0;
	s0 =	sshll.u32 @!p0 s12, $0x6  }
0x18: {  	s25 =	simm.s32 $0x7000;
	s16 =	sor.u32 @!p0 $0x1C09, s0;
	s0 =	simm.s32 $0x8  }
.LBB2_1:
0x19: {  	s5 =	simm.s32 @p0 $0x1FC9;
	s6 =	rddreg [dreg:$0x6]  }
0x1a: {  	[spmem:s14], [sflag:s5] =	dma.local @p0 [hbm:s6], $0x1080  }
0x1b: {  	s6 =	simm.s32 @p0 $0x9  }
0x1c: {  	_ =	swait.ge @p0 [sflag:s6], $0x1080  }
0x1d: {  	[sflag:s6] =	ssyncset.done @p0 $0x0  }
0x1e: {  	s7 =	rddreg [dreg:$0x7];
	[sflag:s6] =	ssyncadd.s32 @p0 $0xFFFFEF80  }
0x1f: {  	[spmem:s15], [sflag:s5] =	dma.local @p0 [hbm:s7], $0x1040  }
0x20: {  	_ =	swait.ge @p0 [sflag:s6], $0x1040  }
0x21: {  	[sflag:s6] =	ssyncset.done @p0 $0x0  }
0x22: {  	s5 =	rddreg [dreg:$0x4];
	[sflag:s6] =	ssyncadd.s32 @p0 $0xFFFFEFC0  }
0x23: {  	[spmem:s17], [sflag:s16] =	dma.local @!p0 [hbm:s5], $0x13C0  }
0x24: {  	s5 =	simm.s32 @!p0 $0x9  }
0x25: {  	_ =	swait.ge @!p0 [sflag:s5], $0x13C0  }
0x26: {  	[sflag:s5] =	ssyncset.done @!p0 $0x0  }
0x27: {  	s6 =	rddreg [dreg:$0x5];
	[sflag:s5] =	ssyncadd.s32 @!p0 $0xFFFFEC40  }
0x28: {  	[spmem:s18], [sflag:s16] =	dma.local @!p0 [hbm:s6], $0x13C0  }
0x29: {  	_ =	swait.ge @!p0 [sflag:s5], $0x13C0  }
0x2a: {  	[sflag:s5] =	ssyncset.done @!p0 $0x0  }
0x2b: {  	s9 =	rddreg [dreg:$0x8];
	[sflag:s5] =	ssyncadd.s32 @!p0 $0xFFFFEC40  }
0x2c: {  	[tilespmem:s4], [sflag:$0x9] =	stream.linear.gather [hbm4b:s9+s4], $0x2800, $0x38;
	[tilespmem:$0x1C8A0] =	vst v63  }
0x2d: {  	_ =	swait.ge [sflag:s19], $0x2800  }
0x2e: {  	[sflag:s19] =	ssyncset.done $0x0  }
0x2f: {  	s10 =	rddreg [dreg:$0x9];
	[sflag:s19] =	ssyncadd.s32 $0xFFFFD800  }
0x30: {  	[tilespmem:s20], [sflag:$0x9] =	stream.linear.gather [hbm4b:s10+s4], $0x2800, $0x38;
	[tilespmem:$0x1C8A0] =	vst v63  }
0x31: {  	_ =	swait.ge [sflag:s19], $0x2800  }
0x32: {  	[sflag:s19] =	ssyncset.done $0x0  }
0x33: {  	[sflag:s19] =	ssyncadd.s32 $0xFFFFD800  }
0x34: {  	[bflag:$0x0] =	sbarrier.arrive $0xFFFF  }
0x35: {  	[tilespmem:s22], [sflag:$0x1] =	stream.indirect.gather [spmem:s3], $0x40, s4, s21, $0xb8;
	[tilespmem:$0x1C8A0] =	vst v63  }
0x36: {  	_ = 	snop  }
0x37: {  	[tilespmem:s23], [sflag:$0x2] =	stream.indirect.gather [spmem:s3], $0x40, s21, s21, $0xb8;
	[tilespmem:$0x1C8A0] =	vst v63  }
0x38: {  	s11 =	simm.s32 $0x80  }
0x39: {  	[tilespmem:s25], [sflag:$0x3] =	stream.indirect.gather [spmem:s3], $0x40, s11, s21, $0xb8;
	[tilespmem:$0x1C8A0] =	vst v63  }
0x3a: {  	_ =	swait.ge [sflag:s26], $0x1000  }
0x3b: {  	[sflag:s26] =	ssyncset.done $0x0  }
0x3c: {  	[sflag:s26] =	ssyncadd.s32 $0xFFFFF000  }
0x3d: {  	[spmem:s2] =	stream.indirect.scatter.add.f32 [tilespmem:s22], [sflag:$0x5], $0x40, s20, s21, $0xb8;
	[tilespmem:$0x1C8A0] =	vst v63  }
0x3e: {  	s12 =	simm.s32 $0xC0;
	s13 =	simm.s32 $0x8000  }
0x3f: {  	[tilespmem:s13], [sflag:$0x4] =	stream.indirect.gather [spmem:s3], $0x40, s12, s21, $0xb8;
	[tilespmem:$0x1C8A0] =	vst v63  }
0x40: {  	_ =	swait.ge [sflag:s30], $0x1000  }
0x41: {  	[sflag:s30] =	ssyncset.done $0x0  }
0x42: {  	s6 =	simm.s32 $0x2840;
	[sflag:s30] =	ssyncadd.s32 $0xFFFFF000  }
0x43: {  	[spmem:s2] =	stream.indirect.scatter.add.f32 [tilespmem:s23], [sflag:$0x6], $0x40, s6, s21, $0xb8;
	[tilespmem:$0x1C8A0] =	vst v63  }
0x44: {  	s7 =	simm.s32 $0x100  }
0x45: {  	[tilespmem:s22], [sflag:$0x1] =	stream.indirect.gather [spmem:s3], $0x40, s7, s21, $0xb8;
	[tilespmem:$0x1C8A0] =	vst v63  }
0x46: {  	s8 =	simm.s32 $0x2880;
	s28 =	simm.s32 $0x180;
	_ =	swait.ge [sflag:s1], $0x1000  }
0x47: {  	p1 =	por $0x0, $0x0;
	s10 =	simm.s32 $0x3;
	[sflag:s1] =	ssyncset.done $0x0  }
0x48: {  	s9 =	simm.s32 $0x140;
	s5 =	sand.u32 $0x3, s10;
	[sflag:s1] =	ssyncadd.s32 $0xFFFFF000  }
0x49: {  	[spmem:s2] =	stream.indirect.scatter.add.f32 [tilespmem:s25], [sflag:$0x7], $0x40, s8, s21, $0xb8;
	[tilespmem:$0x1C8A0] =	vst v63  }
0x4a: {  	s11 =	sadd.s32 $0x1, s5;
	s12 =	simm.s32 $0x28C0;
	s7 =	sand.u32 @!p1 $0x3, s29  }
0x4b: {  	[tilespmem:s23], [sflag:$0x2] =	stream.indirect.gather [spmem:s3], $0x40, s9, s21, $0xb8;
	[tilespmem:$0x1C8A0] =	vst v63  }
0x4c: {  	s10 =	sshll.u32 @!p1 s7, $0xC;
	s8 =	sshll.u32 s5, $0xC;
	_ =	swait.ge [sflag:s11], $0x1000  }
0x4d: {  	s5 =	sadd.s32 $0x5, s5;
	s9 =	simm.s32 $0x4;
	[sflag:s11] =	ssyncset.done $0x0  }
0x4e: {  	s8 =	sadd.s32 $0x5000, s8;
	s13 =	sand.u32 $0x3, s9;
	[sflag:s11] =	ssyncadd.s32 $0xFFFFF000  }
0x4f: {  	[spmem:s2] =	stream.indirect.scatter.add.f32 [tilespmem:s8], [sflag:s5], $0x40, s12, s21, $0xb8;
	[tilespmem:$0x1C8A0] =	vst v63  }
0x50: {  	s6 =	simm.s32 $0x2900;
	s10 =	sadd.s32 @!p1 $0x5000, s10;
	s8 =	sadd.s32 $0x5, s13  }
0x51: {  	s9 =	sadd.s32 @!p1 $0x1, s7;
	s7 =	simm.s32 $0x180;
	_ =	swait.ge [sflag:s8], $0x1000  }
0x52: {  	s11 =	simm.s32 @!p1 $0x40;
	s5 =	simm.s32 $0x7;
	[sflag:s8] =	ssyncset.done $0x0  }
.LBB2_2:
0x53: {  	[sflag:s8] =	ssyncadd.s32 $0xFFFFF000  }
0x54: {  	s28 =	sadd.s32 $0x40, s28;
	s12 =	smov.u32 s5;
	s5 =	sadd.s32 $0x1, s5  }
0x55: {  	[tilespmem:s10], [sflag:s9] =	stream.indirect.gather @!p1 [spmem:s3], $0x40, s7, s11, $0xb8;
	[tilespmem:$0x1C8A0] =	vst v63  }
0x56: {  	s8 =	sadd.s32 $0xFFFFFFFD, s12;
	p2 =	sne.s32 s5, $0xA3;
	s7 =	smov.u32 s28  }
0x57: {  	s9 =	sand.u32 $0x3, s8  }
0x58: {  	s10 =	sshll.u32 s9, $0xC;
	s11 =	sadd.s32 $0x1, s9  }
0x59: {  	s13 =	sadd.s32 $0xFFFFFFFE, s12;
	s9 =	sadd.s32 $0x5, s9;
	_ =	swait.ge [sflag:s11], $0x1000  }
0x5a: {  	p1 =	sgt.u32 s8, $0x9C;
	s8 =	sadd.s32 $0x5000, s10;
	[sflag:s11] =	ssyncset.done $0x0  }
.Ltmp0:
0x5b: {  	s10 =	sand.u32 $0x3, s13;
	[sflag:s11] =	ssyncadd.s32 $0xFFFFF000;
	(pc) =	sbr.rel @p2 .LBB2_2-.Ltmp0, $4  }
0x5c: {  	[spmem:s2] =	stream.indirect.scatter.add.f32 [tilespmem:s8], [sflag:s9], $0x40, s6, s21, $0xb8;
	[tilespmem:$0x1C8A0] =	vst v63  }
0x5d: {  	s8 =	sadd.s32 $0x5, s10;
	s9 =	sand.u32 @!p1 $0x3, s12;
	s6 =	sadd.s32 $0x40, s6  }
0x5e: {  	s10 =	sshll.u32 @!p1 s9, $0xC;
	s9 =	sadd.s32 @!p1 $0x1, s9;
	_ =	swait.ge [sflag:s8], $0x1000  }
0x5f: {  	s11 =	simm.s32 @!p1 $0x40;
	s10 =	sadd.s32 @!p1 $0x5000, s10;
	[sflag:s8] =	ssyncset.done $0x0  }
0x60: {  	[sflag:s8] =	ssyncadd.s32 $0xFFFFF000  }
0x61: {  	[tilespmem:s10], [sflag:s9] =	stream.indirect.gather @!p1 [spmem:s3], $0x40, s7, s11, $0xb8;
	[tilespmem:$0x1C8A0] =	vst v63  }
0x62: {  	_ =	swait.ge [sflag:s29], $0x1000  }
0x63: {  	[sflag:s29] =	ssyncset.done $0x0  }
0x64: {  	[sflag:s29] =	ssyncadd.s32 $0xFFFFF000  }
0x65: {  	_ =	swait.ge [sflag:s31], $0x1000  }
0x66: {  	[sflag:s31] =	ssyncset.done $0x0  }
0x67: {  	[sflag:s31] =	ssyncadd.s32 $0xFFFFF000  }
0x68: {  	_ =	swait.ge [sflag:s0], $0x1000  }
0x69: {  	[sflag:s0] =	ssyncset.done $0x0  }
0x6a: {  	[sflag:s0] =	ssyncadd.s32 $0xFFFFF000  }
0x6b: {  	[bflag:$0x0] =	sbarrier.arrive $0xFFFF  }
0x6c: {  	s5 =	simm.s32 @p0 $0x1FC9;
	s6 =	rddreg [dreg:$0xb]  }
0x6d: {  	[hbm:s6], [sflag:s5] =	dma.local @p0 [spmem:s14], $0x1040  }
0x6e: {  	s5 =	simm.s32 @p0 $0x9  }
0x6f: {  	_ =	swait.ge @p0 [sflag:s5], $0x1040  }
0x70: {  	[sflag:s5] =	ssyncset.done @p0 $0x0  }
0x71: {  	[sflag:s5] =	ssyncadd.s32 @p0 $0xFFFFEFC0;
	s5 =	rddreg [dreg:$0xa]  }
0x72: {  	[hbm:s5], [sflag:s16] =	dma.local @!p0 [spmem:s17], $0x13C0  }
0x73: {  	s5 =	simm.s32 @!p0 $0x9  }
0x74: {  	_ =	swait.ge @!p0 [sflag:s5], $0x13C0  }
0x75: {  	s24 =	sadd.s32 $0x1, s24;
	s28 =	rddreg [dreg:$0xc]  }
0x76: {  	p1 =	sne.s32 s24, s28  }
.Ltmp1:
0x77: {  	_ = 	snop;
	(pc) =	sbr.rel @p1 .LBB2_1-.Ltmp1, $3  }
0x78: {  	_ =	sdelay $0x1  }
0x79: {  	[sflag:s5] =	ssyncset.done @!p0 $0x0  }
0x7a: {  	[sflag:s5] =	ssyncadd.s32 @!p0 $0xFFFFEC40  }
0x7b: {  	_ =	sfence.sel $0x180000  }
0x7c: {  	[bflag:$0x0] =	sbarrier.arrive $0xFFFF  }
0x7d: {  	_ =	strace $0x9000004A  }
0x7e: {  	s0 =	stileid.u32;
	[bflag:$0x2] =	sbarrier.arrive $0xFFFF  }
0x7f: {  	p0 =	sne.s32 s0, $0x0;
	s0 =	rddreg [dreg:$0x3]  }
0x80: {  	s0 =	sadd.s32 @!p0 $0x100000, s0  }
0x81: {  	[sflag:s0] =	ssyncadd.tile.s32 @!p0 $0x1;
	_ =	shalt  }
.Lfunc_end2:
_tile_overlayer_lowered:
.L_overlay_start_2:
0x82: {  	(tag) =	ssettag $0x2  }
0x83: {  	s0 =	rddreg [dreg:$0x0];
	s2 =	stileid.u32  }
0x84: {  	s1 =	rddreg [dreg:$0x1];
	p0 =	sne.s32 s2, $0x0  }
0x85: {  	s3 =	rddreg [dreg:$0x2];
	[bflag:$0x3] =	sbarrier.arrive $0xFFFF;
	s2 =	simm.s32 @!p0 $0x1C09  }
0x86: {  	[timem:s3], [sflag:s2] =	dma.local @!p0 [hbm:s0], s1  }
0x87: {  	s0 =	simm.s32 @!p0 $0x9  }
0x88: {  	_ =	swait.ge @!p0 [sflag:s0], s1  }
0x89: {  	s1 =	ssub.s32 @!p0 $0x0, s1;
	[sflag:s0] =	ssyncset.done @!p0 $0x0  }
0x8a: {  	[sflag:s0] =	ssyncadd.s32 @!p0 s1  }
0x8b: {  	[bflag:$0x3] =	sbarrier.arrive $0xFFFF  }
0x8c: {  	_ =	shalt  }

</sc_bundles>
